<compile_context>
chip_gen: v7x
topology: tpu7x:2x2x1
jax: 0.10.2.dev20260603
libtpu: 0.0.44.dev20260713+nightly
codegen_flags: <defaults>
</compile_context>

<pallas_src>
import functools

import jax
import jax.numpy as jnp
from jax import lax
from jax.experimental import pallas as pl
from jax.experimental.pallas import tpu as pltpu
from jax.experimental.pallas import tpu_sc as plsc

_NC = 2
_NS = 16
_ROWS = 400


_CH = 128
_CPW = 80
_RCHUNK = 80


_SINK = 80


def _segment_sum_sc(h, eidx):
    N, D = h.shape
    E = eidx.shape[1]
    NW = _NC * _NS
    n_ec = E // _CH
    assert n_ec == NW * _CPW and n_ec * _CH == E
    NP = N + _SINK
    n_oc = N // _RCHUNK
    assert n_oc * _RCHUNK == N and D % 16 == 0
    oc_full, oc_rem = divmod(n_oc, _NS)
    n_pairs = _CPW // 2
    mesh = plsc.VectorSubcoreMesh(core_axis_name="c", subcore_axis_name="s")

    @functools.partial(
        pl.kernel,
        out_type=jax.ShapeDtypeStruct((_NC, N, D), jnp.float32),
        mesh=mesh,
        scratch_types=[
            pltpu.VMEM((2, _CH), jnp.int32),
            pltpu.VMEM((2, _CH), jnp.int32),
            pltpu.VMEM((_CH, D), jnp.float32),
            pltpu.VMEM((_CH, D), jnp.float32),
            pltpu.VMEM((_RCHUNK, D), jnp.float32),
            pltpu.VMEM_SHARED((NP, D), jnp.float32),
            pltpu.SemaphoreType.DMA,
            pltpu.SemaphoreType.DMA,
        ],
    )
    def k(h_hbm, eidx_hbm, out_hbm, ib0, ib1, rows0, rows1, zbuf, agg_sh,
          sg0, sg1):
        cid = lax.axis_index("c")
        sid = lax.axis_index("s")
        wid = cid * _NS + sid

        def load_idx(c, ib):
            pltpu.sync_copy(eidx_hbm.at[:, pl.ds(c * _CH, _CH)], ib)

        def gather(ib, rows, sg):
            return pltpu.make_async_copy(h_hbm.at[ib.at[0]], rows, sg)

        def scatter_add(ib, rows):
            pltpu.sync_copy(rows, agg_sh.at[ib.at[1]], add=True)

        load_idx(wid, ib0)
        gather(ib0, rows0, sg0).start()
        load_idx(NW + wid, ib1)
        gather(ib1, rows1, sg1).start()

        @pl.loop(0, _RCHUNK)
        def _(i):
            @pl.loop(0, D, step=16)
            def _(j):
                zbuf[i, pl.ds(j, 16)] = jnp.zeros((16,), jnp.float32)

        def zero_rows(c, n):
            pltpu.sync_copy(zbuf.at[pl.ds(0, n)],
                            agg_sh.at[pl.ds(c * _RCHUNK, n)])

        @pl.loop(0, oc_full)
        def _(t):
            zero_rows(t * _NS + sid, _RCHUNK)

        @pl.when(sid < oc_rem)
        def _():
            zero_rows(oc_full * _NS + sid, _RCHUNK)

        @pl.when(sid == _NS - 1)
        def _():
            zero_rows(n_oc, _SINK)

        plsc.subcore_barrier()

        @pl.loop(0, n_pairs)
        def _(t):
            gather(ib0, rows0, sg0).wait()
            scatter_add(ib0, rows0)

            @pl.when(t < n_pairs - 1)
            def _():
                load_idx((2 * t + 2) * NW + wid, ib0)
                gather(ib0, rows0, sg0).start()

            gather(ib1, rows1, sg1).wait()
            scatter_add(ib1, rows1)

            @pl.when(t < n_pairs - 1)
            def _():
                load_idx((2 * t + 3) * NW + wid, ib1)
                gather(ib1, rows1, sg1).start()

        plsc.subcore_barrier()

        def out_rows(c):
            pltpu.sync_copy(agg_sh.at[pl.ds(c * _RCHUNK, _RCHUNK)],
                            out_hbm.at[cid, pl.ds(c * _RCHUNK, _RCHUNK)])

        @pl.loop(0, oc_full)
        def _(t):
            out_rows(t * _NS + sid)

        @pl.when(sid < oc_rem)
        def _():
            out_rows(oc_full * _NS + sid)

    return k(h, eidx)


def _pre0_tc(x, disease_vec, batch_col, W1_0):
    N, DF = x.shape
    Bg, DD = disease_vec.shape
    Dh = W1_0.shape[1]
    G = N // _ROWS

    def body(x_ref, dis_ref, b_ref, W1_ref, o_ref):
        iota = lax.broadcasted_iota(jnp.int32, (_ROWS, Bg), 1).astype(
            jnp.float32)
        oh = (b_ref[...] == iota).astype(jnp.float32)
        du = jnp.dot(dis_ref[...], W1_ref[DF:, :],
                     preferred_element_type=jnp.float32)
        q = jnp.dot(x_ref[...], W1_ref[:DF, :],
                    preferred_element_type=jnp.float32)
        q = q + jnp.dot(oh, du, preferred_element_type=jnp.float32)
        o_ref[...] = q

    return pl.pallas_call(
        body,
        grid=(G,),
        in_specs=[
            pl.BlockSpec((_ROWS, DF), lambda i: (i, 0)),
            pl.BlockSpec((Bg, DD), lambda i: (0, 0)),
            pl.BlockSpec((_ROWS, 1), lambda i: (i, 0)),
            pl.BlockSpec((DF + DD, Dh), lambda i: (0, 0)),
        ],
        out_specs=pl.BlockSpec((_ROWS, Dh), lambda i: (i, 0)),
        out_shape=jax.ShapeDtypeStruct((N, Dh), jnp.float32),
    )(x, disease_vec, batch_col, W1_0)


def _gin0_mlp_tc(q, agg, scale, b1, W2, b2):
    N, Dh = q.shape
    G = N // _ROWS

    def body(q_ref, a0_ref, a1_ref, s_ref, b1_ref, W2_ref, b2_ref, o_ref):
        z = q_ref[...] * s_ref[...] + a0_ref[0] + a1_ref[0]
        z = jnp.maximum(z + b1_ref[...], 0.0)
        z = jnp.dot(z, W2_ref[...], preferred_element_type=jnp.float32)
        o_ref[...] = jnp.maximum(z + b2_ref[...], 0.0)

    return pl.pallas_call(
        body,
        grid=(G,),
        in_specs=[
            pl.BlockSpec((_ROWS, Dh), lambda i: (i, 0)),
            pl.BlockSpec((1, _ROWS, Dh), lambda i: (0, i, 0)),
            pl.BlockSpec((1, _ROWS, Dh), lambda i: (1, i, 0)),
            pl.BlockSpec((1, 1), lambda i: (0, 0)),
            pl.BlockSpec((1, Dh), lambda i: (0, 0)),
            pl.BlockSpec((Dh, Dh), lambda i: (0, 0)),
            pl.BlockSpec((1, Dh), lambda i: (0, 0)),
        ],
        out_specs=pl.BlockSpec((_ROWS, Dh), lambda i: (i, 0)),
        out_shape=jax.ShapeDtypeStruct((N, Dh), jnp.float32),
    )(q, agg, agg, scale, b1, W2, b2)


def _gin_mlp_tc(h, agg, scale, W1, b1, W2, b2):
    N, Din = h.shape
    Dh = W1.shape[1]
    G = N // _ROWS

    def body(h_ref, a0_ref, a1_ref, s_ref, W1_ref, b1_ref, W2_ref, b2_ref,
             o_ref):
        z = h_ref[...] * s_ref[...] + a0_ref[0] + a1_ref[0]
        z = jnp.dot(z, W1_ref[...], preferred_element_type=jnp.float32)
        z = jnp.maximum(z + b1_ref[...], 0.0)
        z = jnp.dot(z, W2_ref[...], preferred_element_type=jnp.float32)
        o_ref[...] = jnp.maximum(z + b2_ref[...], 0.0)

    return pl.pallas_call(
        body,
        grid=(G,),
        in_specs=[
            pl.BlockSpec((_ROWS, Din), lambda i: (i, 0)),
            pl.BlockSpec((1, _ROWS, Din), lambda i: (0, i, 0)),
            pl.BlockSpec((1, _ROWS, Din), lambda i: (1, i, 0)),
            pl.BlockSpec((1, 1), lambda i: (0, 0)),
            pl.BlockSpec((Din, Dh), lambda i: (0, 0)),
            pl.BlockSpec((1, Dh), lambda i: (0, 0)),
            pl.BlockSpec((Dh, Dh), lambda i: (0, 0)),
            pl.BlockSpec((1, Dh), lambda i: (0, 0)),
        ],
        out_specs=pl.BlockSpec((_ROWS, Dh), lambda i: (i, 0)),
        out_shape=jax.ShapeDtypeStruct((N, Dh), jnp.float32),
    )(h, agg, agg, scale, W1, b1, W2, b2)


def _gin_final_tc(h, agg, scale, W1, b1, W2, b2, batch_row, num_graphs,
                  W_mu, b_mu, W_lv, b_lv):
    N, Din = h.shape
    Dh = W1.shape[1]
    LAT = W_mu.shape[1]
    G = batch_row.shape[0]
    Bg = num_graphs

    def body(h_ref, a0_ref, a1_ref, s_ref, W1_ref, b1_ref, W2_ref, b2_ref,
             b_row_ref, Wmu_ref, bmu_ref, Wlv_ref, blv_ref,
             mu_ref, lv_ref, g_acc):
        i = pl.program_id(0)
        z = h_ref[...] * s_ref[...] + a0_ref[0] + a1_ref[0]
        z = jnp.dot(z, W1_ref[...], preferred_element_type=jnp.float32)
        z = jnp.maximum(z + b1_ref[...], 0.0)
        z = jnp.dot(z, W2_ref[...], preferred_element_type=jnp.float32)
        z = jnp.maximum(z + b2_ref[...], 0.0)
        iota = lax.broadcasted_iota(jnp.int32, (Bg, _ROWS), 0).astype(
            jnp.float32)
        ohT = (b_row_ref[0] == iota).astype(jnp.float32)
        g = jnp.dot(ohT, z, preferred_element_type=jnp.float32)

        @pl.when(i == 0)
        def _():
            g_acc[...] = g

        @pl.when(i > 0)
        def _():
            g_acc[...] = g_acc[...] + g

        @pl.when(i == G - 1)
        def _():
            gg = g_acc[...]
            mu_ref[...] = (jnp.dot(gg, Wmu_ref[...],
                                   preferred_element_type=jnp.float32)
                           + bmu_ref[...])
            lv_ref[...] = (jnp.dot(gg, Wlv_ref[...],
                                   preferred_element_type=jnp.float32)
                           + blv_ref[...])

    return pl.pallas_call(
        body,
        grid=(G,),
        in_specs=[
            pl.BlockSpec((_ROWS, Din), lambda i: (i, 0)),
            pl.BlockSpec((1, _ROWS, Din), lambda i: (0, i, 0)),
            pl.BlockSpec((1, _ROWS, Din), lambda i: (1, i, 0)),
            pl.BlockSpec((1, 1), lambda i: (0, 0)),
            pl.BlockSpec((Din, Dh), lambda i: (0, 0)),
            pl.BlockSpec((1, Dh), lambda i: (0, 0)),
            pl.BlockSpec((Dh, Dh), lambda i: (0, 0)),
            pl.BlockSpec((1, Dh), lambda i: (0, 0)),
            pl.BlockSpec((1, 1, _ROWS), lambda i: (i, 0, 0)),
            pl.BlockSpec((Dh, LAT), lambda i: (0, 0)),
            pl.BlockSpec((1, LAT), lambda i: (0, 0)),
            pl.BlockSpec((Dh, LAT), lambda i: (0, 0)),
            pl.BlockSpec((1, LAT), lambda i: (0, 0)),
        ],
        out_specs=[
            pl.BlockSpec((Bg, LAT), lambda i: (0, 0)),
            pl.BlockSpec((Bg, LAT), lambda i: (0, 0)),
        ],
        out_shape=[
            jax.ShapeDtypeStruct((Bg, LAT), jnp.float32),
            jax.ShapeDtypeStruct((Bg, LAT), jnp.float32),
        ],
        scratch_shapes=[pltpu.VMEM((Bg, Dh), jnp.float32)],
    )(h, agg, agg, scale, W1, b1, W2, b2, batch_row,
      W_mu, b_mu, W_lv, b_lv)


def kernel(x, edge_index, batch, disease_vec,
           W1_0, b1_0, W2_0, b2_0, eps_0,
           W1_1, b1_1, W2_1, b2_1, eps_1,
           W1_2, b1_2, W2_2, b2_2, eps_2,
           W_mu, b_mu, W_lv, b_lv):
    N = x.shape[0]
    E = edge_index.shape[1]
    E_pad = _NC * _NS * _CPW * _CH
    assert E_pad >= E
    ar = jnp.arange(E_pad - E, dtype=jnp.int32)
    pad = jnp.stack([(ar * 37) % N, N + (ar % _SINK)])
    eidx = jnp.concatenate([edge_index, pad], axis=1)
    batch_f = batch.astype(jnp.float32)
    batch_col = batch_f.reshape(N, 1)
    G = N // _ROWS
    batch_row = batch_f.reshape(G, 1, _ROWS)

    q = _pre0_tc(x, disease_vec, batch_col, W1_0)
    agg = _segment_sum_sc(q, eidx)
    h = _gin0_mlp_tc(q, agg, (1.0 + eps_0).reshape(1, 1),
                     b1_0.reshape(1, -1), W2_0, b2_0.reshape(1, -1))

    agg = _segment_sum_sc(h, eidx)
    h = _gin_mlp_tc(h, agg, (1.0 + eps_1).reshape(1, 1),
                    W1_1, b1_1.reshape(1, -1), W2_1, b2_1.reshape(1, -1))

    agg = _segment_sum_sc(h, eidx)
    mu, lv = _gin_final_tc(
        h, agg, (1.0 + eps_2).reshape(1, 1), W1_2, b1_2.reshape(1, -1),
        W2_2, b2_2.reshape(1, -1), batch_row, disease_vec.shape[0],
        W_mu, b_mu.reshape(1, -1), W_lv, b_lv.reshape(1, -1))
    return (mu, lv)

# --- scband reference (transcript-rebuilt; emitter-appended) ---
"""Pipeline reference for scband-graph-encoder-87162066305024 (READ-ONLY COPY).

The authoritative reference and input builder live on the scoring server;
editing this copy changes nothing except your own understanding.
"""

import jax, jax.numpy as jnp
import numpy as np

N = 10000
E = 320000
D_FEAT = 128
D_DIS = 16
HID = 128
LAT = 64
B = 64
IN_DIM = D_FEAT + D_DIS


def setup_inputs(seed: int = 0) -> dict:
    key = jax.random.key(seed)
    ks = jax.random.split(key, 32)
    inp = {}
    inp["x"] = jax.random.normal(ks[0], (N, D_FEAT), dtype=jnp.float32)
    inp["edge_index"] = jax.random.randint(ks[1], (2, E), 0, N, dtype=jnp.int32)
    inp["batch"] = jnp.sort(jax.random.randint(ks[2], (N,), 0, B, dtype=jnp.int32))
    inp["disease_vec"] = jax.random.normal(ks[3], (B, D_DIS), dtype=jnp.float32)
    # GIN layer params: layer i -> MLP(in->hid->hid) + learnable eps
    dims = [IN_DIM, HID, HID]
    ki = 4
    for i in range(3):
        in_dim = dims[i] if i == 0 else HID
        in_dim = IN_DIM if i == 0 else HID
        inp[f"W1_{i}"] = jax.random.normal(ks[ki], (in_dim, HID), dtype=jnp.float32) * (1.0 / np.sqrt(in_dim)); ki += 1
        inp[f"b1_{i}"] = jnp.zeros((HID,), dtype=jnp.float32)
        inp[f"W2_{i}"] = jax.random.normal(ks[ki], (HID, HID), dtype=jnp.float32) * (1.0 / np.sqrt(HID)); ki += 1
        inp[f"b2_{i}"] = jnp.zeros((HID,), dtype=jnp.float32)
        inp[f"eps_{i}"] = jnp.zeros((), dtype=jnp.float32)
    inp["W_mu"] = jax.random.normal(ks[ki], (HID, LAT), dtype=jnp.float32) * (1.0 / np.sqrt(HID)); ki += 1
    inp["b_mu"] = jnp.zeros((LAT,), dtype=jnp.float32)
    inp["W_lv"] = jax.random.normal(ks[ki], (HID, LAT), dtype=jnp.float32) * (1.0 / np.sqrt(HID)); ki += 1
    inp["b_lv"] = jnp.zeros((LAT,), dtype=jnp.float32)
    return inp


def reference(x, edge_index, batch, disease_vec,
              W1_0, b1_0, W2_0, b2_0, eps_0,
              W1_1, b1_1, W2_1, b2_1, eps_1,
              W1_2, b1_2, W2_2, b2_2, eps_2,
              W_mu, b_mu, W_lv, b_lv):
    src = edge_index[0]
    dst = edge_index[1]
    # concat node features with per-graph disease vector gathered by batch id
    h = jnp.concatenate([x, disease_vec[batch]], axis=-1)
    layers = [
        (W1_0, b1_0, W2_0, b2_0, eps_0),
        (W1_1, b1_1, W2_1, b2_1, eps_1),
        (W1_2, b1_2, W2_2, b2_2, eps_2),
    ]
    for (W1, b1, W2, b2, eps) in layers:
        # GINConv: nn((1 + eps) * x + sum_{j in N(i)} x_j)
        agg = jax.ops.segment_sum(h[src], dst, num_segments=N)
        z = (1.0 + eps) * h + agg
        z = jax.nn.relu(z @ W1 + b1)
        z = z @ W2 + b2  # MLP plain last layer (no act, no norm)
        h = jax.nn.relu(z)  # outer F.relu; dropout is identity in eval
    # global_add_pool over graphs
    g = jax.ops.segment_sum(h, batch, num_segments=B)
    mu = g @ W_mu + b_mu
    logvar = g @ W_lv + b_lv
    return (mu, logvar)

if __name__ == "__main__":
    import jax
    _d = setup_inputs()
    print(jax.jit(kernel)(*tuple(_d.values())))

</pallas_src>

<mosaic_0001>
#map = affine_map<(d0, d1) -> (0, 0)>
#map1 = affine_map<(d0, d1) -> (0, 0, 0)>
module attributes {stable_mosaic.version = 14 : i64} {
  func.func @k(%arg0: i32, %arg1: i32, %arg2: memref<10000x128xf32, #tpu.memory_space<hbm>>, %arg3: memref<2x327680xi32, #tpu.memory_space<hbm>>, %arg4: memref<2x10000x128xf32, #tpu.memory_space<hbm>>, %arg5: memref<2x128xi32, #tpu.memory_space<vmem>>, %arg6: memref<2x128xi32, #tpu.memory_space<vmem>>, %arg7: memref<128x128xf32, #tpu.memory_space<vmem>>, %arg8: memref<128x128xf32, #tpu.memory_space<vmem>>, %arg9: memref<80x128xf32, #tpu.memory_space<vmem>>, %arg10: memref<10080x128xf32, #tpu.memory_space<vmem_shared>>, %arg11: memref<!tpu.dma_semaphore, #tpu.memory_space<semaphore_mem>>, %arg12: memref<!tpu.dma_semaphore, #tpu.memory_space<semaphore_mem>>) attributes {dimension_semantics = [#tpu.dimension_semantics<core_parallel>, #tpu.dimension_semantics<subcore_parallel>], iteration_bounds = array<i64: 2, 16>, scalar_prefetch = 0 : i64, scratch_operands = 8 : i64, tpu.core_type = #tpu.core_type<sc_vector_subcore>, window_params = [{transform_indices = #map}, {transform_indices = #map}, {transform_indices = #map1}]} {
    %mul3A = arith.constant 16 : i32
    %mul3A_0 = arith.muli %arg0, %mul3A : i32
    %add3A = arith.addi %mul3A_0, %arg1 : i32
    %mul3A_1 = arith.constant 128 : i32
    %mul3A_2 = arith.muli %add3A, %mul3A_1 : i32
    "tpu.region"() ({
      %run_scoped3A = tpu.sem_alloc : memref<!tpu.dma_semaphore, #tpu.memory_space<semaphore_mem>>
      %dma_start3A_51 = arith.constant 0 : i32
      %dma_start3A_52 = tpu.memref_slice %arg3[%dma_start3A_51, %mul3A_2] : memref<2x327680xi32, #tpu.memory_space<hbm>> -> memref<2x128xi32, #tpu.memory_space<hbm>>
      %dma_start3A_53 = arith.constant 0 : i32
      %dma_start3A_54 = tpu.memref_slice %arg3[%dma_start3A_53, %mul3A_2] : memref<2x327680xi32, #tpu.memory_space<hbm>> -> memref<2x128xi32, #tpu.memory_space<hbm>>
      tpu.enqueue_dma source(%dma_start3A_54 : memref<2x128xi32, #tpu.memory_space<hbm>>) target(%arg5 : memref<2x128xi32, #tpu.memory_space<vmem>>) target_semaphore(%run_scoped3A : memref<!tpu.dma_semaphore, #tpu.memory_space<semaphore_mem>>)
      %dma_wait3A = arith.constant 0 : i32
      %dma_wait3A_55 = tpu.memref_slice %arg3[%dma_wait3A, %mul3A_2] : memref<2x327680xi32, #tpu.memory_space<hbm>> -> memref<2x128xi32, #tpu.memory_space<hbm>>
      %dma_wait3A_56 = arith.constant 0 : i32
      %dma_wait3A_57 = tpu.memref_slice %arg3[%dma_wait3A_56, %mul3A_2] : memref<2x327680xi32, #tpu.memory_space<hbm>> -> memref<2x128xi32, #tpu.memory_space<hbm>>
      tpu.wait_dma2 semaphore(%run_scoped3A : memref<!tpu.dma_semaphore, #tpu.memory_space<semaphore_mem>>) src(%dma_wait3A_57 : memref<2x128xi32, #tpu.memory_space<hbm>>) dst(%arg5 : memref<2x128xi32, #tpu.memory_space<vmem>>)
      tpu.yield
    }) : () -> ()
    %dma_start3A = arith.constant 0 : i32
    %dma_start3A_3 = arith.constant 0 : i32
    %dma_start3A_4 = tpu.memref_slice %arg5[%dma_start3A, %dma_start3A_3] : memref<2x128xi32, #tpu.memory_space<vmem>> -> memref<1x128xi32, #tpu.memory_space<vmem>>
    %dma_start3A_5 = tpu.memref_squeeze %dma_start3A_4 : memref<1x128xi32, #tpu.memory_space<vmem>> -> memref<128xi32, #tpu.memory_space<vmem>>
    %dma_start3A_6 = arith.constant 0 : i32
    %dma_start3A_7 = arith.constant 0 : i32
    %dma_start3A_8 = tpu.memref_slice %arg2[%dma_start3A_6, %dma_start3A_7] : memref<10000x128xf32, #tpu.memory_space<hbm>> -> memref<10000x128xf32, #tpu.memory_space<hbm>>
    tpu.enqueue_indirect_dma source(%dma_start3A_8 : memref<10000x128xf32, #tpu.memory_space<hbm>>) target(%arg7 : memref<128x128xf32, #tpu.memory_space<vmem>>) offsets(%dma_start3A_5 : memref<128xi32, #tpu.memory_space<vmem>>) semaphore(%arg11 : memref<!tpu.dma_semaphore, #tpu.memory_space<semaphore_mem>>)
    %add3A_9 = arith.constant 32 : i32
    %add3A_10 = arith.addi %add3A_9, %add3A : i32
    %mul3A_11 = arith.constant 128 : i32
    %mul3A_12 = arith.muli %add3A_10, %mul3A_11 : i32
    "tpu.region"() ({
      %run_scoped3A = tpu.sem_alloc : memref<!tpu.dma_semaphore, #tpu.memory_space<semaphore_mem>>
      %dma_start3A_51 = arith.constant 0 : i32
      %dma_start3A_52 = tpu.memref_slice %arg3[%dma_start3A_51, %mul3A_12] : memref<2x327680xi32, #tpu.memory_space<hbm>> -> memref<2x128xi32, #tpu.memory_space<hbm>>
      %dma_start3A_53 = arith.constant 0 : i32
      %dma_start3A_54 = tpu.memref_slice %arg3[%dma_start3A_53, %mul3A_12] : memref<2x327680xi32, #tpu.memory_space<hbm>> -> memref<2x128xi32, #tpu.memory_space<hbm>>
      tpu.enqueue_dma source(%dma_start3A_54 : memref<2x128xi32, #tpu.memory_space<hbm>>) target(%arg6 : memref<2x128xi32, #tpu.memory_space<vmem>>) target_semaphore(%run_scoped3A : memref<!tpu.dma_semaphore, #tpu.memory_space<semaphore_mem>>)
      %dma_wait3A = arith.constant 0 : i32
      %dma_wait3A_55 = tpu.memref_slice %arg3[%dma_wait3A, %mul3A_12] : memref<2x327680xi32, #tpu.memory_space<hbm>> -> memref<2x128xi32, #tpu.memory_space<hbm>>
      %dma_wait3A_56 = arith.constant 0 : i32
      %dma_wait3A_57 = tpu.memref_slice %arg3[%dma_wait3A_56, %mul3A_12] : memref<2x327680xi32, #tpu.memory_space<hbm>> -> memref<2x128xi32, #tpu.memory_space<hbm>>
      tpu.wait_dma2 semaphore(%run_scoped3A : memref<!tpu.dma_semaphore, #tpu.memory_space<semaphore_mem>>) src(%dma_wait3A_57 : memref<2x128xi32, #tpu.memory_space<hbm>>) dst(%arg6 : memref<2x128xi32, #tpu.memory_space<vmem>>)
      tpu.yield
    }) : () -> ()
    %dma_start3A_13 = arith.constant 0 : i32
    %dma_start3A_14 = arith.constant 0 : i32
    %dma_start3A_15 = tpu.memref_slice %arg6[%dma_start3A_13, %dma_start3A_14] : memref<2x128xi32, #tpu.memory_space<vmem>> -> memref<1x128xi32, #tpu.memory_space<vmem>>
    %dma_start3A_16 = tpu.memref_squeeze %dma_start3A_15 : memref<1x128xi32, #tpu.memory_space<vmem>> -> memref<128xi32, #tpu.memory_space<vmem>>
    %dma_start3A_17 = arith.constant 0 : i32
    %dma_start3A_18 = arith.constant 0 : i32
    %dma_start3A_19 = tpu.memref_slice %arg2[%dma_start3A_17, %dma_start3A_18] : memref<10000x128xf32, #tpu.memory_space<hbm>> -> memref<10000x128xf32, #tpu.memory_space<hbm>>
    tpu.enqueue_indirect_dma source(%dma_start3A_19 : memref<10000x128xf32, #tpu.memory_space<hbm>>) target(%arg8 : memref<128x128xf32, #tpu.memory_space<vmem>>) offsets(%dma_start3A_16 : memref<128xi32, #tpu.memory_space<vmem>>) semaphore(%arg12 : memref<!tpu.dma_semaphore, #tpu.memory_space<semaphore_mem>>)
    %scan3A = arith.constant 0 : i32
    %scan3A_20 = arith.constant 80 : i32
    %scan3A_21 = arith.addi %scan3A, %scan3A_20 : i32
    %scan3A_22 = arith.constant 1 : i32
    scf.for %scan3A_51 = %scan3A to %scan3A_21 step %scan3A_22  : i32 {
      %mul3A_52 = arith.constant 1 : i32
      %mul3A_53 = arith.muli %scan3A_51, %mul3A_52 : i32
      %add3A_54 = arith.constant 0 : i32
      %add3A_55 = arith.addi %add3A_54, %mul3A_53 : i32
      %scan3A_56 = arith.constant 0 : i32
      %scan3A_57 = arith.constant 8 : i32
      %scan3A_58 = arith.addi %scan3A_56, %scan3A_57 : i32
      %scan3A_59 = arith.constant 1 : i32
      scf.for %scan3A_61 = %scan3A_56 to %scan3A_58 step %scan3A_59  : i32 {
        %mul3A_62 = arith.constant 16 : i32
        %mul3A_63 = arith.muli %scan3A_61, %mul3A_62 : i32
        %add3A_64 = arith.constant 0 : i32
        %add3A_65 = arith.addi %add3A_64, %mul3A_63 : i32
        %broadcast_in_dim3A = arith.constant 0.000000e+00 : f32
        %broadcast_in_dim3A_66 = vector.broadcast %broadcast_in_dim3A : f32 to vector<16xf32>
        %swap3A = arith.index_cast %add3A_55 : i32 to index
        %swap3A_67 = arith.index_cast %add3A_65 : i32 to index
        %swap3A_68 = tpu.vector_load %arg9[%swap3A, %swap3A_67] {strides = array<i32>} : memref<80x128xf32, #tpu.memory_space<vmem>>, vector<1x16xf32>,
        %swap3A_69 = vector.shape_cast %swap3A_68 : vector<1x16xf32> to vector<16xf32>
        %swap3A_70 = vector.shape_cast %broadcast_in_dim3A_66 : vector<16xf32> to vector<1x16xf32>
        tpu.vector_store %arg9[%swap3A, %swap3A_67], %swap3A_70 {strides = array<i32>} : memref<80x128xf32, #tpu.memory_space<vmem>>, vector<1x16xf32>,
      }
      %scan3A_60 = arith.constant 8 : i32
    }
    %scan3A_23 = arith.constant 80 : i32
    %scan3A_24 = arith.constant 0 : i32
    %scan3A_25 = arith.constant 7 : i32
    %scan3A_26 = arith.addi %scan3A_24, %scan3A_25 : i32
    %scan3A_27 = arith.constant 1 : i32
    scf.for %scan3A_51 = %scan3A_24 to %scan3A_26 step %scan3A_27  : i32 {
      %mul3A_52 = arith.constant 1 : i32
      %mul3A_53 = arith.muli %scan3A_51, %mul3A_52 : i32
      %add3A_54 = arith.constant 0 : i32
      %add3A_55 = arith.addi %add3A_54, %mul3A_53 : i32
      %mul3A_56 = arith.constant 16 : i32
      %mul3A_57 = arith.muli %add3A_55, %mul3A_56 : i32
      %add3A_58 = arith.addi %mul3A_57, %arg1 : i32
      %mul3A_59 = arith.constant 80 : i32
      %mul3A_60 = arith.muli %add3A_58, %mul3A_59 : i32
      "tpu.region"() ({
        %run_scoped3A = tpu.sem_alloc : memref<!tpu.dma_semaphore, #tpu.memory_space<semaphore_mem>>
        %dma_start3A_61 = arith.constant 0 : i32
        %dma_start3A_62 = arith.constant 0 : i32
        %dma_start3A_63 = tpu.memref_slice %arg9[%dma_start3A_61, %dma_start3A_62] : memref<80x128xf32, #tpu.memory_space<vmem>> -> memref<80x128xf32, #tpu.memory_space<vmem>>
        %dma_start3A_64 = arith.constant 0 : i32
        %dma_start3A_65 = tpu.memref_slice %arg10[%mul3A_60, %dma_start3A_64] : memref<10080x128xf32, #tpu.memory_space<vmem_shared>> -> memref<80x128xf32, #tpu.memory_space<vmem_shared>>
        %dma_start3A_66 = arith.constant 0 : i32
        %dma_start3A_67 = tpu.memref_slice %arg10[%mul3A_60, %dma_start3A_66] : memref<10080x128xf32, #tpu.memory_space<vmem_shared>> -> memref<80x128xf32, #tpu.memory_space<vmem_shared>>
        %dma_start3A_68 = arith.constant 0 : i32
        %dma_start3A_69 = arith.constant 0 : i32
        %dma_start3A_70 = tpu.memref_slice %arg9[%dma_start3A_68, %dma_start3A_69] : memref<80x128xf32, #tpu.memory_space<vmem>> -> memref<80x128xf32, #tpu.memory_space<vmem>>
        tpu.enqueue_dma source(%dma_start3A_70 : memref<80x128xf32, #tpu.memory_space<vmem>>) target(%dma_start3A_67 : memref<80x128xf32, #tpu.memory_space<vmem_shared>>) target_semaphore(%run_scoped3A : memref<!tpu.dma_semaphore, #tpu.memory_space<semaphore_mem>>)
        %dma_wait3A = arith.constant 0 : i32
        %dma_wait3A_71 = arith.constant 0 : i32
        %dma_wait3A_72 = tpu.memref_slice %arg9[%dma_wait3A, %dma_wait3A_71] : memref<80x128xf32, #tpu.memory_space<vmem>> -> memref<80x128xf32, #tpu.memory_space<vmem>>
        %dma_wait3A_73 = arith.constant 0 : i32
        %dma_wait3A_74 = tpu.memref_slice %arg10[%mul3A_60, %dma_wait3A_73] : memref<10080x128xf32, #tpu.memory_space<vmem_shared>> -> memref<80x128xf32, #tpu.memory_space<vmem_shared>>
        %dma_wait3A_75 = arith.constant 0 : i32
        %dma_wait3A_76 = tpu.memref_slice %arg10[%mul3A_60, %dma_wait3A_75] : memref<10080x128xf32, #tpu.memory_space<vmem_shared>> -> memref<80x128xf32, #tpu.memory_space<vmem_shared>>
        %dma_wait3A_77 = arith.constant 0 : i32
        %dma_wait3A_78 = arith.constant 0 : i32
        %dma_wait3A_79 = tpu.memref_slice %arg9[%dma_wait3A_77, %dma_wait3A_78] : memref<80x128xf32, #tpu.memory_space<vmem>> -> memref<80x128xf32, #tpu.memory_space<vmem>>
        tpu.wait_dma2 semaphore(%run_scoped3A : memref<!tpu.dma_semaphore, #tpu.memory_space<semaphore_mem>>) src(%dma_wait3A_79 : memref<80x128xf32, #tpu.memory_space<vmem>>) dst(%dma_wait3A_76 : memref<80x128xf32, #tpu.memory_space<vmem_shared>>)
        tpu.yield
      }) : () -> ()
    }
    %scan3A_28 = arith.constant 7 : i32
    %lt3A = arith.constant 13 : i32
    %lt3A_29 = arith.cmpi slt, %arg1, %lt3A : i32
    %convert_element_type3A = arith.extui %lt3A_29 : i1 to i32
    %cond3A = arith.constant 0 : i32
    %cond3A_30 = arith.cmpi ne, %convert_element_type3A, %cond3A : i32
    scf.if %cond3A_30 {
      %add3A_51 = arith.constant 112 : i32
      %add3A_52 = arith.addi %add3A_51, %arg1 : i32
      %mul3A_53 = arith.constant 80 : i32
      %mul3A_54 = arith.muli %add3A_52, %mul3A_53 : i32
      "tpu.region"() ({
        %run_scoped3A = tpu.sem_alloc : memref<!tpu.dma_semaphore, #tpu.memory_space<semaphore_mem>>
        %dma_start3A_55 = arith.constant 0 : i32
        %dma_start3A_56 = arith.constant 0 : i32
        %dma_start3A_57 = tpu.memref_slice %arg9[%dma_start3A_55, %dma_start3A_56] : memref<80x128xf32, #tpu.memory_space<vmem>> -> memref<80x128xf32, #tpu.memory_space<vmem>>
        %dma_start3A_58 = arith.constant 0 : i32
        %dma_start3A_59 = tpu.memref_slice %arg10[%mul3A_54, %dma_start3A_58] : memref<10080x128xf32, #tpu.memory_space<vmem_shared>> -> memref<80x128xf32, #tpu.memory_space<vmem_shared>>
        %dma_start3A_60 = arith.constant 0 : i32
        %dma_start3A_61 = tpu.memref_slice %arg10[%mul3A_54, %dma_start3A_60] : memref<10080x128xf32, #tpu.memory_space<vmem_shared>> -> memref<80x128xf32, #tpu.memory_space<vmem_shared>>
        %dma_start3A_62 = arith.constant 0 : i32
        %dma_start3A_63 = arith.constant 0 : i32
        %dma_start3A_64 = tpu.memref_slice %arg9[%dma_start3A_62, %dma_start3A_63] : memref<80x128xf32, #tpu.memory_space<vmem>> -> memref<80x128xf32, #tpu.memory_space<vmem>>
        tpu.enqueue_dma source(%dma_start3A_64 : memref<80x128xf32, #tpu.memory_space<vmem>>) target(%dma_start3A_61 : memref<80x128xf32, #tpu.memory_space<vmem_shared>>) target_semaphore(%run_scoped3A : memref<!tpu.dma_semaphore, #tpu.memory_space<semaphore_mem>>)
        %dma_wait3A = arith.constant 0 : i32
        %dma_wait3A_65 = arith.constant 0 : i32
        %dma_wait3A_66 = tpu.memref_slice %arg9[%dma_wait3A, %dma_wait3A_65] : memref<80x128xf32, #tpu.memory_space<vmem>> -> memref<80x128xf32, #tpu.memory_space<vmem>>
        %dma_wait3A_67 = arith.constant 0 : i32
        %dma_wait3A_68 = tpu.memref_slice %arg10[%mul3A_54, %dma_wait3A_67] : memref<10080x128xf32, #tpu.memory_space<vmem_shared>> -> memref<80x128xf32, #tpu.memory_space<vmem_shared>>
        %dma_wait3A_69 = arith.constant 0 : i32
        %dma_wait3A_70 = tpu.memref_slice %arg10[%mul3A_54, %dma_wait3A_69] : memref<10080x128xf32, #tpu.memory_space<vmem_shared>> -> memref<80x128xf32, #tpu.memory_space<vmem_shared>>
        %dma_wait3A_71 = arith.constant 0 : i32
        %dma_wait3A_72 = arith.constant 0 : i32
        %dma_wait3A_73 = tpu.memref_slice %arg9[%dma_wait3A_71, %dma_wait3A_72] : memref<80x128xf32, #tpu.memory_space<vmem>> -> memref<80x128xf32, #tpu.memory_space<vmem>>
        tpu.wait_dma2 semaphore(%run_scoped3A : memref<!tpu.dma_semaphore, #tpu.memory_space<semaphore_mem>>) src(%dma_wait3A_73 : memref<80x128xf32, #tpu.memory_space<vmem>>) dst(%dma_wait3A_70 : memref<80x128xf32, #tpu.memory_space<vmem_shared>>)
        tpu.yield
      }) : () -> ()
    } else {
    }
    %eq3A = arith.constant 15 : i32
    %eq3A_31 = arith.cmpi eq, %arg1, %eq3A : i32
    %convert_element_type3A_32 = arith.extui %eq3A_31 : i1 to i32
    %cond3A_33 = arith.constant 0 : i32
    %cond3A_34 = arith.cmpi ne, %convert_element_type3A_32, %cond3A_33 : i32
    scf.if %cond3A_34 {
      "tpu.region"() ({
        %run_scoped3A = tpu.sem_alloc : memref<!tpu.dma_semaphore, #tpu.memory_space<semaphore_mem>>
        %dma_start3A_51 = arith.constant 0 : i32
        %dma_start3A_52 = arith.constant 0 : i32
        %dma_start3A_53 = tpu.memref_slice %arg9[%dma_start3A_51, %dma_start3A_52] : memref<80x128xf32, #tpu.memory_space<vmem>> -> memref<80x128xf32, #tpu.memory_space<vmem>>
        %dma_start3A_54 = arith.constant 10000 : i32
        %dma_start3A_55 = arith.constant 0 : i32
        %dma_start3A_56 = tpu.memref_slice %arg10[%dma_start3A_54, %dma_start3A_55] : memref<10080x128xf32, #tpu.memory_space<vmem_shared>> -> memref<80x128xf32, #tpu.memory_space<vmem_shared>>
        %dma_start3A_57 = arith.constant 10000 : i32
        %dma_start3A_58 = arith.constant 0 : i32
        %dma_start3A_59 = tpu.memref_slice %arg10[%dma_start3A_57, %dma_start3A_58] : memref<10080x128xf32, #tpu.memory_space<vmem_shared>> -> memref<80x128xf32, #tpu.memory_space<vmem_shared>>
        %dma_start3A_60 = arith.constant 0 : i32
        %dma_start3A_61 = arith.constant 0 : i32
        %dma_start3A_62 = tpu.memref_slice %arg9[%dma_start3A_60, %dma_start3A_61] : memref<80x128xf32, #tpu.memory_space<vmem>> -> memref<80x128xf32, #tpu.memory_space<vmem>>
        tpu.enqueue_dma source(%dma_start3A_62 : memref<80x128xf32, #tpu.memory_space<vmem>>) target(%dma_start3A_59 : memref<80x128xf32, #tpu.memory_space<vmem_shared>>) target_semaphore(%run_scoped3A : memref<!tpu.dma_semaphore, #tpu.memory_space<semaphore_mem>>)
        %dma_wait3A = arith.constant 0 : i32
        %dma_wait3A_63 = arith.constant 0 : i32
        %dma_wait3A_64 = tpu.memref_slice %arg9[%dma_wait3A, %dma_wait3A_63] : memref<80x128xf32, #tpu.memory_space<vmem>> -> memref<80x128xf32, #tpu.memory_space<vmem>>
        %dma_wait3A_65 = arith.constant 10000 : i32
        %dma_wait3A_66 = arith.constant 0 : i32
        %dma_wait3A_67 = tpu.memref_slice %arg10[%dma_wait3A_65, %dma_wait3A_66] : memref<10080x128xf32, #tpu.memory_space<vmem_shared>> -> memref<80x128xf32, #tpu.memory_space<vmem_shared>>
        %dma_wait3A_68 = arith.constant 10000 : i32
        %dma_wait3A_69 = arith.constant 0 : i32
        %dma_wait3A_70 = tpu.memref_slice %arg10[%dma_wait3A_68, %dma_wait3A_69] : memref<10080x128xf32, #tpu.memory_space<vmem_shared>> -> memref<80x128xf32, #tpu.memory_space<vmem_shared>>
        %dma_wait3A_71 = arith.constant 0 : i32
        %dma_wait3A_72 = arith.constant 0 : i32
        %dma_wait3A_73 = tpu.memref_slice %arg9[%dma_wait3A_71, %dma_wait3A_72] : memref<80x128xf32, #tpu.memory_space<vmem>> -> memref<80x128xf32, #tpu.memory_space<vmem>>
        tpu.wait_dma2 semaphore(%run_scoped3A : memref<!tpu.dma_semaphore, #tpu.memory_space<semaphore_mem>>) src(%dma_wait3A_73 : memref<80x128xf32, #tpu.memory_space<vmem>>) dst(%dma_wait3A_70 : memref<80x128xf32, #tpu.memory_space<vmem_shared>>)
        tpu.yield
      }) : () -> ()
    } else {
    }
    %barrier3A = arith.constant 0 : index
    tpu.barrier barrier_id(%barrier3A)
    %scan3A_35 = arith.constant 0 : i32
    %scan3A_36 = arith.constant 40 : i32
    %scan3A_37 = arith.addi %scan3A_35, %scan3A_36 : i32
    %scan3A_38 = arith.constant 1 : i32
    scf.for %scan3A_51 = %scan3A_35 to %scan3A_37 step %scan3A_38  : i32 {
      %mul3A_52 = arith.constant 1 : i32
      %mul3A_53 = arith.muli %scan3A_51, %mul3A_52 : i32
      %add3A_54 = arith.constant 0 : i32
      %add3A_55 = arith.addi %add3A_54, %mul3A_53 : i32
      %dma_wait3A = arith.constant 0 : i32
      %dma_wait3A_56 = arith.constant 0 : i32
      %dma_wait3A_57 = tpu.memref_slice %arg5[%dma_wait3A, %dma_wait3A_56] : memref<2x128xi32, #tpu.memory_space<vmem>> -> memref<1x128xi32, #tpu.memory_space<vmem>>
      %dma_wait3A_58 = tpu.memref_squeeze %dma_wait3A_57 : memref<1x128xi32, #tpu.memory_space<vmem>> -> memref<128xi32, #tpu.memory_space<vmem>>
      %dma_wait3A_59 = arith.constant 0 : i32
      %dma_wait3A_60 = arith.constant 0 : i32
      %dma_wait3A_61 = tpu.memref_slice %arg2[%dma_wait3A_59, %dma_wait3A_60] : memref<10000x128xf32, #tpu.memory_space<hbm>> -> memref<10000x128xf32, #tpu.memory_space<hbm>>
      tpu.wait_indirect_dma semaphore(%arg11 : memref<!tpu.dma_semaphore, #tpu.memory_space<semaphore_mem>>) src(%dma_wait3A_61 : memref<10000x128xf32, #tpu.memory_space<hbm>>) dst(%arg7 : memref<128x128xf32, #tpu.memory_space<vmem>>)
      %run_scoped3A = arith.constant 1 : i32
      "tpu.region"() ({
        %run_scoped3A_80 = tpu.sem_alloc : memref<!tpu.dma_semaphore, #tpu.memory_space<semaphore_mem>>
        %dma_start3A_81 = arith.constant 0 : i32
        %dma_start3A_82 = tpu.memref_slice %arg5[%run_scoped3A, %dma_start3A_81] : memref<2x128xi32, #tpu.memory_space<vmem>> -> memref<1x128xi32, #tpu.memory_space<vmem>>
        %dma_start3A_83 = tpu.memref_squeeze %dma_start3A_82 : memref<1x128xi32, #tpu.memory_space<vmem>> -> memref<128xi32, #tpu.memory_space<vmem>>
        %dma_start3A_84 = arith.constant 0 : i32
        %dma_start3A_85 = arith.constant 0 : i32
        %dma_start3A_86 = tpu.memref_slice %arg10[%dma_start3A_84, %dma_start3A_85] : memref<10080x128xf32, #tpu.memory_space<vmem_shared>> -> memref<10080x128xf32, #tpu.memory_space<vmem_shared>>
        tpu.enqueue_indirect_dma source(%arg7 : memref<128x128xf32, #tpu.memory_space<vmem>>) target(%dma_start3A_86 : memref<10080x128xf32, #tpu.memory_space<vmem_shared>>) offsets(%dma_start3A_83 : memref<128xi32, #tpu.memory_space<vmem>>) semaphore(%run_scoped3A_80 : memref<!tpu.dma_semaphore, #tpu.memory_space<semaphore_mem>>) {add = true}
        %dma_wait3A_87 = arith.constant 0 : i32
        %dma_wait3A_88 = tpu.memref_slice %arg5[%run_scoped3A, %dma_wait3A_87] : memref<2x128xi32, #tpu.memory_space<vmem>> -> memref<1x128xi32, #tpu.memory_space<vmem>>
        %dma_wait3A_89 = tpu.memref_squeeze %dma_wait3A_88 : memref<1x128xi32, #tpu.memory_space<vmem>> -> memref<128xi32, #tpu.memory_space<vmem>>
        %dma_wait3A_90 = arith.constant 0 : i32
        %dma_wait3A_91 = arith.constant 0 : i32
        %dma_wait3A_92 = tpu.memref_slice %arg10[%dma_wait3A_90, %dma_wait3A_91] : memref<10080x128xf32, #tpu.memory_space<vmem_shared>> -> memref<10080x128xf32, #tpu.memory_space<vmem_shared>>
        tpu.wait_indirect_dma semaphore(%run_scoped3A_80 : memref<!tpu.dma_semaphore, #tpu.memory_space<semaphore_mem>>) src(%arg7 : memref<128x128xf32, #tpu.memory_space<vmem>>) dst(%dma_wait3A_92 : memref<10080x128xf32, #tpu.memory_space<vmem_shared>>)
        tpu.yield
      }) : () -> ()
      %lt3A_62 = arith.constant 39 : i32
      %lt3A_63 = arith.cmpi slt, %add3A_55, %lt3A_62 : i32
      %convert_element_type3A_64 = arith.extui %lt3A_63 : i1 to i32
      %cond3A_65 = arith.constant 0 : i32
      %cond3A_66 = arith.cmpi ne, %convert_element_type3A_64, %cond3A_65 : i32
      scf.if %cond3A_66 {
        %mul3A_80 = arith.constant 2 : i32
        %mul3A_81 = arith.muli %mul3A_80, %add3A_55 : i32
        %add3A_82 = arith.constant 2 : i32
        %add3A_83 = arith.addi %mul3A_81, %add3A_82 : i32
        %mul3A_84 = arith.constant 32 : i32
        %mul3A_85 = arith.muli %add3A_83, %mul3A_84 : i32
        %add3A_86 = arith.addi %mul3A_85, %add3A : i32
        %mul3A_87 = arith.constant 128 : i32
        %mul3A_88 = arith.muli %add3A_86, %mul3A_87 : i32
        "tpu.region"() ({
          %run_scoped3A_96 = tpu.sem_alloc : memref<!tpu.dma_semaphore, #tpu.memory_space<semaphore_mem>>
          %dma_start3A_97 = arith.constant 0 : i32
          %dma_start3A_98 = tpu.memref_slice %arg3[%dma_start3A_97, %mul3A_88] : memref<2x327680xi32, #tpu.memory_space<hbm>> -> memref<2x128xi32, #tpu.memory_space<hbm>>
          %dma_start3A_99 = arith.constant 0 : i32
          %dma_start3A_100 = tpu.memref_slice %arg3[%dma_start3A_99, %mul3A_88] : memref<2x327680xi32, #tpu.memory_space<hbm>> -> memref<2x128xi32, #tpu.memory_space<hbm>>
          tpu.enqueue_dma source(%dma_start3A_100 : memref<2x128xi32, #tpu.memory_space<hbm>>) target(%arg5 : memref<2x128xi32, #tpu.memory_space<vmem>>) target_semaphore(%run_scoped3A_96 : memref<!tpu.dma_semaphore, #tpu.memory_space<semaphore_mem>>)
          %dma_wait3A_101 = arith.constant 0 : i32
          %dma_wait3A_102 = tpu.memref_slice %arg3[%dma_wait3A_101, %mul3A_88] : memref<2x327680xi32, #tpu.memory_space<hbm>> -> memref<2x128xi32, #tpu.memory_space<hbm>>
          %dma_wait3A_103 = arith.constant 0 : i32
          %dma_wait3A_104 = tpu.memref_slice %arg3[%dma_wait3A_103, %mul3A_88] : memref<2x327680xi32, #tpu.memory_space<hbm>> -> memref<2x128xi32, #tpu.memory_space<hbm>>
          tpu.wait_dma2 semaphore(%run_scoped3A_96 : memref<!tpu.dma_semaphore, #tpu.memory_space<semaphore_mem>>) src(%dma_wait3A_104 : memref<2x128xi32, #tpu.memory_space<hbm>>) dst(%arg5 : memref<2x128xi32, #tpu.memory_space<vmem>>)
          tpu.yield
        }) : () -> ()
        %dma_start3A_89 = arith.constant 0 : i32
        %dma_start3A_90 = arith.constant 0 : i32
        %dma_start3A_91 = tpu.memref_slice %arg5[%dma_start3A_89, %dma_start3A_90] : memref<2x128xi32, #tpu.memory_space<vmem>> -> memref<1x128xi32, #tpu.memory_space<vmem>>
        %dma_start3A_92 = tpu.memref_squeeze %dma_start3A_91 : memref<1x128xi32, #tpu.memory_space<vmem>> -> memref<128xi32, #tpu.memory_space<vmem>>
        %dma_start3A_93 = arith.constant 0 : i32
        %dma_start3A_94 = arith.constant 0 : i32
        %dma_start3A_95 = tpu.memref_slice %arg2[%dma_start3A_93, %dma_start3A_94] : memref<10000x128xf32, #tpu.memory_space<hbm>> -> memref<10000x128xf32, #tpu.memory_space<hbm>>
        tpu.enqueue_indirect_dma source(%dma_start3A_95 : memref<10000x128xf32, #tpu.memory_space<hbm>>) target(%arg7 : memref<128x128xf32, #tpu.memory_space<vmem>>) offsets(%dma_start3A_92 : memref<128xi32, #tpu.memory_space<vmem>>) semaphore(%arg11 : memref<!tpu.dma_semaphore, #tpu.memory_space<semaphore_mem>>)
      } else {
      }
      %dma_wait3A_67 = arith.constant 0 : i32
      %dma_wait3A_68 = arith.constant 0 : i32
      %dma_wait3A_69 = tpu.memref_slice %arg6[%dma_wait3A_67, %dma_wait3A_68] : memref<2x128xi32, #tpu.memory_space<vmem>> -> memref<1x128xi32, #tpu.memory_space<vmem>>
      %dma_wait3A_70 = tpu.memref_squeeze %dma_wait3A_69 : memref<1x128xi32, #tpu.memory_space<vmem>> -> memref<128xi32, #tpu.memory_space<vmem>>
      %dma_wait3A_71 = arith.constant 0 : i32
      %dma_wait3A_72 = arith.constant 0 : i32
      %dma_wait3A_73 = tpu.memref_slice %arg2[%dma_wait3A_71, %dma_wait3A_72] : memref<10000x128xf32, #tpu.memory_space<hbm>> -> memref<10000x128xf32, #tpu.memory_space<hbm>>
      tpu.wait_indirect_dma semaphore(%arg12 : memref<!tpu.dma_semaphore, #tpu.memory_space<semaphore_mem>>) src(%dma_wait3A_73 : memref<10000x128xf32, #tpu.memory_space<hbm>>) dst(%arg8 : memref<128x128xf32, #tpu.memory_space<vmem>>)
      %run_scoped3A_74 = arith.constant 1 : i32
      "tpu.region"() ({
        %run_scoped3A_80 = tpu.sem_alloc : memref<!tpu.dma_semaphore, #tpu.memory_space<semaphore_mem>>
        %dma_start3A_81 = arith.constant 0 : i32
        %dma_start3A_82 = tpu.memref_slice %arg6[%run_scoped3A_74, %dma_start3A_81] : memref<2x128xi32, #tpu.memory_space<vmem>> -> memref<1x128xi32, #tpu.memory_space<vmem>>
        %dma_start3A_83 = tpu.memref_squeeze %dma_start3A_82 : memref<1x128xi32, #tpu.memory_space<vmem>> -> memref<128xi32, #tpu.memory_space<vmem>>
        %dma_start3A_84 = arith.constant 0 : i32
        %dma_start3A_85 = arith.constant 0 : i32
        %dma_start3A_86 = tpu.memref_slice %arg10[%dma_start3A_84, %dma_start3A_85] : memref<10080x128xf32, #tpu.memory_space<vmem_shared>> -> memref<10080x128xf32, #tpu.memory_space<vmem_shared>>
        tpu.enqueue_indirect_dma source(%arg8 : memref<128x128xf32, #tpu.memory_space<vmem>>) target(%dma_start3A_86 : memref<10080x128xf32, #tpu.memory_space<vmem_shared>>) offsets(%dma_start3A_83 : memref<128xi32, #tpu.memory_space<vmem>>) semaphore(%run_scoped3A_80 : memref<!tpu.dma_semaphore, #tpu.memory_space<semaphore_mem>>) {add = true}
        %dma_wait3A_87 = arith.constant 0 : i32
        %dma_wait3A_88 = tpu.memref_slice %arg6[%run_scoped3A_74, %dma_wait3A_87] : memref<2x128xi32, #tpu.memory_space<vmem>> -> memref<1x128xi32, #tpu.memory_space<vmem>>
        %dma_wait3A_89 = tpu.memref_squeeze %dma_wait3A_88 : memref<1x128xi32, #tpu.memory_space<vmem>> -> memref<128xi32, #tpu.memory_space<vmem>>
        %dma_wait3A_90 = arith.constant 0 : i32
        %dma_wait3A_91 = arith.constant 0 : i32
        %dma_wait3A_92 = tpu.memref_slice %arg10[%dma_wait3A_90, %dma_wait3A_91] : memref<10080x128xf32, #tpu.memory_space<vmem_shared>> -> memref<10080x128xf32, #tpu.memory_space<vmem_shared>>
        tpu.wait_indirect_dma semaphore(%run_scoped3A_80 : memref<!tpu.dma_semaphore, #tpu.memory_space<semaphore_mem>>) src(%arg8 : memref<128x128xf32, #tpu.memory_space<vmem>>) dst(%dma_wait3A_92 : memref<10080x128xf32, #tpu.memory_space<vmem_shared>>)
        tpu.yield
      }) : () -> ()
      %lt3A_75 = arith.constant 39 : i32
      %lt3A_76 = arith.cmpi slt, %add3A_55, %lt3A_75 : i32
      %convert_element_type3A_77 = arith.extui %lt3A_76 : i1 to i32
      %cond3A_78 = arith.constant 0 : i32
      %cond3A_79 = arith.cmpi ne, %convert_element_type3A_77, %cond3A_78 : i32
      scf.if %cond3A_79 {
        %mul3A_80 = arith.constant 2 : i32
        %mul3A_81 = arith.muli %mul3A_80, %add3A_55 : i32
        %add3A_82 = arith.constant 3 : i32
        %add3A_83 = arith.addi %mul3A_81, %add3A_82 : i32
        %mul3A_84 = arith.constant 32 : i32
        %mul3A_85 = arith.muli %add3A_83, %mul3A_84 : i32
        %add3A_86 = arith.addi %mul3A_85, %add3A : i32
        %mul3A_87 = arith.constant 128 : i32
        %mul3A_88 = arith.muli %add3A_86, %mul3A_87 : i32
        "tpu.region"() ({
          %run_scoped3A_96 = tpu.sem_alloc : memref<!tpu.dma_semaphore, #tpu.memory_space<semaphore_mem>>
          %dma_start3A_97 = arith.constant 0 : i32
          %dma_start3A_98 = tpu.memref_slice %arg3[%dma_start3A_97, %mul3A_88] : memref<2x327680xi32, #tpu.memory_space<hbm>> -> memref<2x128xi32, #tpu.memory_space<hbm>>
          %dma_start3A_99 = arith.constant 0 : i32
          %dma_start3A_100 = tpu.memref_slice %arg3[%dma_start3A_99, %mul3A_88] : memref<2x327680xi32, #tpu.memory_space<hbm>> -> memref<2x128xi32, #tpu.memory_space<hbm>>
          tpu.enqueue_dma source(%dma_start3A_100 : memref<2x128xi32, #tpu.memory_space<hbm>>) target(%arg6 : memref<2x128xi32, #tpu.memory_space<vmem>>) target_semaphore(%run_scoped3A_96 : memref<!tpu.dma_semaphore, #tpu.memory_space<semaphore_mem>>)
          %dma_wait3A_101 = arith.constant 0 : i32
          %dma_wait3A_102 = tpu.memref_slice %arg3[%dma_wait3A_101, %mul3A_88] : memref<2x327680xi32, #tpu.memory_space<hbm>> -> memref<2x128xi32, #tpu.memory_space<hbm>>
          %dma_wait3A_103 = arith.constant 0 : i32
          %dma_wait3A_104 = tpu.memref_slice %arg3[%dma_wait3A_103, %mul3A_88] : memref<2x327680xi32, #tpu.memory_space<hbm>> -> memref<2x128xi32, #tpu.memory_space<hbm>>
          tpu.wait_dma2 semaphore(%run_scoped3A_96 : memref<!tpu.dma_semaphore, #tpu.memory_space<semaphore_mem>>) src(%dma_wait3A_104 : memref<2x128xi32, #tpu.memory_space<hbm>>) dst(%arg6 : memref<2x128xi32, #tpu.memory_space<vmem>>)
          tpu.yield
        }) : () -> ()
        %dma_start3A_89 = arith.constant 0 : i32
        %dma_start3A_90 = arith.constant 0 : i32
        %dma_start3A_91 = tpu.memref_slice %arg6[%dma_start3A_89, %dma_start3A_90] : memref<2x128xi32, #tpu.memory_space<vmem>> -> memref<1x128xi32, #tpu.memory_space<vmem>>
        %dma_start3A_92 = tpu.memref_squeeze %dma_start3A_91 : memref<1x128xi32, #tpu.memory_space<vmem>> -> memref<128xi32, #tpu.memory_space<vmem>>
        %dma_start3A_93 = arith.constant 0 : i32
        %dma_start3A_94 = arith.constant 0 : i32
        %dma_start3A_95 = tpu.memref_slice %arg2[%dma_start3A_93, %dma_start3A_94] : memref<10000x128xf32, #tpu.memory_space<hbm>> -> memref<10000x128xf32, #tpu.memory_space<hbm>>
        tpu.enqueue_indirect_dma source(%dma_start3A_95 : memref<10000x128xf32, #tpu.memory_space<hbm>>) target(%arg8 : memref<128x128xf32, #tpu.memory_space<vmem>>) offsets(%dma_start3A_92 : memref<128xi32, #tpu.memory_space<vmem>>) semaphore(%arg12 : memref<!tpu.dma_semaphore, #tpu.memory_space<semaphore_mem>>)
      } else {
      }
    }
    %scan3A_39 = arith.constant 40 : i32
    %barrier3A_40 = arith.constant 0 : index
    tpu.barrier barrier_id(%barrier3A_40)
    %scan3A_41 = arith.constant 0 : i32
    %scan3A_42 = arith.constant 7 : i32
    %scan3A_43 = arith.addi %scan3A_41, %scan3A_42 : i32
    %scan3A_44 = arith.constant 1 : i32
    scf.for %scan3A_51 = %scan3A_41 to %scan3A_43 step %scan3A_44  : i32 {
      %mul3A_52 = arith.constant 1 : i32
      %mul3A_53 = arith.muli %scan3A_51, %mul3A_52 : i32
      %add3A_54 = arith.constant 0 : i32
      %add3A_55 = arith.addi %add3A_54, %mul3A_53 : i32
      %mul3A_56 = arith.constant 16 : i32
      %mul3A_57 = arith.muli %add3A_55, %mul3A_56 : i32
      %add3A_58 = arith.addi %mul3A_57, %arg1 : i32
      %mul3A_59 = arith.constant 80 : i32
      %mul3A_60 = arith.muli %add3A_58, %mul3A_59 : i32
      %mul3A_61 = arith.constant 80 : i32
      %mul3A_62 = arith.muli %add3A_58, %mul3A_61 : i32
      "tpu.region"() ({
        %run_scoped3A = tpu.sem_alloc : memref<!tpu.dma_semaphore, #tpu.memory_space<semaphore_mem>>
        %dma_start3A_63 = arith.constant 0 : i32
        %dma_start3A_64 = tpu.memref_slice %arg4[%arg0, %mul3A_62, %dma_start3A_63] : memref<2x10000x128xf32, #tpu.memory_space<hbm>> -> memref<1x80x128xf32, #tpu.memory_space<hbm>>
        %dma_start3A_65 = tpu.memref_squeeze %dma_start3A_64 : memref<1x80x128xf32, #tpu.memory_space<hbm>> -> memref<80x128xf32, #tpu.memory_space<hbm>>
        %dma_start3A_66 = arith.constant 0 : i32
        %dma_start3A_67 = tpu.memref_slice %arg10[%mul3A_60, %dma_start3A_66] : memref<10080x128xf32, #tpu.memory_space<vmem_shared>> -> memref<80x128xf32, #tpu.memory_space<vmem_shared>>
        tpu.enqueue_dma source(%dma_start3A_67 : memref<80x128xf32, #tpu.memory_space<vmem_shared>>) target(%dma_start3A_65 : memref<80x128xf32, #tpu.memory_space<hbm>>) target_semaphore(%run_scoped3A : memref<!tpu.dma_semaphore, #tpu.memory_space<semaphore_mem>>)
        %dma_wait3A = arith.constant 0 : i32
        %dma_wait3A_68 = tpu.memref_slice %arg4[%arg0, %mul3A_62, %dma_wait3A] : memref<2x10000x128xf32, #tpu.memory_space<hbm>> -> memref<1x80x128xf32, #tpu.memory_space<hbm>>
        %dma_wait3A_69 = tpu.memref_squeeze %dma_wait3A_68 : memref<1x80x128xf32, #tpu.memory_space<hbm>> -> memref<80x128xf32, #tpu.memory_space<hbm>>
        %dma_wait3A_70 = arith.constant 0 : i32
        %dma_wait3A_71 = tpu.memref_slice %arg10[%mul3A_60, %dma_wait3A_70] : memref<10080x128xf32, #tpu.memory_space<vmem_shared>> -> memref<80x128xf32, #tpu.memory_space<vmem_shared>>
        tpu.wait_dma2 semaphore(%run_scoped3A : memref<!tpu.dma_semaphore, #tpu.memory_space<semaphore_mem>>) src(%dma_wait3A_71 : memref<80x128xf32, #tpu.memory_space<vmem_shared>>) dst(%dma_wait3A_69 : memref<80x128xf32, #tpu.memory_space<hbm>>)
        tpu.yield
      }) : () -> ()
    }
    %scan3A_45 = arith.constant 7 : i32
    %lt3A_46 = arith.constant 13 : i32
    %lt3A_47 = arith.cmpi slt, %arg1, %lt3A_46 : i32
    %convert_element_type3A_48 = arith.extui %lt3A_47 : i1 to i32
    %cond3A_49 = arith.constant 0 : i32
    %cond3A_50 = arith.cmpi ne, %convert_element_type3A_48, %cond3A_49 : i32
    scf.if %cond3A_50 {
      %add3A_51 = arith.constant 112 : i32
      %add3A_52 = arith.addi %add3A_51, %arg1 : i32
      %mul3A_53 = arith.constant 80 : i32
      %mul3A_54 = arith.muli %add3A_52, %mul3A_53 : i32
      %mul3A_55 = arith.constant 80 : i32
      %mul3A_56 = arith.muli %add3A_52, %mul3A_55 : i32
      "tpu.region"() ({
        %run_scoped3A = tpu.sem_alloc : memref<!tpu.dma_semaphore, #tpu.memory_space<semaphore_mem>>
        %dma_start3A_57 = arith.constant 0 : i32
        %dma_start3A_58 = tpu.memref_slice %arg4[%arg0, %mul3A_56, %dma_start3A_57] : memref<2x10000x128xf32, #tpu.memory_space<hbm>> -> memref<1x80x128xf32, #tpu.memory_space<hbm>>
        %dma_start3A_59 = tpu.memref_squeeze %dma_start3A_58 : memref<1x80x128xf32, #tpu.memory_space<hbm>> -> memref<80x128xf32, #tpu.memory_space<hbm>>
        %dma_start3A_60 = arith.constant 0 : i32
        %dma_start3A_61 = tpu.memref_slice %arg10[%mul3A_54, %dma_start3A_60] : memref<10080x128xf32, #tpu.memory_space<vmem_shared>> -> memref<80x128xf32, #tpu.memory_space<vmem_shared>>
        tpu.enqueue_dma source(%dma_start3A_61 : memref<80x128xf32, #tpu.memory_space<vmem_shared>>) target(%dma_start3A_59 : memref<80x128xf32, #tpu.memory_space<hbm>>) target_semaphore(%run_scoped3A : memref<!tpu.dma_semaphore, #tpu.memory_space<semaphore_mem>>)
        %dma_wait3A = arith.constant 0 : i32
        %dma_wait3A_62 = tpu.memref_slice %arg4[%arg0, %mul3A_56, %dma_wait3A] : memref<2x10000x128xf32, #tpu.memory_space<hbm>> -> memref<1x80x128xf32, #tpu.memory_space<hbm>>
        %dma_wait3A_63 = tpu.memref_squeeze %dma_wait3A_62 : memref<1x80x128xf32, #tpu.memory_space<hbm>> -> memref<80x128xf32, #tpu.memory_space<hbm>>
        %dma_wait3A_64 = arith.constant 0 : i32
        %dma_wait3A_65 = tpu.memref_slice %arg10[%mul3A_54, %dma_wait3A_64] : memref<10080x128xf32, #tpu.memory_space<vmem_shared>> -> memref<80x128xf32, #tpu.memory_space<vmem_shared>>
        tpu.wait_dma2 semaphore(%run_scoped3A : memref<!tpu.dma_semaphore, #tpu.memory_space<semaphore_mem>>) src(%dma_wait3A_65 : memref<80x128xf32, #tpu.memory_space<vmem_shared>>) dst(%dma_wait3A_63 : memref<80x128xf32, #tpu.memory_space<hbm>>)
        tpu.yield
      }) : () -> ()
    } else {
    }
    return
  }
}

#map = affine_map<(d0, d1) -> (0, 0)>
#map1 = affine_map<(d0, d1) -> (0, 0, 0)>
module attributes {stable_mosaic.version = 14 : i64} {
  func.func @k(%arg0: i32, %arg1: i32, %arg2: memref<10000x128xf32, #tpu.memory_space<hbm>>, %arg3: memref<2x327680xi32, #tpu.memory_space<hbm>>, %arg4: memref<2x10000x128xf32, #tpu.memory_space<hbm>>, %arg5: memref<2x128xi32, #tpu.memory_space<vmem>>, %arg6: memref<2x128xi32, #tpu.memory_space<vmem>>, %arg7: memref<128x128xf32, #tpu.memory_space<vmem>>, %arg8: memref<128x128xf32, #tpu.memory_space<vmem>>, %arg9: memref<80x128xf32, #tpu.memory_space<vmem>>, %arg10: memref<10080x128xf32, #tpu.memory_space<vmem_shared>>, %arg11: memref<!tpu.dma_semaphore, #tpu.memory_space<semaphore_mem>>, %arg12: memref<!tpu.dma_semaphore, #tpu.memory_space<semaphore_mem>>) attributes {dimension_semantics = [#tpu.dimension_semantics<core_parallel>, #tpu.dimension_semantics<subcore_parallel>], iteration_bounds = array<i64: 2, 16>, scalar_prefetch = 0 : i64, scratch_operands = 8 : i64, tpu.core_type = #tpu.core_type<sc_vector_subcore>, window_params = [{transform_indices = #map}, {transform_indices = #map}, {transform_indices = #map1}]} {
    %mul3A = arith.constant 16 : i32
    %mul3A_0 = arith.muli %arg0, %mul3A : i32
    %add3A = arith.addi %mul3A_0, %arg1 : i32
    %mul3A_1 = arith.constant 128 : i32
    %mul3A_2 = arith.muli %add3A, %mul3A_1 : i32
    "tpu.region"() ({
      %run_scoped3A = tpu.sem_alloc : memref<!tpu.dma_semaphore, #tpu.memory_space<semaphore_mem>>
      %dma_start3A_51 = arith.constant 0 : i32
      %dma_start3A_52 = tpu.memref_slice %arg3[%dma_start3A_51, %mul3A_2] : memref<2x327680xi32, #tpu.memory_space<hbm>> -> memref<2x128xi32, #tpu.memory_space<hbm>>
      %dma_start3A_53 = arith.constant 0 : i32
      %dma_start3A_54 = tpu.memref_slice %arg3[%dma_start3A_53, %mul3A_2] : memref<2x327680xi32, #tpu.memory_space<hbm>> -> memref<2x128xi32, #tpu.memory_space<hbm>>
      tpu.enqueue_dma source(%dma_start3A_54 : memref<2x128xi32, #tpu.memory_space<hbm>>) target(%arg5 : memref<2x128xi32, #tpu.memory_space<vmem>>) target_semaphore(%run_scoped3A : memref<!tpu.dma_semaphore, #tpu.memory_space<semaphore_mem>>)
      %dma_wait3A = arith.constant 0 : i32
      %dma_wait3A_55 = tpu.memref_slice %arg3[%dma_wait3A, %mul3A_2] : memref<2x327680xi32, #tpu.memory_space<hbm>> -> memref<2x128xi32, #tpu.memory_space<hbm>>
      %dma_wait3A_56 = arith.constant 0 : i32
      %dma_wait3A_57 = tpu.memref_slice %arg3[%dma_wait3A_56, %mul3A_2] : memref<2x327680xi32, #tpu.memory_space<hbm>> -> memref<2x128xi32, #tpu.memory_space<hbm>>
      tpu.wait_dma2 semaphore(%run_scoped3A : memref<!tpu.dma_semaphore, #tpu.memory_space<semaphore_mem>>) src(%dma_wait3A_57 : memref<2x128xi32, #tpu.memory_space<hbm>>) dst(%arg5 : memref<2x128xi32, #tpu.memory_space<vmem>>)
      tpu.yield
    }) : () -> ()
    %dma_start3A = arith.constant 0 : i32
    %dma_start3A_3 = arith.constant 0 : i32
    %dma_start3A_4 = tpu.memref_slice %arg5[%dma_start3A, %dma_start3A_3] : memref<2x128xi32, #tpu.memory_space<vmem>> -> memref<1x128xi32, #tpu.memory_space<vmem>>
    %dma_start3A_5 = tpu.memref_squeeze %dma_start3A_4 : memref<1x128xi32, #tpu.memory_space<vmem>> -> memref<128xi32, #tpu.memory_space<vmem>>
    %dma_start3A_6 = arith.constant 0 : i32
    %dma_start3A_7 = arith.constant 0 : i32
    %dma_start3A_8 = tpu.memref_slice %arg2[%dma_start3A_6, %dma_start3A_7] : memref<10000x128xf32, #tpu.memory_space<hbm>> -> memref<10000x128xf32, #tpu.memory_space<hbm>>
    tpu.enqueue_indirect_dma source(%dma_start3A_8 : memref<10000x128xf32, #tpu.memory_space<hbm>>) target(%arg7 : memref<128x128xf32, #tpu.memory_space<vmem>>) offsets(%dma_start3A_5 : memref<128xi32, #tpu.memory_space<vmem>>) semaphore(%arg11 : memref<!tpu.dma_semaphore, #tpu.memory_space<semaphore_mem>>)
    %add3A_9 = arith.constant 32 : i32
    %add3A_10 = arith.addi %add3A_9, %add3A : i32
    %mul3A_11 = arith.constant 128 : i32
    %mul3A_12 = arith.muli %add3A_10, %mul3A_11 : i32
    "tpu.region"() ({
      %run_scoped3A = tpu.sem_alloc : memref<!tpu.dma_semaphore, #tpu.memory_space<semaphore_mem>>
      %dma_start3A_51 = arith.constant 0 : i32
      %dma_start3A_52 = tpu.memref_slice %arg3[%dma_start3A_51, %mul3A_12] : memref<2x327680xi32, #tpu.memory_space<hbm>> -> memref<2x128xi32, #tpu.memory_space<hbm>>
      %dma_start3A_53 = arith.constant 0 : i32
      %dma_start3A_54 = tpu.memref_slice %arg3[%dma_start3A_53, %mul3A_12] : memref<2x327680xi32, #tpu.memory_space<hbm>> -> memref<2x128xi32, #tpu.memory_space<hbm>>
      tpu.enqueue_dma source(%dma_start3A_54 : memref<2x128xi32, #tpu.memory_space<hbm>>) target(%arg6 : memref<2x128xi32, #tpu.memory_space<vmem>>) target_semaphore(%run_scoped3A : memref<!tpu.dma_semaphore, #tpu.memory_space<semaphore_mem>>)
      %dma_wait3A = arith.constant 0 : i32
      %dma_wait3A_55 = tpu.memref_slice %arg3[%dma_wait3A, %mul3A_12] : memref<2x327680xi32, #tpu.memory_space<hbm>> -> memref<2x128xi32, #tpu.memory_space<hbm>>
      %dma_wait3A_56 = arith.constant 0 : i32
      %dma_wait3A_57 = tpu.memref_slice %arg3[%dma_wait3A_56, %mul3A_12] : memref<2x327680xi32, #tpu.memory_space<hbm>> -> memref<2x128xi32, #tpu.memory_space<hbm>>
      tpu.wait_dma2 semaphore(%run_scoped3A : memref<!tpu.dma_semaphore, #tpu.memory_space<semaphore_mem>>) src(%dma_wait3A_57 : memref<2x128xi32, #tpu.memory_space<hbm>>) dst(%arg6 : memref<2x128xi32, #tpu.memory_space<vmem>>)
      tpu.yield
    }) : () -> ()
    %dma_start3A_13 = arith.constant 0 : i32
    %dma_start3A_14 = arith.constant 0 : i32
    %dma_start3A_15 = tpu.memref_slice %arg6[%dma_start3A_13, %dma_start3A_14] : memref<2x128xi32, #tpu.memory_space<vmem>> -> memref<1x128xi32, #tpu.memory_space<vmem>>
    %dma_start3A_16 = tpu.memref_squeeze %dma_start3A_15 : memref<1x128xi32, #tpu.memory_space<vmem>> -> memref<128xi32, #tpu.memory_space<vmem>>
    %dma_start3A_17 = arith.constant 0 : i32
    %dma_start3A_18 = arith.constant 0 : i32
    %dma_start3A_19 = tpu.memref_slice %arg2[%dma_start3A_17, %dma_start3A_18] : memref<10000x128xf32, #tpu.memory_space<hbm>> -> memref<10000x128xf32, #tpu.memory_space<hbm>>
    tpu.enqueue_indirect_dma source(%dma_start3A_19 : memref<10000x128xf32, #tpu.memory_space<hbm>>) target(%arg8 : memref<128x128xf32, #tpu.memory_space<vmem>>) offsets(%dma_start3A_16 : memref<128xi32, #tpu.memory_space<vmem>>) semaphore(%arg12 : memref<!tpu.dma_semaphore, #tpu.memory_space<semaphore_mem>>)
    %scan3A = arith.constant 0 : i32
    %scan3A_20 = arith.constant 80 : i32
    %scan3A_21 = arith.addi %scan3A, %scan3A_20 : i32
    %scan3A_22 = arith.constant 1 : i32
    scf.for %scan3A_51 = %scan3A to %scan3A_21 step %scan3A_22  : i32 {
      %mul3A_52 = arith.constant 1 : i32
      %mul3A_53 = arith.muli %scan3A_51, %mul3A_52 : i32
      %add3A_54 = arith.constant 0 : i32
      %add3A_55 = arith.addi %add3A_54, %mul3A_53 : i32
      %scan3A_56 = arith.constant 0 : i32
      %scan3A_57 = arith.constant 8 : i32
      %scan3A_58 = arith.addi %scan3A_56, %scan3A_57 : i32
      %scan3A_59 = arith.constant 1 : i32
      scf.for %scan3A_61 = %scan3A_56 to %scan3A_58 step %scan3A_59  : i32 {
        %mul3A_62 = arith.constant 16 : i32
        %mul3A_63 = arith.muli %scan3A_61, %mul3A_62 : i32
        %add3A_64 = arith.constant 0 : i32
        %add3A_65 = arith.addi %add3A_64, %mul3A_63 : i32
        %broadcast_in_dim3A = arith.constant 0.000000e+00 : f32
        %broadcast_in_dim3A_66 = vector.broadcast %broadcast_in_dim3A : f32 to vector<16xf32>
        %swap3A = arith.index_cast %add3A_55 : i32 to index
        %swap3A_67 = arith.index_cast %add3A_65 : i32 to index
        %swap3A_68 = tpu.vector_load %arg9[%swap3A, %swap3A_67] {strides = array<i32>} : memref<80x128xf32, #tpu.memory_space<vmem>>, vector<1x16xf32>,
        %swap3A_69 = vector.shape_cast %swap3A_68 : vector<1x16xf32> to vector<16xf32>
        %swap3A_70 = vector.shape_cast %broadcast_in_dim3A_66 : vector<16xf32> to vector<1x16xf32>
        tpu.vector_store %arg9[%swap3A, %swap3A_67], %swap3A_70 {strides = array<i32>} : memref<80x128xf32, #tpu.memory_space<vmem>>, vector<1x16xf32>,
      }
      %scan3A_60 = arith.constant 8 : i32
    }
    %scan3A_23 = arith.constant 80 : i32
    %scan3A_24 = arith.constant 0 : i32
    %scan3A_25 = arith.constant 7 : i32
    %scan3A_26 = arith.addi %scan3A_24, %scan3A_25 : i32
    %scan3A_27 = arith.constant 1 : i32
    scf.for %scan3A_51 = %scan3A_24 to %scan3A_26 step %scan3A_27  : i32 {
      %mul3A_52 = arith.constant 1 : i32
      %mul3A_53 = arith.muli %scan3A_51, %mul3A_52 : i32
      %add3A_54 = arith.constant 0 : i32
      %add3A_55 = arith.addi %add3A_54, %mul3A_53 : i32
      %mul3A_56 = arith.constant 16 : i32
      %mul3A_57 = arith.muli %add3A_55, %mul3A_56 : i32
      %add3A_58 = arith.addi %mul3A_57, %arg1 : i32
      %mul3A_59 = arith.constant 80 : i32
      %mul3A_60 = arith.muli %add3A_58, %mul3A_59 : i32
      "tpu.region"() ({
        %run_scoped3A = tpu.sem_alloc : memref<!tpu.dma_semaphore, #tpu.memory_space<semaphore_mem>>
        %dma_start3A_61 = arith.constant 0 : i32
        %dma_start3A_62 = arith.constant 0 : i32
        %dma_start3A_63 = tpu.memref_slice %arg9[%dma_start3A_61, %dma_start3A_62] : memref<80x128xf32, #tpu.memory_space<vmem>> -> memref<80x128xf32, #tpu.memory_space<vmem>>
        %dma_start3A_64 = arith.constant 0 : i32
        %dma_start3A_65 = tpu.memref_slice %arg10[%mul3A_60, %dma_start3A_64] : memref<10080x128xf32, #tpu.memory_space<vmem_shared>> -> memref<80x128xf32, #tpu.memory_space<vmem_shared>>
        %dma_start3A_66 = arith.constant 0 : i32
        %dma_start3A_67 = tpu.memref_slice %arg10[%mul3A_60, %dma_start3A_66] : memref<10080x128xf32, #tpu.memory_space<vmem_shared>> -> memref<80x128xf32, #tpu.memory_space<vmem_shared>>
        %dma_start3A_68 = arith.constant 0 : i32
        %dma_start3A_69 = arith.constant 0 : i32
        %dma_start3A_70 = tpu.memref_slice %arg9[%dma_start3A_68, %dma_start3A_69] : memref<80x128xf32, #tpu.memory_space<vmem>> -> memref<80x128xf32, #tpu.memory_space<vmem>>
        tpu.enqueue_dma source(%dma_start3A_70 : memref<80x128xf32, #tpu.memory_space<vmem>>) target(%dma_start3A_67 : memref<80x128xf32, #tpu.memory_space<vmem_shared>>) target_semaphore(%run_scoped3A : memref<!tpu.dma_semaphore, #tpu.memory_space<semaphore_mem>>)
        %dma_wait3A = arith.constant 0 : i32
        %dma_wait3A_71 = arith.constant 0 : i32
        %dma_wait3A_72 = tpu.memref_slice %arg9[%dma_wait3A, %dma_wait3A_71] : memref<80x128xf32, #tpu.memory_space<vmem>> -> memref<80x128xf32, #tpu.memory_space<vmem>>
        %dma_wait3A_73 = arith.constant 0 : i32
        %dma_wait3A_74 = tpu.memref_slice %arg10[%mul3A_60, %dma_wait3A_73] : memref<10080x128xf32, #tpu.memory_space<vmem_shared>> -> memref<80x128xf32, #tpu.memory_space<vmem_shared>>
        %dma_wait3A_75 = arith.constant 0 : i32
        %dma_wait3A_76 = tpu.memref_slice %arg10[%mul3A_60, %dma_wait3A_75] : memref<10080x128xf32, #tpu.memory_space<vmem_shared>> -> memref<80x128xf32, #tpu.memory_space<vmem_shared>>
        %dma_wait3A_77 = arith.constant 0 : i32
        %dma_wait3A_78 = arith.constant 0 : i32
        %dma_wait3A_79 = tpu.memref_slice %arg9[%dma_wait3A_77, %dma_wait3A_78] : memref<80x128xf32, #tpu.memory_space<vmem>> -> memref<80x128xf32, #tpu.memory_space<vmem>>
        tpu.wait_dma2 semaphore(%run_scoped3A : memref<!tpu.dma_semaphore, #tpu.memory_space<semaphore_mem>>) src(%dma_wait3A_79 : memref<80x128xf32, #tpu.memory_space<vmem>>) dst(%dma_wait3A_76 : memref<80x128xf32, #tpu.memory_space<vmem_shared>>)
        tpu.yield
      }) : () -> ()
    }
    %scan3A_28 = arith.constant 7 : i32
    %lt3A = arith.constant 13 : i32
    %lt3A_29 = arith.cmpi slt, %arg1, %lt3A : i32
    %convert_element_type3A = arith.extui %lt3A_29 : i1 to i32
    %cond3A = arith.constant 0 : i32
    %cond3A_30 = arith.cmpi ne, %convert_element_type3A, %cond3A : i32
    scf.if %cond3A_30 {
      %add3A_51 = arith.constant 112 : i32
      %add3A_52 = arith.addi %add3A_51, %arg1 : i32
      %mul3A_53 = arith.constant 80 : i32
      %mul3A_54 = arith.muli %add3A_52, %mul3A_53 : i32
      "tpu.region"() ({
        %run_scoped3A = tpu.sem_alloc : memref<!tpu.dma_semaphore, #tpu.memory_space<semaphore_mem>>
        %dma_start3A_55 = arith.constant 0 : i32
        %dma_start3A_56 = arith.constant 0 : i32
        %dma_start3A_57 = tpu.memref_slice %arg9[%dma_start3A_55, %dma_start3A_56] : memref<80x128xf32, #tpu.memory_space<vmem>> -> memref<80x128xf32, #tpu.memory_space<vmem>>
        %dma_start3A_58 = arith.constant 0 : i32
        %dma_start3A_59 = tpu.memref_slice %arg10[%mul3A_54, %dma_start3A_58] : memref<10080x128xf32, #tpu.memory_space<vmem_shared>> -> memref<80x128xf32, #tpu.memory_space<vmem_shared>>
        %dma_start3A_60 = arith.constant 0 : i32
        %dma_start3A_61 = tpu.memref_slice %arg10[%mul3A_54, %dma_start3A_60] : memref<10080x128xf32, #tpu.memory_space<vmem_shared>> -> memref<80x128xf32, #tpu.memory_space<vmem_shared>>
        %dma_start3A_62 = arith.constant 0 : i32
        %dma_start3A_63 = arith.constant 0 : i32
        %dma_start3A_64 = tpu.memref_slice %arg9[%dma_start3A_62, %dma_start3A_63] : memref<80x128xf32, #tpu.memory_space<vmem>> -> memref<80x128xf32, #tpu.memory_space<vmem>>
        tpu.enqueue_dma source(%dma_start3A_64 : memref<80x128xf32, #tpu.memory_space<vmem>>) target(%dma_start3A_61 : memref<80x128xf32, #tpu.memory_space<vmem_shared>>) target_semaphore(%run_scoped3A : memref<!tpu.dma_semaphore, #tpu.memory_space<semaphore_mem>>)
        %dma_wait3A = arith.constant 0 : i32
        %dma_wait3A_65 = arith.constant 0 : i32
        %dma_wait3A_66 = tpu.memref_slice %arg9[%dma_wait3A, %dma_wait3A_65] : memref<80x128xf32, #tpu.memory_space<vmem>> -> memref<80x128xf32, #tpu.memory_space<vmem>>
        %dma_wait3A_67 = arith.constant 0 : i32
        %dma_wait3A_68 = tpu.memref_slice %arg10[%mul3A_54, %dma_wait3A_67] : memref<10080x128xf32, #tpu.memory_space<vmem_shared>> -> memref<80x128xf32, #tpu.memory_space<vmem_shared>>
        %dma_wait3A_69 = arith.constant 0 : i32
        %dma_wait3A_70 = tpu.memref_slice %arg10[%mul3A_54, %dma_wait3A_69] : memref<10080x128xf32, #tpu.memory_space<vmem_shared>> -> memref<80x128xf32, #tpu.memory_space<vmem_shared>>
        %dma_wait3A_71 = arith.constant 0 : i32
        %dma_wait3A_72 = arith.constant 0 : i32
        %dma_wait3A_73 = tpu.memref_slice %arg9[%dma_wait3A_71, %dma_wait3A_72] : memref<80x128xf32, #tpu.memory_space<vmem>> -> memref<80x128xf32, #tpu.memory_space<vmem>>
        tpu.wait_dma2 semaphore(%run_scoped3A : memref<!tpu.dma_semaphore, #tpu.memory_space<semaphore_mem>>) src(%dma_wait3A_73 : memref<80x128xf32, #tpu.memory_space<vmem>>) dst(%dma_wait3A_70 : memref<80x128xf32, #tpu.memory_space<vmem_shared>>)
        tpu.yield
      }) : () -> ()
    } else {
    }
    %eq3A = arith.constant 15 : i32
    %eq3A_31 = arith.cmpi eq, %arg1, %eq3A : i32
    %convert_element_type3A_32 = arith.extui %eq3A_31 : i1 to i32
    %cond3A_33 = arith.constant 0 : i32
    %cond3A_34 = arith.cmpi ne, %convert_element_type3A_32, %cond3A_33 : i32
    scf.if %cond3A_34 {
      "tpu.region"() ({
        %run_scoped3A = tpu.sem_alloc : memref<!tpu.dma_semaphore, #tpu.memory_space<semaphore_mem>>
        %dma_start3A_51 = arith.constant 0 : i32
        %dma_start3A_52 = arith.constant 0 : i32
        %dma_start3A_53 = tpu.memref_slice %arg9[%dma_start3A_51, %dma_start3A_52] : memref<80x128xf32, #tpu.memory_space<vmem>> -> memref<80x128xf32, #tpu.memory_space<vmem>>
        %dma_start3A_54 = arith.constant 10000 : i32
        %dma_start3A_55 = arith.constant 0 : i32
        %dma_start3A_56 = tpu.memref_slice %arg10[%dma_start3A_54, %dma_start3A_55] : memref<10080x128xf32, #tpu.memory_space<vmem_shared>> -> memref<80x128xf32, #tpu.memory_space<vmem_shared>>
        %dma_start3A_57 = arith.constant 10000 : i32
        %dma_start3A_58 = arith.constant 0 : i32
        %dma_start3A_59 = tpu.memref_slice %arg10[%dma_start3A_57, %dma_start3A_58] : memref<10080x128xf32, #tpu.memory_space<vmem_shared>> -> memref<80x128xf32, #tpu.memory_space<vmem_shared>>
        %dma_start3A_60 = arith.constant 0 : i32
        %dma_start3A_61 = arith.constant 0 : i32
        %dma_start3A_62 = tpu.memref_slice %arg9[%dma_start3A_60, %dma_start3A_61] : memref<80x128xf32, #tpu.memory_space<vmem>> -> memref<80x128xf32, #tpu.memory_space<vmem>>
        tpu.enqueue_dma source(%dma_start3A_62 : memref<80x128xf32, #tpu.memory_space<vmem>>) target(%dma_start3A_59 : memref<80x128xf32, #tpu.memory_space<vmem_shared>>) target_semaphore(%run_scoped3A : memref<!tpu.dma_semaphore, #tpu.memory_space<semaphore_mem>>)
        %dma_wait3A = arith.constant 0 : i32
        %dma_wait3A_63 = arith.constant 0 : i32
        %dma_wait3A_64 = tpu.memref_slice %arg9[%dma_wait3A, %dma_wait3A_63] : memref<80x128xf32, #tpu.memory_space<vmem>> -> memref<80x128xf32, #tpu.memory_space<vmem>>
        %dma_wait3A_65 = arith.constant 10000 : i32
        %dma_wait3A_66 = arith.constant 0 : i32
        %dma_wait3A_67 = tpu.memref_slice %arg10[%dma_wait3A_65, %dma_wait3A_66] : memref<10080x128xf32, #tpu.memory_space<vmem_shared>> -> memref<80x128xf32, #tpu.memory_space<vmem_shared>>
        %dma_wait3A_68 = arith.constant 10000 : i32
        %dma_wait3A_69 = arith.constant 0 : i32
        %dma_wait3A_70 = tpu.memref_slice %arg10[%dma_wait3A_68, %dma_wait3A_69] : memref<10080x128xf32, #tpu.memory_space<vmem_shared>> -> memref<80x128xf32, #tpu.memory_space<vmem_shared>>
        %dma_wait3A_71 = arith.constant 0 : i32
        %dma_wait3A_72 = arith.constant 0 : i32
        %dma_wait3A_73 = tpu.memref_slice %arg9[%dma_wait3A_71, %dma_wait3A_72] : memref<80x128xf32, #tpu.memory_space<vmem>> -> memref<80x128xf32, #tpu.memory_space<vmem>>
        tpu.wait_dma2 semaphore(%run_scoped3A : memref<!tpu.dma_semaphore, #tpu.memory_space<semaphore_mem>>) src(%dma_wait3A_73 : memref<80x128xf32, #tpu.memory_space<vmem>>) dst(%dma_wait3A_70 : memref<80x128xf32, #tpu.memory_space<vmem_shared>>)
        tpu.yield
      }) : () -> ()
    } else {
    }
    %barrier3A = arith.constant 0 : index
    tpu.barrier barrier_id(%barrier3A)
    %scan3A_35 = arith.constant 0 : i32
    %scan3A_36 = arith.constant 40 : i32
    %scan3A_37 = arith.addi %scan3A_35, %scan3A_36 : i32
    %scan3A_38 = arith.constant 1 : i32
    scf.for %scan3A_51 = %scan3A_35 to %scan3A_37 step %scan3A_38  : i32 {
      %mul3A_52 = arith.constant 1 : i32
      %mul3A_53 = arith.muli %scan3A_51, %mul3A_52 : i32
      %add3A_54 = arith.constant 0 : i32
      %add3A_55 = arith.addi %add3A_54, %mul3A_53 : i32
      %dma_wait3A = arith.constant 0 : i32
      %dma_wait3A_56 = arith.constant 0 : i32
      %dma_wait3A_57 = tpu.memref_slice %arg5[%dma_wait3A, %dma_wait3A_56] : memref<2x128xi32, #tpu.memory_space<vmem>> -> memref<1x128xi32, #tpu.memory_space<vmem>>
      %dma_wait3A_58 = tpu.memref_squeeze %dma_wait3A_57 : memref<1x128xi32, #tpu.memory_space<vmem>> -> memref<128xi32, #tpu.memory_space<vmem>>
      %dma_wait3A_59 = arith.constant 0 : i32
      %dma_wait3A_60 = arith.constant 0 : i32
      %dma_wait3A_61 = tpu.memref_slice %arg2[%dma_wait3A_59, %dma_wait3A_60] : memref<10000x128xf32, #tpu.memory_space<hbm>> -> memref<10000x128xf32, #tpu.memory_space<hbm>>
      tpu.wait_indirect_dma semaphore(%arg11 : memref<!tpu.dma_semaphore, #tpu.memory_space<semaphore_mem>>) src(%dma_wait3A_61 : memref<10000x128xf32, #tpu.memory_space<hbm>>) dst(%arg7 : memref<128x128xf32, #tpu.memory_space<vmem>>)
      %run_scoped3A = arith.constant 1 : i32
      "tpu.region"() ({
        %run_scoped3A_80 = tpu.sem_alloc : memref<!tpu.dma_semaphore, #tpu.memory_space<semaphore_mem>>
        %dma_start3A_81 = arith.constant 0 : i32
        %dma_start3A_82 = tpu.memref_slice %arg5[%run_scoped3A, %dma_start3A_81] : memref<2x128xi32, #tpu.memory_space<vmem>> -> memref<1x128xi32, #tpu.memory_space<vmem>>
        %dma_start3A_83 = tpu.memref_squeeze %dma_start3A_82 : memref<1x128xi32, #tpu.memory_space<vmem>> -> memref<128xi32, #tpu.memory_space<vmem>>
        %dma_start3A_84 = arith.constant 0 : i32
        %dma_start3A_85 = arith.constant 0 : i32
        %dma_start3A_86 = tpu.memref_slice %arg10[%dma_start3A_84, %dma_start3A_85] : memref<10080x128xf32, #tpu.memory_space<vmem_shared>> -> memref<10080x128xf32, #tpu.memory_space<vmem_shared>>
        tpu.enqueue_indirect_dma source(%arg7 : memref<128x128xf32, #tpu.memory_space<vmem>>) target(%dma_start3A_86 : memref<10080x128xf32, #tpu.memory_space<vmem_shared>>) offsets(%dma_start3A_83 : memref<128xi32, #tpu.memory_space<vmem>>) semaphore(%run_scoped3A_80 : memref<!tpu.dma_semaphore, #tpu.memory_space<semaphore_mem>>) {add = true}
        %dma_wait3A_87 = arith.constant 0 : i32
        %dma_wait3A_88 = tpu.memref_slice %arg5[%run_scoped3A, %dma_wait3A_87] : memref<2x128xi32, #tpu.memory_space<vmem>> -> memref<1x128xi32, #tpu.memory_space<vmem>>
        %dma_wait3A_89 = tpu.memref_squeeze %dma_wait3A_88 : memref<1x128xi32, #tpu.memory_space<vmem>> -> memref<128xi32, #tpu.memory_space<vmem>>
        %dma_wait3A_90 = arith.constant 0 : i32
        %dma_wait3A_91 = arith.constant 0 : i32
        %dma_wait3A_92 = tpu.memref_slice %arg10[%dma_wait3A_90, %dma_wait3A_91] : memref<10080x128xf32, #tpu.memory_space<vmem_shared>> -> memref<10080x128xf32, #tpu.memory_space<vmem_shared>>
        tpu.wait_indirect_dma semaphore(%run_scoped3A_80 : memref<!tpu.dma_semaphore, #tpu.memory_space<semaphore_mem>>) src(%arg7 : memref<128x128xf32, #tpu.memory_space<vmem>>) dst(%dma_wait3A_92 : memref<10080x128xf32, #tpu.memory_space<vmem_shared>>)
        tpu.yield
      }) : () -> ()
      %lt3A_62 = arith.constant 39 : i32
      %lt3A_63 = arith.cmpi slt, %add3A_55, %lt3A_62 : i32
      %convert_element_type3A_64 = arith.extui %lt3A_63 : i1 to i32
      %cond3A_65 = arith.constant 0 : i32
      %cond3A_66 = arith.cmpi ne, %convert_element_type3A_64, %cond3A_65 : i32
      scf.if %cond3A_66 {
        %mul3A_80 = arith.constant 2 : i32
        %mul3A_81 = arith.muli %mul3A_80, %add3A_55 : i32
        %add3A_82 = arith.constant 2 : i32
        %add3A_83 = arith.addi %mul3A_81, %add3A_82 : i32
        %mul3A_84 = arith.constant 32 : i32
        %mul3A_85 = arith.muli %add3A_83, %mul3A_84 : i32
        %add3A_86 = arith.addi %mul3A_85, %add3A : i32
        %mul3A_87 = arith.constant 128 : i32
        %mul3A_88 = arith.muli %add3A_86, %mul3A_87 : i32
        "tpu.region"() ({
          %run_scoped3A_96 = tpu.sem_alloc : memref<!tpu.dma_semaphore, #tpu.memory_space<semaphore_mem>>
          %dma_start3A_97 = arith.constant 0 : i32
          %dma_start3A_98 = tpu.memref_slice %arg3[%dma_start3A_97, %mul3A_88] : memref<2x327680xi32, #tpu.memory_space<hbm>> -> memref<2x128xi32, #tpu.memory_space<hbm>>
          %dma_start3A_99 = arith.constant 0 : i32
          %dma_start3A_100 = tpu.memref_slice %arg3[%dma_start3A_99, %mul3A_88] : memref<2x327680xi32, #tpu.memory_space<hbm>> -> memref<2x128xi32, #tpu.memory_space<hbm>>
          tpu.enqueue_dma source(%dma_start3A_100 : memref<2x128xi32, #tpu.memory_space<hbm>>) target(%arg5 : memref<2x128xi32, #tpu.memory_space<vmem>>) target_semaphore(%run_scoped3A_96 : memref<!tpu.dma_semaphore, #tpu.memory_space<semaphore_mem>>)
          %dma_wait3A_101 = arith.constant 0 : i32
          %dma_wait3A_102 = tpu.memref_slice %arg3[%dma_wait3A_101, %mul3A_88] : memref<2x327680xi32, #tpu.memory_space<hbm>> -> memref<2x128xi32, #tpu.memory_space<hbm>>
          %dma_wait3A_103 = arith.constant 0 : i32
          %dma_wait3A_104 = tpu.memref_slice %arg3[%dma_wait3A_103, %mul3A_88] : memref<2x327680xi32, #tpu.memory_space<hbm>> -> memref<2x128xi32, #tpu.memory_space<hbm>>
          tpu.wait_dma2 semaphore(%run_scoped3A_96 : memref<!tpu.dma_semaphore, #tpu.memory_space<semaphore_mem>>) src(%dma_wait3A_104 : memref<2x128xi32, #tpu.memory_space<hbm>>) dst(%arg5 : memref<2x128xi32, #tpu.memory_space<vmem>>)
          tpu.yield
        }) : () -> ()
        %dma_start3A_89 = arith.constant 0 : i32
        %dma_start3A_90 = arith.constant 0 : i32
        %dma_start3A_91 = tpu.memref_slice %arg5[%dma_start3A_89, %dma_start3A_90] : memref<2x128xi32, #tpu.memory_space<vmem>> -> memref<1x128xi32, #tpu.memory_space<vmem>>
        %dma_start3A_92 = tpu.memref_squeeze %dma_start3A_91 : memref<1x128xi32, #tpu.memory_space<vmem>> -> memref<128xi32, #tpu.memory_space<vmem>>
        %dma_start3A_93 = arith.constant 0 : i32
        %dma_start3A_94 = arith.constant 0 : i32
        %dma_start3A_95 = tpu.memref_slice %arg2[%dma_start3A_93, %dma_start3A_94] : memref<10000x128xf32, #tpu.memory_space<hbm>> -> memref<10000x128xf32, #tpu.memory_space<hbm>>
        tpu.enqueue_indirect_dma source(%dma_start3A_95 : memref<10000x128xf32, #tpu.memory_space<hbm>>) target(%arg7 : memref<128x128xf32, #tpu.memory_space<vmem>>) offsets(%dma_start3A_92 : memref<128xi32, #tpu.memory_space<vmem>>) semaphore(%arg11 : memref<!tpu.dma_semaphore, #tpu.memory_space<semaphore_mem>>)
      } else {
      }
      %dma_wait3A_67 = arith.constant 0 : i32
      %dma_wait3A_68 = arith.constant 0 : i32
      %dma_wait3A_69 = tpu.memref_slice %arg6[%dma_wait3A_67, %dma_wait3A_68] : memref<2x128xi32, #tpu.memory_space<vmem>> -> memref<1x128xi32, #tpu.memory_space<vmem>>
      %dma_wait3A_70 = tpu.memref_squeeze %dma_wait3A_69 : memref<1x128xi32, #tpu.memory_space<vmem>> -> memref<128xi32, #tpu.memory_space<vmem>>
      %dma_wait3A_71 = arith.constant 0 : i32
      %dma_wait3A_72 = arith.constant 0 : i32
      %dma_wait3A_73 = tpu.memref_slice %arg2[%dma_wait3A_71, %dma_wait3A_72] : memref<10000x128xf32, #tpu.memory_space<hbm>> -> memref<10000x128xf32, #tpu.memory_space<hbm>>
      tpu.wait_indirect_dma semaphore(%arg12 : memref<!tpu.dma_semaphore, #tpu.memory_space<semaphore_mem>>) src(%dma_wait3A_73 : memref<10000x128xf32, #tpu.memory_space<hbm>>) dst(%arg8 : memref<128x128xf32, #tpu.memory_space<vmem>>)
      %run_scoped3A_74 = arith.constant 1 : i32
      "tpu.region"() ({
        %run_scoped3A_80 = tpu.sem_alloc : memref<!tpu.dma_semaphore, #tpu.memory_space<semaphore_mem>>
        %dma_start3A_81 = arith.constant 0 : i32
        %dma_start3A_82 = tpu.memref_slice %arg6[%run_scoped3A_74, %dma_start3A_81] : memref<2x128xi32, #tpu.memory_space<vmem>> -> memref<1x128xi32, #tpu.memory_space<vmem>>
        %dma_start3A_83 = tpu.memref_squeeze %dma_start3A_82 : memref<1x128xi32, #tpu.memory_space<vmem>> -> memref<128xi32, #tpu.memory_space<vmem>>
        %dma_start3A_84 = arith.constant 0 : i32
        %dma_start3A_85 = arith.constant 0 : i32
        %dma_start3A_86 = tpu.memref_slice %arg10[%dma_start3A_84, %dma_start3A_85] : memref<10080x128xf32, #tpu.memory_space<vmem_shared>> -> memref<10080x128xf32, #tpu.memory_space<vmem_shared>>
        tpu.enqueue_indirect_dma source(%arg8 : memref<128x128xf32, #tpu.memory_space<vmem>>) target(%dma_start3A_86 : memref<10080x128xf32, #tpu.memory_space<vmem_shared>>) offsets(%dma_start3A_83 : memref<128xi32, #tpu.memory_space<vmem>>) semaphore(%run_scoped3A_80 : memref<!tpu.dma_semaphore, #tpu.memory_space<semaphore_mem>>) {add = true}
        %dma_wait3A_87 = arith.constant 0 : i32
        %dma_wait3A_88 = tpu.memref_slice %arg6[%run_scoped3A_74, %dma_wait3A_87] : memref<2x128xi32, #tpu.memory_space<vmem>> -> memref<1x128xi32, #tpu.memory_space<vmem>>
        %dma_wait3A_89 = tpu.memref_squeeze %dma_wait3A_88 : memref<1x128xi32, #tpu.memory_space<vmem>> -> memref<128xi32, #tpu.memory_space<vmem>>
        %dma_wait3A_90 = arith.constant 0 : i32
        %dma_wait3A_91 = arith.constant 0 : i32
        %dma_wait3A_92 = tpu.memref_slice %arg10[%dma_wait3A_90, %dma_wait3A_91] : memref<10080x128xf32, #tpu.memory_space<vmem_shared>> -> memref<10080x128xf32, #tpu.memory_space<vmem_shared>>
        tpu.wait_indirect_dma semaphore(%run_scoped3A_80 : memref<!tpu.dma_semaphore, #tpu.memory_space<semaphore_mem>>) src(%arg8 : memref<128x128xf32, #tpu.memory_space<vmem>>) dst(%dma_wait3A_92 : memref<10080x128xf32, #tpu.memory_space<vmem_shared>>)
        tpu.yield
      }) : () -> ()
      %lt3A_75 = arith.constant 39 : i32
      %lt3A_76 = arith.cmpi slt, %add3A_55, %lt3A_75 : i32
      %convert_element_type3A_77 = arith.extui %lt3A_76 : i1 to i32
      %cond3A_78 = arith.constant 0 : i32
      %cond3A_79 = arith.cmpi ne, %convert_element_type3A_77, %cond3A_78 : i32
      scf.if %cond3A_79 {
        %mul3A_80 = arith.constant 2 : i32
        %mul3A_81 = arith.muli %mul3A_80, %add3A_55 : i32
        %add3A_82 = arith.constant 3 : i32
        %add3A_83 = arith.addi %mul3A_81, %add3A_82 : i32
        %mul3A_84 = arith.constant 32 : i32
        %mul3A_85 = arith.muli %add3A_83, %mul3A_84 : i32
        %add3A_86 = arith.addi %mul3A_85, %add3A : i32
        %mul3A_87 = arith.constant 128 : i32
        %mul3A_88 = arith.muli %add3A_86, %mul3A_87 : i32
        "tpu.region"() ({
          %run_scoped3A_96 = tpu.sem_alloc : memref<!tpu.dma_semaphore, #tpu.memory_space<semaphore_mem>>
          %dma_start3A_97 = arith.constant 0 : i32
          %dma_start3A_98 = tpu.memref_slice %arg3[%dma_start3A_97, %mul3A_88] : memref<2x327680xi32, #tpu.memory_space<hbm>> -> memref<2x128xi32, #tpu.memory_space<hbm>>
          %dma_start3A_99 = arith.constant 0 : i32
          %dma_start3A_100 = tpu.memref_slice %arg3[%dma_start3A_99, %mul3A_88] : memref<2x327680xi32, #tpu.memory_space<hbm>> -> memref<2x128xi32, #tpu.memory_space<hbm>>
          tpu.enqueue_dma source(%dma_start3A_100 : memref<2x128xi32, #tpu.memory_space<hbm>>) target(%arg6 : memref<2x128xi32, #tpu.memory_space<vmem>>) target_semaphore(%run_scoped3A_96 : memref<!tpu.dma_semaphore, #tpu.memory_space<semaphore_mem>>)
          %dma_wait3A_101 = arith.constant 0 : i32
          %dma_wait3A_102 = tpu.memref_slice %arg3[%dma_wait3A_101, %mul3A_88] : memref<2x327680xi32, #tpu.memory_space<hbm>> -> memref<2x128xi32, #tpu.memory_space<hbm>>
          %dma_wait3A_103 = arith.constant 0 : i32
          %dma_wait3A_104 = tpu.memref_slice %arg3[%dma_wait3A_103, %mul3A_88] : memref<2x327680xi32, #tpu.memory_space<hbm>> -> memref<2x128xi32, #tpu.memory_space<hbm>>
          tpu.wait_dma2 semaphore(%run_scoped3A_96 : memref<!tpu.dma_semaphore, #tpu.memory_space<semaphore_mem>>) src(%dma_wait3A_104 : memref<2x128xi32, #tpu.memory_space<hbm>>) dst(%arg6 : memref<2x128xi32, #tpu.memory_space<vmem>>)
          tpu.yield
        }) : () -> ()
        %dma_start3A_89 = arith.constant 0 : i32
        %dma_start3A_90 = arith.constant 0 : i32
        %dma_start3A_91 = tpu.memref_slice %arg6[%dma_start3A_89, %dma_start3A_90] : memref<2x128xi32, #tpu.memory_space<vmem>> -> memref<1x128xi32, #tpu.memory_space<vmem>>
        %dma_start3A_92 = tpu.memref_squeeze %dma_start3A_91 : memref<1x128xi32, #tpu.memory_space<vmem>> -> memref<128xi32, #tpu.memory_space<vmem>>
        %dma_start3A_93 = arith.constant 0 : i32
        %dma_start3A_94 = arith.constant 0 : i32
        %dma_start3A_95 = tpu.memref_slice %arg2[%dma_start3A_93, %dma_start3A_94] : memref<10000x128xf32, #tpu.memory_space<hbm>> -> memref<10000x128xf32, #tpu.memory_space<hbm>>
        tpu.enqueue_indirect_dma source(%dma_start3A_95 : memref<10000x128xf32, #tpu.memory_space<hbm>>) target(%arg8 : memref<128x128xf32, #tpu.memory_space<vmem>>) offsets(%dma_start3A_92 : memref<128xi32, #tpu.memory_space<vmem>>) semaphore(%arg12 : memref<!tpu.dma_semaphore, #tpu.memory_space<semaphore_mem>>)
      } else {
      }
    }
    %scan3A_39 = arith.constant 40 : i32
    %barrier3A_40 = arith.constant 0 : index
    tpu.barrier barrier_id(%barrier3A_40)
    %scan3A_41 = arith.constant 0 : i32
    %scan3A_42 = arith.constant 7 : i32
    %scan3A_43 = arith.addi %scan3A_41, %scan3A_42 : i32
    %scan3A_44 = arith.constant 1 : i32
    scf.for %scan3A_51 = %scan3A_41 to %scan3A_43 step %scan3A_44  : i32 {
      %mul3A_52 = arith.constant 1 : i32
      %mul3A_53 = arith.muli %scan3A_51, %mul3A_52 : i32
      %add3A_54 = arith.constant 0 : i32
      %add3A_55 = arith.addi %add3A_54, %mul3A_53 : i32
      %mul3A_56 = arith.constant 16 : i32
      %mul3A_57 = arith.muli %add3A_55, %mul3A_56 : i32
      %add3A_58 = arith.addi %mul3A_57, %arg1 : i32
      %mul3A_59 = arith.constant 80 : i32
      %mul3A_60 = arith.muli %add3A_58, %mul3A_59 : i32
      %mul3A_61 = arith.constant 80 : i32
      %mul3A_62 = arith.muli %add3A_58, %mul3A_61 : i32
      "tpu.region"() ({
        %run_scoped3A = tpu.sem_alloc : memref<!tpu.dma_semaphore, #tpu.memory_space<semaphore_mem>>
        %dma_start3A_63 = arith.constant 0 : i32
        %dma_start3A_64 = tpu.memref_slice %arg4[%arg0, %mul3A_62, %dma_start3A_63] : memref<2x10000x128xf32, #tpu.memory_space<hbm>> -> memref<1x80x128xf32, #tpu.memory_space<hbm>>
        %dma_start3A_65 = tpu.memref_squeeze %dma_start3A_64 : memref<1x80x128xf32, #tpu.memory_space<hbm>> -> memref<80x128xf32, #tpu.memory_space<hbm>>
        %dma_start3A_66 = arith.constant 0 : i32
        %dma_start3A_67 = tpu.memref_slice %arg10[%mul3A_60, %dma_start3A_66] : memref<10080x128xf32, #tpu.memory_space<vmem_shared>> -> memref<80x128xf32, #tpu.memory_space<vmem_shared>>
        tpu.enqueue_dma source(%dma_start3A_67 : memref<80x128xf32, #tpu.memory_space<vmem_shared>>) target(%dma_start3A_65 : memref<80x128xf32, #tpu.memory_space<hbm>>) target_semaphore(%run_scoped3A : memref<!tpu.dma_semaphore, #tpu.memory_space<semaphore_mem>>)
        %dma_wait3A = arith.constant 0 : i32
        %dma_wait3A_68 = tpu.memref_slice %arg4[%arg0, %mul3A_62, %dma_wait3A] : memref<2x10000x128xf32, #tpu.memory_space<hbm>> -> memref<1x80x128xf32, #tpu.memory_space<hbm>>
        %dma_wait3A_69 = tpu.memref_squeeze %dma_wait3A_68 : memref<1x80x128xf32, #tpu.memory_space<hbm>> -> memref<80x128xf32, #tpu.memory_space<hbm>>
        %dma_wait3A_70 = arith.constant 0 : i32
        %dma_wait3A_71 = tpu.memref_slice %arg10[%mul3A_60, %dma_wait3A_70] : memref<10080x128xf32, #tpu.memory_space<vmem_shared>> -> memref<80x128xf32, #tpu.memory_space<vmem_shared>>
        tpu.wait_dma2 semaphore(%run_scoped3A : memref<!tpu.dma_semaphore, #tpu.memory_space<semaphore_mem>>) src(%dma_wait3A_71 : memref<80x128xf32, #tpu.memory_space<vmem_shared>>) dst(%dma_wait3A_69 : memref<80x128xf32, #tpu.memory_space<hbm>>)
        tpu.yield
      }) : () -> ()
    }
    %scan3A_45 = arith.constant 7 : i32
    %lt3A_46 = arith.constant 13 : i32
    %lt3A_47 = arith.cmpi slt, %arg1, %lt3A_46 : i32
    %convert_element_type3A_48 = arith.extui %lt3A_47 : i1 to i32
    %cond3A_49 = arith.constant 0 : i32
    %cond3A_50 = arith.cmpi ne, %convert_element_type3A_48, %cond3A_49 : i32
    scf.if %cond3A_50 {
      %add3A_51 = arith.constant 112 : i32
      %add3A_52 = arith.addi %add3A_51, %arg1 : i32
      %mul3A_53 = arith.constant 80 : i32
      %mul3A_54 = arith.muli %add3A_52, %mul3A_53 : i32
      %mul3A_55 = arith.constant 80 : i32
      %mul3A_56 = arith.muli %add3A_52, %mul3A_55 : i32
      "tpu.region"() ({
        %run_scoped3A = tpu.sem_alloc : memref<!tpu.dma_semaphore, #tpu.memory_space<semaphore_mem>>
        %dma_start3A_57 = arith.constant 0 : i32
        %dma_start3A_58 = tpu.memref_slice %arg4[%arg0, %mul3A_56, %dma_start3A_57] : memref<2x10000x128xf32, #tpu.memory_space<hbm>> -> memref<1x80x128xf32, #tpu.memory_space<hbm>>
        %dma_start3A_59 = tpu.memref_squeeze %dma_start3A_58 : memref<1x80x128xf32, #tpu.memory_space<hbm>> -> memref<80x128xf32, #tpu.memory_space<hbm>>
        %dma_start3A_60 = arith.constant 0 : i32
        %dma_start3A_61 = tpu.memref_slice %arg10[%mul3A_54, %dma_start3A_60] : memref<10080x128xf32, #tpu.memory_space<vmem_shared>> -> memref<80x128xf32, #tpu.memory_space<vmem_shared>>
        tpu.enqueue_dma source(%dma_start3A_61 : memref<80x128xf32, #tpu.memory_space<vmem_shared>>) target(%dma_start3A_59 : memref<80x128xf32, #tpu.memory_space<hbm>>) target_semaphore(%run_scoped3A : memref<!tpu.dma_semaphore, #tpu.memory_space<semaphore_mem>>)
        %dma_wait3A = arith.constant 0 : i32
        %dma_wait3A_62 = tpu.memref_slice %arg4[%arg0, %mul3A_56, %dma_wait3A] : memref<2x10000x128xf32, #tpu.memory_space<hbm>> -> memref<1x80x128xf32, #tpu.memory_space<hbm>>
        %dma_wait3A_63 = tpu.memref_squeeze %dma_wait3A_62 : memref<1x80x128xf32, #tpu.memory_space<hbm>> -> memref<80x128xf32, #tpu.memory_space<hbm>>
        %dma_wait3A_64 = arith.constant 0 : i32
        %dma_wait3A_65 = tpu.memref_slice %arg10[%mul3A_54, %dma_wait3A_64] : memref<10080x128xf32, #tpu.memory_space<vmem_shared>> -> memref<80x128xf32, #tpu.memory_space<vmem_shared>>
        tpu.wait_dma2 semaphore(%run_scoped3A : memref<!tpu.dma_semaphore, #tpu.memory_space<semaphore_mem>>) src(%dma_wait3A_65 : memref<80x128xf32, #tpu.memory_space<vmem_shared>>) dst(%dma_wait3A_63 : memref<80x128xf32, #tpu.memory_space<hbm>>)
        tpu.yield
      }) : () -> ()
    } else {
    }
    return
  }
}

#map = affine_map<(d0, d1) -> (0, 0)>
#map1 = affine_map<(d0, d1) -> (0, 0, 0)>
module attributes {stable_mosaic.version = 14 : i64} {
  func.func @k(%arg0: i32, %arg1: i32, %arg2: memref<10000x128xf32, #tpu.memory_space<hbm>>, %arg3: memref<2x327680xi32, #tpu.memory_space<hbm>>, %arg4: memref<2x10000x128xf32, #tpu.memory_space<hbm>>, %arg5: memref<2x128xi32, #tpu.memory_space<vmem>>, %arg6: memref<2x128xi32, #tpu.memory_space<vmem>>, %arg7: memref<128x128xf32, #tpu.memory_space<vmem>>, %arg8: memref<128x128xf32, #tpu.memory_space<vmem>>, %arg9: memref<80x128xf32, #tpu.memory_space<vmem>>, %arg10: memref<10080x128xf32, #tpu.memory_space<vmem_shared>>, %arg11: memref<!tpu.dma_semaphore, #tpu.memory_space<semaphore_mem>>, %arg12: memref<!tpu.dma_semaphore, #tpu.memory_space<semaphore_mem>>) attributes {dimension_semantics = [#tpu.dimension_semantics<core_parallel>, #tpu.dimension_semantics<subcore_parallel>], iteration_bounds = array<i64: 2, 16>, scalar_prefetch = 0 : i64, scratch_operands = 8 : i64, tpu.core_type = #tpu.core_type<sc_vector_subcore>, window_params = [{transform_indices = #map}, {transform_indices = #map}, {transform_indices = #map1}]} {
    %mul3A = arith.constant 16 : i32
    %mul3A_0 = arith.muli %arg0, %mul3A : i32
    %add3A = arith.addi %mul3A_0, %arg1 : i32
    %mul3A_1 = arith.constant 128 : i32
    %mul3A_2 = arith.muli %add3A, %mul3A_1 : i32
    "tpu.region"() ({
      %run_scoped3A = tpu.sem_alloc : memref<!tpu.dma_semaphore, #tpu.memory_space<semaphore_mem>>
      %dma_start3A_51 = arith.constant 0 : i32
      %dma_start3A_52 = tpu.memref_slice %arg3[%dma_start3A_51, %mul3A_2] : memref<2x327680xi32, #tpu.memory_space<hbm>> -> memref<2x128xi32, #tpu.memory_space<hbm>>
      %dma_start3A_53 = arith.constant 0 : i32
      %dma_start3A_54 = tpu.memref_slice %arg3[%dma_start3A_53, %mul3A_2] : memref<2x327680xi32, #tpu.memory_space<hbm>> -> memref<2x128xi32, #tpu.memory_space<hbm>>
      tpu.enqueue_dma source(%dma_start3A_54 : memref<2x128xi32, #tpu.memory_space<hbm>>) target(%arg5 : memref<2x128xi32, #tpu.memory_space<vmem>>) target_semaphore(%run_scoped3A : memref<!tpu.dma_semaphore, #tpu.memory_space<semaphore_mem>>)
      %dma_wait3A = arith.constant 0 : i32
      %dma_wait3A_55 = tpu.memref_slice %arg3[%dma_wait3A, %mul3A_2] : memref<2x327680xi32, #tpu.memory_space<hbm>> -> memref<2x128xi32, #tpu.memory_space<hbm>>
      %dma_wait3A_56 = arith.constant 0 : i32
      %dma_wait3A_57 = tpu.memref_slice %arg3[%dma_wait3A_56, %mul3A_2] : memref<2x327680xi32, #tpu.memory_space<hbm>> -> memref<2x128xi32, #tpu.memory_space<hbm>>
      tpu.wait_dma2 semaphore(%run_scoped3A : memref<!tpu.dma_semaphore, #tpu.memory_space<semaphore_mem>>) src(%dma_wait3A_57 : memref<2x128xi32, #tpu.memory_space<hbm>>) dst(%arg5 : memref<2x128xi32, #tpu.memory_space<vmem>>)
      tpu.yield
    }) : () -> ()
    %dma_start3A = arith.constant 0 : i32
    %dma_start3A_3 = arith.constant 0 : i32
    %dma_start3A_4 = tpu.memref_slice %arg5[%dma_start3A, %dma_start3A_3] : memref<2x128xi32, #tpu.memory_space<vmem>> -> memref<1x128xi32, #tpu.memory_space<vmem>>
    %dma_start3A_5 = tpu.memref_squeeze %dma_start3A_4 : memref<1x128xi32, #tpu.memory_space<vmem>> -> memref<128xi32, #tpu.memory_space<vmem>>
    %dma_start3A_6 = arith.constant 0 : i32
    %dma_start3A_7 = arith.constant 0 : i32
    %dma_start3A_8 = tpu.memref_slice %arg2[%dma_start3A_6, %dma_start3A_7] : memref<10000x128xf32, #tpu.memory_space<hbm>> -> memref<10000x128xf32, #tpu.memory_space<hbm>>
    tpu.enqueue_indirect_dma source(%dma_start3A_8 : memref<10000x128xf32, #tpu.memory_space<hbm>>) target(%arg7 : memref<128x128xf32, #tpu.memory_space<vmem>>) offsets(%dma_start3A_5 : memref<128xi32, #tpu.memory_space<vmem>>) semaphore(%arg11 : memref<!tpu.dma_semaphore, #tpu.memory_space<semaphore_mem>>)
    %add3A_9 = arith.constant 32 : i32
    %add3A_10 = arith.addi %add3A_9, %add3A : i32
    %mul3A_11 = arith.constant 128 : i32
    %mul3A_12 = arith.muli %add3A_10, %mul3A_11 : i32
    "tpu.region"() ({
      %run_scoped3A = tpu.sem_alloc : memref<!tpu.dma_semaphore, #tpu.memory_space<semaphore_mem>>
      %dma_start3A_51 = arith.constant 0 : i32
      %dma_start3A_52 = tpu.memref_slice %arg3[%dma_start3A_51, %mul3A_12] : memref<2x327680xi32, #tpu.memory_space<hbm>> -> memref<2x128xi32, #tpu.memory_space<hbm>>
      %dma_start3A_53 = arith.constant 0 : i32
      %dma_start3A_54 = tpu.memref_slice %arg3[%dma_start3A_53, %mul3A_12] : memref<2x327680xi32, #tpu.memory_space<hbm>> -> memref<2x128xi32, #tpu.memory_space<hbm>>
      tpu.enqueue_dma source(%dma_start3A_54 : memref<2x128xi32, #tpu.memory_space<hbm>>) target(%arg6 : memref<2x128xi32, #tpu.memory_space<vmem>>) target_semaphore(%run_scoped3A : memref<!tpu.dma_semaphore, #tpu.memory_space<semaphore_mem>>)
      %dma_wait3A = arith.constant 0 : i32
      %dma_wait3A_55 = tpu.memref_slice %arg3[%dma_wait3A, %mul3A_12] : memref<2x327680xi32, #tpu.memory_space<hbm>> -> memref<2x128xi32, #tpu.memory_space<hbm>>
      %dma_wait3A_56 = arith.constant 0 : i32
      %dma_wait3A_57 = tpu.memref_slice %arg3[%dma_wait3A_56, %mul3A_12] : memref<2x327680xi32, #tpu.memory_space<hbm>> -> memref<2x128xi32, #tpu.memory_space<hbm>>
      tpu.wait_dma2 semaphore(%run_scoped3A : memref<!tpu.dma_semaphore, #tpu.memory_space<semaphore_mem>>) src(%dma_wait3A_57 : memref<2x128xi32, #tpu.memory_space<hbm>>) dst(%arg6 : memref<2x128xi32, #tpu.memory_space<vmem>>)
      tpu.yield
    }) : () -> ()
    %dma_start3A_13 = arith.constant 0 : i32
    %dma_start3A_14 = arith.constant 0 : i32
    %dma_start3A_15 = tpu.memref_slice %arg6[%dma_start3A_13, %dma_start3A_14] : memref<2x128xi32, #tpu.memory_space<vmem>> -> memref<1x128xi32, #tpu.memory_space<vmem>>
    %dma_start3A_16 = tpu.memref_squeeze %dma_start3A_15 : memref<1x128xi32, #tpu.memory_space<vmem>> -> memref<128xi32, #tpu.memory_space<vmem>>
    %dma_start3A_17 = arith.constant 0 : i32
    %dma_start3A_18 = arith.constant 0 : i32
    %dma_start3A_19 = tpu.memref_slice %arg2[%dma_start3A_17, %dma_start3A_18] : memref<10000x128xf32, #tpu.memory_space<hbm>> -> memref<10000x128xf32, #tpu.memory_space<hbm>>
    tpu.enqueue_indirect_dma source(%dma_start3A_19 : memref<10000x128xf32, #tpu.memory_space<hbm>>) target(%arg8 : memref<128x128xf32, #tpu.memory_space<vmem>>) offsets(%dma_start3A_16 : memref<128xi32, #tpu.memory_space<vmem>>) semaphore(%arg12 : memref<!tpu.dma_semaphore, #tpu.memory_space<semaphore_mem>>)
    %scan3A = arith.constant 0 : i32
    %scan3A_20 = arith.constant 80 : i32
    %scan3A_21 = arith.addi %scan3A, %scan3A_20 : i32
    %scan3A_22 = arith.constant 1 : i32
    scf.for %scan3A_51 = %scan3A to %scan3A_21 step %scan3A_22  : i32 {
      %mul3A_52 = arith.constant 1 : i32
      %mul3A_53 = arith.muli %scan3A_51, %mul3A_52 : i32
      %add3A_54 = arith.constant 0 : i32
      %add3A_55 = arith.addi %add3A_54, %mul3A_53 : i32
      %scan3A_56 = arith.constant 0 : i32
      %scan3A_57 = arith.constant 8 : i32
      %scan3A_58 = arith.addi %scan3A_56, %scan3A_57 : i32
      %scan3A_59 = arith.constant 1 : i32
      scf.for %scan3A_61 = %scan3A_56 to %scan3A_58 step %scan3A_59  : i32 {
        %mul3A_62 = arith.constant 16 : i32
        %mul3A_63 = arith.muli %scan3A_61, %mul3A_62 : i32
        %add3A_64 = arith.constant 0 : i32
        %add3A_65 = arith.addi %add3A_64, %mul3A_63 : i32
        %broadcast_in_dim3A = arith.constant 0.000000e+00 : f32
        %broadcast_in_dim3A_66 = vector.broadcast %broadcast_in_dim3A : f32 to vector<16xf32>
        %swap3A = arith.index_cast %add3A_55 : i32 to index
        %swap3A_67 = arith.index_cast %add3A_65 : i32 to index
        %swap3A_68 = tpu.vector_load %arg9[%swap3A, %swap3A_67] {strides = array<i32>} : memref<80x128xf32, #tpu.memory_space<vmem>>, vector<1x16xf32>,
        %swap3A_69 = vector.shape_cast %swap3A_68 : vector<1x16xf32> to vector<16xf32>
        %swap3A_70 = vector.shape_cast %broadcast_in_dim3A_66 : vector<16xf32> to vector<1x16xf32>
        tpu.vector_store %arg9[%swap3A, %swap3A_67], %swap3A_70 {strides = array<i32>} : memref<80x128xf32, #tpu.memory_space<vmem>>, vector<1x16xf32>,
      }
      %scan3A_60 = arith.constant 8 : i32
    }
    %scan3A_23 = arith.constant 80 : i32
    %scan3A_24 = arith.constant 0 : i32
    %scan3A_25 = arith.constant 7 : i32
    %scan3A_26 = arith.addi %scan3A_24, %scan3A_25 : i32
    %scan3A_27 = arith.constant 1 : i32
    scf.for %scan3A_51 = %scan3A_24 to %scan3A_26 step %scan3A_27  : i32 {
      %mul3A_52 = arith.constant 1 : i32
      %mul3A_53 = arith.muli %scan3A_51, %mul3A_52 : i32
      %add3A_54 = arith.constant 0 : i32
      %add3A_55 = arith.addi %add3A_54, %mul3A_53 : i32
      %mul3A_56 = arith.constant 16 : i32
      %mul3A_57 = arith.muli %add3A_55, %mul3A_56 : i32
      %add3A_58 = arith.addi %mul3A_57, %arg1 : i32
      %mul3A_59 = arith.constant 80 : i32
      %mul3A_60 = arith.muli %add3A_58, %mul3A_59 : i32
      "tpu.region"() ({
        %run_scoped3A = tpu.sem_alloc : memref<!tpu.dma_semaphore, #tpu.memory_space<semaphore_mem>>
        %dma_start3A_61 = arith.constant 0 : i32
        %dma_start3A_62 = arith.constant 0 : i32
        %dma_start3A_63 = tpu.memref_slice %arg9[%dma_start3A_61, %dma_start3A_62] : memref<80x128xf32, #tpu.memory_space<vmem>> -> memref<80x128xf32, #tpu.memory_space<vmem>>
        %dma_start3A_64 = arith.constant 0 : i32
        %dma_start3A_65 = tpu.memref_slice %arg10[%mul3A_60, %dma_start3A_64] : memref<10080x128xf32, #tpu.memory_space<vmem_shared>> -> memref<80x128xf32, #tpu.memory_space<vmem_shared>>
        %dma_start3A_66 = arith.constant 0 : i32
        %dma_start3A_67 = tpu.memref_slice %arg10[%mul3A_60, %dma_start3A_66] : memref<10080x128xf32, #tpu.memory_space<vmem_shared>> -> memref<80x128xf32, #tpu.memory_space<vmem_shared>>
        %dma_start3A_68 = arith.constant 0 : i32
        %dma_start3A_69 = arith.constant 0 : i32
        %dma_start3A_70 = tpu.memref_slice %arg9[%dma_start3A_68, %dma_start3A_69] : memref<80x128xf32, #tpu.memory_space<vmem>> -> memref<80x128xf32, #tpu.memory_space<vmem>>
        tpu.enqueue_dma source(%dma_start3A_70 : memref<80x128xf32, #tpu.memory_space<vmem>>) target(%dma_start3A_67 : memref<80x128xf32, #tpu.memory_space<vmem_shared>>) target_semaphore(%run_scoped3A : memref<!tpu.dma_semaphore, #tpu.memory_space<semaphore_mem>>)
        %dma_wait3A = arith.constant 0 : i32
        %dma_wait3A_71 = arith.constant 0 : i32
        %dma_wait3A_72 = tpu.memref_slice %arg9[%dma_wait3A, %dma_wait3A_71] : memref<80x128xf32, #tpu.memory_space<vmem>> -> memref<80x128xf32, #tpu.memory_space<vmem>>
        %dma_wait3A_73 = arith.constant 0 : i32
        %dma_wait3A_74 = tpu.memref_slice %arg10[%mul3A_60, %dma_wait3A_73] : memref<10080x128xf32, #tpu.memory_space<vmem_shared>> -> memref<80x128xf32, #tpu.memory_space<vmem_shared>>
        %dma_wait3A_75 = arith.constant 0 : i32
        %dma_wait3A_76 = tpu.memref_slice %arg10[%mul3A_60, %dma_wait3A_75] : memref<10080x128xf32, #tpu.memory_space<vmem_shared>> -> memref<80x128xf32, #tpu.memory_space<vmem_shared>>
        %dma_wait3A_77 = arith.constant 0 : i32
        %dma_wait3A_78 = arith.constant 0 : i32
        %dma_wait3A_79 = tpu.memref_slice %arg9[%dma_wait3A_77, %dma_wait3A_78] : memref<80x128xf32, #tpu.memory_space<vmem>> -> memref<80x128xf32, #tpu.memory_space<vmem>>
        tpu.wait_dma2 semaphore(%run_scoped3A : memref<!tpu.dma_semaphore, #tpu.memory_space<semaphore_mem>>) src(%dma_wait3A_79 : memref<80x128xf32, #tpu.memory_space<vmem>>) dst(%dma_wait3A_76 : memref<80x128xf32, #tpu.memory_space<vmem_shared>>)
        tpu.yield
      }) : () -> ()
    }
    %scan3A_28 = arith.constant 7 : i32
    %lt3A = arith.constant 13 : i32
    %lt3A_29 = arith.cmpi slt, %arg1, %lt3A : i32
    %convert_element_type3A = arith.extui %lt3A_29 : i1 to i32
    %cond3A = arith.constant 0 : i32
    %cond3A_30 = arith.cmpi ne, %convert_element_type3A, %cond3A : i32
    scf.if %cond3A_30 {
      %add3A_51 = arith.constant 112 : i32
      %add3A_52 = arith.addi %add3A_51, %arg1 : i32
      %mul3A_53 = arith.constant 80 : i32
      %mul3A_54 = arith.muli %add3A_52, %mul3A_53 : i32
      "tpu.region"() ({
        %run_scoped3A = tpu.sem_alloc : memref<!tpu.dma_semaphore, #tpu.memory_space<semaphore_mem>>
        %dma_start3A_55 = arith.constant 0 : i32
        %dma_start3A_56 = arith.constant 0 : i32
        %dma_start3A_57 = tpu.memref_slice %arg9[%dma_start3A_55, %dma_start3A_56] : memref<80x128xf32, #tpu.memory_space<vmem>> -> memref<80x128xf32, #tpu.memory_space<vmem>>
        %dma_start3A_58 = arith.constant 0 : i32
        %dma_start3A_59 = tpu.memref_slice %arg10[%mul3A_54, %dma_start3A_58] : memref<10080x128xf32, #tpu.memory_space<vmem_shared>> -> memref<80x128xf32, #tpu.memory_space<vmem_shared>>
        %dma_start3A_60 = arith.constant 0 : i32
        %dma_start3A_61 = tpu.memref_slice %arg10[%mul3A_54, %dma_start3A_60] : memref<10080x128xf32, #tpu.memory_space<vmem_shared>> -> memref<80x128xf32, #tpu.memory_space<vmem_shared>>
        %dma_start3A_62 = arith.constant 0 : i32
        %dma_start3A_63 = arith.constant 0 : i32
        %dma_start3A_64 = tpu.memref_slice %arg9[%dma_start3A_62, %dma_start3A_63] : memref<80x128xf32, #tpu.memory_space<vmem>> -> memref<80x128xf32, #tpu.memory_space<vmem>>
        tpu.enqueue_dma source(%dma_start3A_64 : memref<80x128xf32, #tpu.memory_space<vmem>>) target(%dma_start3A_61 : memref<80x128xf32, #tpu.memory_space<vmem_shared>>) target_semaphore(%run_scoped3A : memref<!tpu.dma_semaphore, #tpu.memory_space<semaphore_mem>>)
        %dma_wait3A = arith.constant 0 : i32
        %dma_wait3A_65 = arith.constant 0 : i32
        %dma_wait3A_66 = tpu.memref_slice %arg9[%dma_wait3A, %dma_wait3A_65] : memref<80x128xf32, #tpu.memory_space<vmem>> -> memref<80x128xf32, #tpu.memory_space<vmem>>
        %dma_wait3A_67 = arith.constant 0 : i32
        %dma_wait3A_68 = tpu.memref_slice %arg10[%mul3A_54, %dma_wait3A_67] : memref<10080x128xf32, #tpu.memory_space<vmem_shared>> -> memref<80x128xf32, #tpu.memory_space<vmem_shared>>
        %dma_wait3A_69 = arith.constant 0 : i32
        %dma_wait3A_70 = tpu.memref_slice %arg10[%mul3A_54, %dma_wait3A_69] : memref<10080x128xf32, #tpu.memory_space<vmem_shared>> -> memref<80x128xf32, #tpu.memory_space<vmem_shared>>
        %dma_wait3A_71 = arith.constant 0 : i32
        %dma_wait3A_72 = arith.constant 0 : i32
        %dma_wait3A_73 = tpu.memref_slice %arg9[%dma_wait3A_71, %dma_wait3A_72] : memref<80x128xf32, #tpu.memory_space<vmem>> -> memref<80x128xf32, #tpu.memory_space<vmem>>
        tpu.wait_dma2 semaphore(%run_scoped3A : memref<!tpu.dma_semaphore, #tpu.memory_space<semaphore_mem>>) src(%dma_wait3A_73 : memref<80x128xf32, #tpu.memory_space<vmem>>) dst(%dma_wait3A_70 : memref<80x128xf32, #tpu.memory_space<vmem_shared>>)
        tpu.yield
      }) : () -> ()
    } else {
    }
    %eq3A = arith.constant 15 : i32
    %eq3A_31 = arith.cmpi eq, %arg1, %eq3A : i32
    %convert_element_type3A_32 = arith.extui %eq3A_31 : i1 to i32
    %cond3A_33 = arith.constant 0 : i32
    %cond3A_34 = arith.cmpi ne, %convert_element_type3A_32, %cond3A_33 : i32
    scf.if %cond3A_34 {
      "tpu.region"() ({
        %run_scoped3A = tpu.sem_alloc : memref<!tpu.dma_semaphore, #tpu.memory_space<semaphore_mem>>
        %dma_start3A_51 = arith.constant 0 : i32
        %dma_start3A_52 = arith.constant 0 : i32
        %dma_start3A_53 = tpu.memref_slice %arg9[%dma_start3A_51, %dma_start3A_52] : memref<80x128xf32, #tpu.memory_space<vmem>> -> memref<80x128xf32, #tpu.memory_space<vmem>>
        %dma_start3A_54 = arith.constant 10000 : i32
        %dma_start3A_55 = arith.constant 0 : i32
        %dma_start3A_56 = tpu.memref_slice %arg10[%dma_start3A_54, %dma_start3A_55] : memref<10080x128xf32, #tpu.memory_space<vmem_shared>> -> memref<80x128xf32, #tpu.memory_space<vmem_shared>>
        %dma_start3A_57 = arith.constant 10000 : i32
        %dma_start3A_58 = arith.constant 0 : i32
        %dma_start3A_59 = tpu.memref_slice %arg10[%dma_start3A_57, %dma_start3A_58] : memref<10080x128xf32, #tpu.memory_space<vmem_shared>> -> memref<80x128xf32, #tpu.memory_space<vmem_shared>>
        %dma_start3A_60 = arith.constant 0 : i32
        %dma_start3A_61 = arith.constant 0 : i32
        %dma_start3A_62 = tpu.memref_slice %arg9[%dma_start3A_60, %dma_start3A_61] : memref<80x128xf32, #tpu.memory_space<vmem>> -> memref<80x128xf32, #tpu.memory_space<vmem>>
        tpu.enqueue_dma source(%dma_start3A_62 : memref<80x128xf32, #tpu.memory_space<vmem>>) target(%dma_start3A_59 : memref<80x128xf32, #tpu.memory_space<vmem_shared>>) target_semaphore(%run_scoped3A : memref<!tpu.dma_semaphore, #tpu.memory_space<semaphore_mem>>)
        %dma_wait3A = arith.constant 0 : i32
        %dma_wait3A_63 = arith.constant 0 : i32
        %dma_wait3A_64 = tpu.memref_slice %arg9[%dma_wait3A, %dma_wait3A_63] : memref<80x128xf32, #tpu.memory_space<vmem>> -> memref<80x128xf32, #tpu.memory_space<vmem>>
        %dma_wait3A_65 = arith.constant 10000 : i32
        %dma_wait3A_66 = arith.constant 0 : i32
        %dma_wait3A_67 = tpu.memref_slice %arg10[%dma_wait3A_65, %dma_wait3A_66] : memref<10080x128xf32, #tpu.memory_space<vmem_shared>> -> memref<80x128xf32, #tpu.memory_space<vmem_shared>>
        %dma_wait3A_68 = arith.constant 10000 : i32
        %dma_wait3A_69 = arith.constant 0 : i32
        %dma_wait3A_70 = tpu.memref_slice %arg10[%dma_wait3A_68, %dma_wait3A_69] : memref<10080x128xf32, #tpu.memory_space<vmem_shared>> -> memref<80x128xf32, #tpu.memory_space<vmem_shared>>
        %dma_wait3A_71 = arith.constant 0 : i32
        %dma_wait3A_72 = arith.constant 0 : i32
        %dma_wait3A_73 = tpu.memref_slice %arg9[%dma_wait3A_71, %dma_wait3A_72] : memref<80x128xf32, #tpu.memory_space<vmem>> -> memref<80x128xf32, #tpu.memory_space<vmem>>
        tpu.wait_dma2 semaphore(%run_scoped3A : memref<!tpu.dma_semaphore, #tpu.memory_space<semaphore_mem>>) src(%dma_wait3A_73 : memref<80x128xf32, #tpu.memory_space<vmem>>) dst(%dma_wait3A_70 : memref<80x128xf32, #tpu.memory_space<vmem_shared>>)
        tpu.yield
      }) : () -> ()
    } else {
    }
    %barrier3A = arith.constant 0 : index
    tpu.barrier barrier_id(%barrier3A)
    %scan3A_35 = arith.constant 0 : i32
    %scan3A_36 = arith.constant 40 : i32
    %scan3A_37 = arith.addi %scan3A_35, %scan3A_36 : i32
    %scan3A_38 = arith.constant 1 : i32
    scf.for %scan3A_51 = %scan3A_35 to %scan3A_37 step %scan3A_38  : i32 {
      %mul3A_52 = arith.constant 1 : i32
      %mul3A_53 = arith.muli %scan3A_51, %mul3A_52 : i32
      %add3A_54 = arith.constant 0 : i32
      %add3A_55 = arith.addi %add3A_54, %mul3A_53 : i32
      %dma_wait3A = arith.constant 0 : i32
      %dma_wait3A_56 = arith.constant 0 : i32
      %dma_wait3A_57 = tpu.memref_slice %arg5[%dma_wait3A, %dma_wait3A_56] : memref<2x128xi32, #tpu.memory_space<vmem>> -> memref<1x128xi32, #tpu.memory_space<vmem>>
      %dma_wait3A_58 = tpu.memref_squeeze %dma_wait3A_57 : memref<1x128xi32, #tpu.memory_space<vmem>> -> memref<128xi32, #tpu.memory_space<vmem>>
      %dma_wait3A_59 = arith.constant 0 : i32
      %dma_wait3A_60 = arith.constant 0 : i32
      %dma_wait3A_61 = tpu.memref_slice %arg2[%dma_wait3A_59, %dma_wait3A_60] : memref<10000x128xf32, #tpu.memory_space<hbm>> -> memref<10000x128xf32, #tpu.memory_space<hbm>>
      tpu.wait_indirect_dma semaphore(%arg11 : memref<!tpu.dma_semaphore, #tpu.memory_space<semaphore_mem>>) src(%dma_wait3A_61 : memref<10000x128xf32, #tpu.memory_space<hbm>>) dst(%arg7 : memref<128x128xf32, #tpu.memory_space<vmem>>)
      %run_scoped3A = arith.constant 1 : i32
      "tpu.region"() ({
        %run_scoped3A_80 = tpu.sem_alloc : memref<!tpu.dma_semaphore, #tpu.memory_space<semaphore_mem>>
        %dma_start3A_81 = arith.constant 0 : i32
        %dma_start3A_82 = tpu.memref_slice %arg5[%run_scoped3A, %dma_start3A_81] : memref<2x128xi32, #tpu.memory_space<vmem>> -> memref<1x128xi32, #tpu.memory_space<vmem>>
        %dma_start3A_83 = tpu.memref_squeeze %dma_start3A_82 : memref<1x128xi32, #tpu.memory_space<vmem>> -> memref<128xi32, #tpu.memory_space<vmem>>
        %dma_start3A_84 = arith.constant 0 : i32
        %dma_start3A_85 = arith.constant 0 : i32
        %dma_start3A_86 = tpu.memref_slice %arg10[%dma_start3A_84, %dma_start3A_85] : memref<10080x128xf32, #tpu.memory_space<vmem_shared>> -> memref<10080x128xf32, #tpu.memory_space<vmem_shared>>
        tpu.enqueue_indirect_dma source(%arg7 : memref<128x128xf32, #tpu.memory_space<vmem>>) target(%dma_start3A_86 : memref<10080x128xf32, #tpu.memory_space<vmem_shared>>) offsets(%dma_start3A_83 : memref<128xi32, #tpu.memory_space<vmem>>) semaphore(%run_scoped3A_80 : memref<!tpu.dma_semaphore, #tpu.memory_space<semaphore_mem>>) {add = true}
        %dma_wait3A_87 = arith.constant 0 : i32
        %dma_wait3A_88 = tpu.memref_slice %arg5[%run_scoped3A, %dma_wait3A_87] : memref<2x128xi32, #tpu.memory_space<vmem>> -> memref<1x128xi32, #tpu.memory_space<vmem>>
        %dma_wait3A_89 = tpu.memref_squeeze %dma_wait3A_88 : memref<1x128xi32, #tpu.memory_space<vmem>> -> memref<128xi32, #tpu.memory_space<vmem>>
        %dma_wait3A_90 = arith.constant 0 : i32
        %dma_wait3A_91 = arith.constant 0 : i32
        %dma_wait3A_92 = tpu.memref_slice %arg10[%dma_wait3A_90, %dma_wait3A_91] : memref<10080x128xf32, #tpu.memory_space<vmem_shared>> -> memref<10080x128xf32, #tpu.memory_space<vmem_shared>>
        tpu.wait_indirect_dma semaphore(%run_scoped3A_80 : memref<!tpu.dma_semaphore, #tpu.memory_space<semaphore_mem>>) src(%arg7 : memref<128x128xf32, #tpu.memory_space<vmem>>) dst(%dma_wait3A_92 : memref<10080x128xf32, #tpu.memory_space<vmem_shared>>)
        tpu.yield
      }) : () -> ()
      %lt3A_62 = arith.constant 39 : i32
      %lt3A_63 = arith.cmpi slt, %add3A_55, %lt3A_62 : i32
      %convert_element_type3A_64 = arith.extui %lt3A_63 : i1 to i32
      %cond3A_65 = arith.constant 0 : i32
      %cond3A_66 = arith.cmpi ne, %convert_element_type3A_64, %cond3A_65 : i32
      scf.if %cond3A_66 {
        %mul3A_80 = arith.constant 2 : i32
        %mul3A_81 = arith.muli %mul3A_80, %add3A_55 : i32
        %add3A_82 = arith.constant 2 : i32
        %add3A_83 = arith.addi %mul3A_81, %add3A_82 : i32
        %mul3A_84 = arith.constant 32 : i32
        %mul3A_85 = arith.muli %add3A_83, %mul3A_84 : i32
        %add3A_86 = arith.addi %mul3A_85, %add3A : i32
        %mul3A_87 = arith.constant 128 : i32
        %mul3A_88 = arith.muli %add3A_86, %mul3A_87 : i32
        "tpu.region"() ({
          %run_scoped3A_96 = tpu.sem_alloc : memref<!tpu.dma_semaphore, #tpu.memory_space<semaphore_mem>>
          %dma_start3A_97 = arith.constant 0 : i32
          %dma_start3A_98 = tpu.memref_slice %arg3[%dma_start3A_97, %mul3A_88] : memref<2x327680xi32, #tpu.memory_space<hbm>> -> memref<2x128xi32, #tpu.memory_space<hbm>>
          %dma_start3A_99 = arith.constant 0 : i32
          %dma_start3A_100 = tpu.memref_slice %arg3[%dma_start3A_99, %mul3A_88] : memref<2x327680xi32, #tpu.memory_space<hbm>> -> memref<2x128xi32, #tpu.memory_space<hbm>>
          tpu.enqueue_dma source(%dma_start3A_100 : memref<2x128xi32, #tpu.memory_space<hbm>>) target(%arg5 : memref<2x128xi32, #tpu.memory_space<vmem>>) target_semaphore(%run_scoped3A_96 : memref<!tpu.dma_semaphore, #tpu.memory_space<semaphore_mem>>)
          %dma_wait3A_101 = arith.constant 0 : i32
          %dma_wait3A_102 = tpu.memref_slice %arg3[%dma_wait3A_101, %mul3A_88] : memref<2x327680xi32, #tpu.memory_space<hbm>> -> memref<2x128xi32, #tpu.memory_space<hbm>>
          %dma_wait3A_103 = arith.constant 0 : i32
          %dma_wait3A_104 = tpu.memref_slice %arg3[%dma_wait3A_103, %mul3A_88] : memref<2x327680xi32, #tpu.memory_space<hbm>> -> memref<2x128xi32, #tpu.memory_space<hbm>>
          tpu.wait_dma2 semaphore(%run_scoped3A_96 : memref<!tpu.dma_semaphore, #tpu.memory_space<semaphore_mem>>) src(%dma_wait3A_104 : memref<2x128xi32, #tpu.memory_space<hbm>>) dst(%arg5 : memref<2x128xi32, #tpu.memory_space<vmem>>)
          tpu.yield
        }) : () -> ()
        %dma_start3A_89 = arith.constant 0 : i32
        %dma_start3A_90 = arith.constant 0 : i32
        %dma_start3A_91 = tpu.memref_slice %arg5[%dma_start3A_89, %dma_start3A_90] : memref<2x128xi32, #tpu.memory_space<vmem>> -> memref<1x128xi32, #tpu.memory_space<vmem>>
        %dma_start3A_92 = tpu.memref_squeeze %dma_start3A_91 : memref<1x128xi32, #tpu.memory_space<vmem>> -> memref<128xi32, #tpu.memory_space<vmem>>
        %dma_start3A_93 = arith.constant 0 : i32
        %dma_start3A_94 = arith.constant 0 : i32
        %dma_start3A_95 = tpu.memref_slice %arg2[%dma_start3A_93, %dma_start3A_94] : memref<10000x128xf32, #tpu.memory_space<hbm>> -> memref<10000x128xf32, #tpu.memory_space<hbm>>
        tpu.enqueue_indirect_dma source(%dma_start3A_95 : memref<10000x128xf32, #tpu.memory_space<hbm>>) target(%arg7 : memref<128x128xf32, #tpu.memory_space<vmem>>) offsets(%dma_start3A_92 : memref<128xi32, #tpu.memory_space<vmem>>) semaphore(%arg11 : memref<!tpu.dma_semaphore, #tpu.memory_space<semaphore_mem>>)
      } else {
      }
      %dma_wait3A_67 = arith.constant 0 : i32
      %dma_wait3A_68 = arith.constant 0 : i32
      %dma_wait3A_69 = tpu.memref_slice %arg6[%dma_wait3A_67, %dma_wait3A_68] : memref<2x128xi32, #tpu.memory_space<vmem>> -> memref<1x128xi32, #tpu.memory_space<vmem>>
      %dma_wait3A_70 = tpu.memref_squeeze %dma_wait3A_69 : memref<1x128xi32, #tpu.memory_space<vmem>> -> memref<128xi32, #tpu.memory_space<vmem>>
      %dma_wait3A_71 = arith.constant 0 : i32
      %dma_wait3A_72 = arith.constant 0 : i32
      %dma_wait3A_73 = tpu.memref_slice %arg2[%dma_wait3A_71, %dma_wait3A_72] : memref<10000x128xf32, #tpu.memory_space<hbm>> -> memref<10000x128xf32, #tpu.memory_space<hbm>>
      tpu.wait_indirect_dma semaphore(%arg12 : memref<!tpu.dma_semaphore, #tpu.memory_space<semaphore_mem>>) src(%dma_wait3A_73 : memref<10000x128xf32, #tpu.memory_space<hbm>>) dst(%arg8 : memref<128x128xf32, #tpu.memory_space<vmem>>)
      %run_scoped3A_74 = arith.constant 1 : i32
      "tpu.region"() ({
        %run_scoped3A_80 = tpu.sem_alloc : memref<!tpu.dma_semaphore, #tpu.memory_space<semaphore_mem>>
        %dma_start3A_81 = arith.constant 0 : i32
        %dma_start3A_82 = tpu.memref_slice %arg6[%run_scoped3A_74, %dma_start3A_81] : memref<2x128xi32, #tpu.memory_space<vmem>> -> memref<1x128xi32, #tpu.memory_space<vmem>>
        %dma_start3A_83 = tpu.memref_squeeze %dma_start3A_82 : memref<1x128xi32, #tpu.memory_space<vmem>> -> memref<128xi32, #tpu.memory_space<vmem>>
        %dma_start3A_84 = arith.constant 0 : i32
        %dma_start3A_85 = arith.constant 0 : i32
        %dma_start3A_86 = tpu.memref_slice %arg10[%dma_start3A_84, %dma_start3A_85] : memref<10080x128xf32, #tpu.memory_space<vmem_shared>> -> memref<10080x128xf32, #tpu.memory_space<vmem_shared>>
        tpu.enqueue_indirect_dma source(%arg8 : memref<128x128xf32, #tpu.memory_space<vmem>>) target(%dma_start3A_86 : memref<10080x128xf32, #tpu.memory_space<vmem_shared>>) offsets(%dma_start3A_83 : memref<128xi32, #tpu.memory_space<vmem>>) semaphore(%run_scoped3A_80 : memref<!tpu.dma_semaphore, #tpu.memory_space<semaphore_mem>>) {add = true}
        %dma_wait3A_87 = arith.constant 0 : i32
        %dma_wait3A_88 = tpu.memref_slice %arg6[%run_scoped3A_74, %dma_wait3A_87] : memref<2x128xi32, #tpu.memory_space<vmem>> -> memref<1x128xi32, #tpu.memory_space<vmem>>
        %dma_wait3A_89 = tpu.memref_squeeze %dma_wait3A_88 : memref<1x128xi32, #tpu.memory_space<vmem>> -> memref<128xi32, #tpu.memory_space<vmem>>
        %dma_wait3A_90 = arith.constant 0 : i32
        %dma_wait3A_91 = arith.constant 0 : i32
        %dma_wait3A_92 = tpu.memref_slice %arg10[%dma_wait3A_90, %dma_wait3A_91] : memref<10080x128xf32, #tpu.memory_space<vmem_shared>> -> memref<10080x128xf32, #tpu.memory_space<vmem_shared>>
        tpu.wait_indirect_dma semaphore(%run_scoped3A_80 : memref<!tpu.dma_semaphore, #tpu.memory_space<semaphore_mem>>) src(%arg8 : memref<128x128xf32, #tpu.memory_space<vmem>>) dst(%dma_wait3A_92 : memref<10080x128xf32, #tpu.memory_space<vmem_shared>>)
        tpu.yield
      }) : () -> ()
      %lt3A_75 = arith.constant 39 : i32
      %lt3A_76 = arith.cmpi slt, %add3A_55, %lt3A_75 : i32
      %convert_element_type3A_77 = arith.extui %lt3A_76 : i1 to i32
      %cond3A_78 = arith.constant 0 : i32
      %cond3A_79 = arith.cmpi ne, %convert_element_type3A_77, %cond3A_78 : i32
      scf.if %cond3A_79 {
        %mul3A_80 = arith.constant 2 : i32
        %mul3A_81 = arith.muli %mul3A_80, %add3A_55 : i32
        %add3A_82 = arith.constant 3 : i32
        %add3A_83 = arith.addi %mul3A_81, %add3A_82 : i32
        %mul3A_84 = arith.constant 32 : i32
        %mul3A_85 = arith.muli %add3A_83, %mul3A_84 : i32
        %add3A_86 = arith.addi %mul3A_85, %add3A : i32
        %mul3A_87 = arith.constant 128 : i32
        %mul3A_88 = arith.muli %add3A_86, %mul3A_87 : i32
        "tpu.region"() ({
          %run_scoped3A_96 = tpu.sem_alloc : memref<!tpu.dma_semaphore, #tpu.memory_space<semaphore_mem>>
          %dma_start3A_97 = arith.constant 0 : i32
          %dma_start3A_98 = tpu.memref_slice %arg3[%dma_start3A_97, %mul3A_88] : memref<2x327680xi32, #tpu.memory_space<hbm>> -> memref<2x128xi32, #tpu.memory_space<hbm>>
          %dma_start3A_99 = arith.constant 0 : i32
          %dma_start3A_100 = tpu.memref_slice %arg3[%dma_start3A_99, %mul3A_88] : memref<2x327680xi32, #tpu.memory_space<hbm>> -> memref<2x128xi32, #tpu.memory_space<hbm>>
          tpu.enqueue_dma source(%dma_start3A_100 : memref<2x128xi32, #tpu.memory_space<hbm>>) target(%arg6 : memref<2x128xi32, #tpu.memory_space<vmem>>) target_semaphore(%run_scoped3A_96 : memref<!tpu.dma_semaphore, #tpu.memory_space<semaphore_mem>>)
          %dma_wait3A_101 = arith.constant 0 : i32
          %dma_wait3A_102 = tpu.memref_slice %arg3[%dma_wait3A_101, %mul3A_88] : memref<2x327680xi32, #tpu.memory_space<hbm>> -> memref<2x128xi32, #tpu.memory_space<hbm>>
          %dma_wait3A_103 = arith.constant 0 : i32
          %dma_wait3A_104 = tpu.memref_slice %arg3[%dma_wait3A_103, %mul3A_88] : memref<2x327680xi32, #tpu.memory_space<hbm>> -> memref<2x128xi32, #tpu.memory_space<hbm>>
          tpu.wait_dma2 semaphore(%run_scoped3A_96 : memref<!tpu.dma_semaphore, #tpu.memory_space<semaphore_mem>>) src(%dma_wait3A_104 : memref<2x128xi32, #tpu.memory_space<hbm>>) dst(%arg6 : memref<2x128xi32, #tpu.memory_space<vmem>>)
          tpu.yield
        }) : () -> ()
        %dma_start3A_89 = arith.constant 0 : i32
        %dma_start3A_90 = arith.constant 0 : i32
        %dma_start3A_91 = tpu.memref_slice %arg6[%dma_start3A_89, %dma_start3A_90] : memref<2x128xi32, #tpu.memory_space<vmem>> -> memref<1x128xi32, #tpu.memory_space<vmem>>
        %dma_start3A_92 = tpu.memref_squeeze %dma_start3A_91 : memref<1x128xi32, #tpu.memory_space<vmem>> -> memref<128xi32, #tpu.memory_space<vmem>>
        %dma_start3A_93 = arith.constant 0 : i32
        %dma_start3A_94 = arith.constant 0 : i32
        %dma_start3A_95 = tpu.memref_slice %arg2[%dma_start3A_93, %dma_start3A_94] : memref<10000x128xf32, #tpu.memory_space<hbm>> -> memref<10000x128xf32, #tpu.memory_space<hbm>>
        tpu.enqueue_indirect_dma source(%dma_start3A_95 : memref<10000x128xf32, #tpu.memory_space<hbm>>) target(%arg8 : memref<128x128xf32, #tpu.memory_space<vmem>>) offsets(%dma_start3A_92 : memref<128xi32, #tpu.memory_space<vmem>>) semaphore(%arg12 : memref<!tpu.dma_semaphore, #tpu.memory_space<semaphore_mem>>)
      } else {
      }
    }
    %scan3A_39 = arith.constant 40 : i32
    %barrier3A_40 = arith.constant 0 : index
    tpu.barrier barrier_id(%barrier3A_40)
    %scan3A_41 = arith.constant 0 : i32
    %scan3A_42 = arith.constant 7 : i32
    %scan3A_43 = arith.addi %scan3A_41, %scan3A_42 : i32
    %scan3A_44 = arith.constant 1 : i32
    scf.for %scan3A_51 = %scan3A_41 to %scan3A_43 step %scan3A_44  : i32 {
      %mul3A_52 = arith.constant 1 : i32
      %mul3A_53 = arith.muli %scan3A_51, %mul3A_52 : i32
      %add3A_54 = arith.constant 0 : i32
      %add3A_55 = arith.addi %add3A_54, %mul3A_53 : i32
      %mul3A_56 = arith.constant 16 : i32
      %mul3A_57 = arith.muli %add3A_55, %mul3A_56 : i32
      %add3A_58 = arith.addi %mul3A_57, %arg1 : i32
      %mul3A_59 = arith.constant 80 : i32
      %mul3A_60 = arith.muli %add3A_58, %mul3A_59 : i32
      %mul3A_61 = arith.constant 80 : i32
      %mul3A_62 = arith.muli %add3A_58, %mul3A_61 : i32
      "tpu.region"() ({
        %run_scoped3A = tpu.sem_alloc : memref<!tpu.dma_semaphore, #tpu.memory_space<semaphore_mem>>
        %dma_start3A_63 = arith.constant 0 : i32
        %dma_start3A_64 = tpu.memref_slice %arg4[%arg0, %mul3A_62, %dma_start3A_63] : memref<2x10000x128xf32, #tpu.memory_space<hbm>> -> memref<1x80x128xf32, #tpu.memory_space<hbm>>
        %dma_start3A_65 = tpu.memref_squeeze %dma_start3A_64 : memref<1x80x128xf32, #tpu.memory_space<hbm>> -> memref<80x128xf32, #tpu.memory_space<hbm>>
        %dma_start3A_66 = arith.constant 0 : i32
        %dma_start3A_67 = tpu.memref_slice %arg10[%mul3A_60, %dma_start3A_66] : memref<10080x128xf32, #tpu.memory_space<vmem_shared>> -> memref<80x128xf32, #tpu.memory_space<vmem_shared>>
        tpu.enqueue_dma source(%dma_start3A_67 : memref<80x128xf32, #tpu.memory_space<vmem_shared>>) target(%dma_start3A_65 : memref<80x128xf32, #tpu.memory_space<hbm>>) target_semaphore(%run_scoped3A : memref<!tpu.dma_semaphore, #tpu.memory_space<semaphore_mem>>)
        %dma_wait3A = arith.constant 0 : i32
        %dma_wait3A_68 = tpu.memref_slice %arg4[%arg0, %mul3A_62, %dma_wait3A] : memref<2x10000x128xf32, #tpu.memory_space<hbm>> -> memref<1x80x128xf32, #tpu.memory_space<hbm>>
        %dma_wait3A_69 = tpu.memref_squeeze %dma_wait3A_68 : memref<1x80x128xf32, #tpu.memory_space<hbm>> -> memref<80x128xf32, #tpu.memory_space<hbm>>
        %dma_wait3A_70 = arith.constant 0 : i32
        %dma_wait3A_71 = tpu.memref_slice %arg10[%mul3A_60, %dma_wait3A_70] : memref<10080x128xf32, #tpu.memory_space<vmem_shared>> -> memref<80x128xf32, #tpu.memory_space<vmem_shared>>
        tpu.wait_dma2 semaphore(%run_scoped3A : memref<!tpu.dma_semaphore, #tpu.memory_space<semaphore_mem>>) src(%dma_wait3A_71 : memref<80x128xf32, #tpu.memory_space<vmem_shared>>) dst(%dma_wait3A_69 : memref<80x128xf32, #tpu.memory_space<hbm>>)
        tpu.yield
      }) : () -> ()
    }
    %scan3A_45 = arith.constant 7 : i32
    %lt3A_46 = arith.constant 13 : i32
    %lt3A_47 = arith.cmpi slt, %arg1, %lt3A_46 : i32
    %convert_element_type3A_48 = arith.extui %lt3A_47 : i1 to i32
    %cond3A_49 = arith.constant 0 : i32
    %cond3A_50 = arith.cmpi ne, %convert_element_type3A_48, %cond3A_49 : i32
    scf.if %cond3A_50 {
      %add3A_51 = arith.constant 112 : i32
      %add3A_52 = arith.addi %add3A_51, %arg1 : i32
      %mul3A_53 = arith.constant 80 : i32
      %mul3A_54 = arith.muli %add3A_52, %mul3A_53 : i32
      %mul3A_55 = arith.constant 80 : i32
      %mul3A_56 = arith.muli %add3A_52, %mul3A_55 : i32
      "tpu.region"() ({
        %run_scoped3A = tpu.sem_alloc : memref<!tpu.dma_semaphore, #tpu.memory_space<semaphore_mem>>
        %dma_start3A_57 = arith.constant 0 : i32
        %dma_start3A_58 = tpu.memref_slice %arg4[%arg0, %mul3A_56, %dma_start3A_57] : memref<2x10000x128xf32, #tpu.memory_space<hbm>> -> memref<1x80x128xf32, #tpu.memory_space<hbm>>
        %dma_start3A_59 = tpu.memref_squeeze %dma_start3A_58 : memref<1x80x128xf32, #tpu.memory_space<hbm>> -> memref<80x128xf32, #tpu.memory_space<hbm>>
        %dma_start3A_60 = arith.constant 0 : i32
        %dma_start3A_61 = tpu.memref_slice %arg10[%mul3A_54, %dma_start3A_60] : memref<10080x128xf32, #tpu.memory_space<vmem_shared>> -> memref<80x128xf32, #tpu.memory_space<vmem_shared>>
        tpu.enqueue_dma source(%dma_start3A_61 : memref<80x128xf32, #tpu.memory_space<vmem_shared>>) target(%dma_start3A_59 : memref<80x128xf32, #tpu.memory_space<hbm>>) target_semaphore(%run_scoped3A : memref<!tpu.dma_semaphore, #tpu.memory_space<semaphore_mem>>)
        %dma_wait3A = arith.constant 0 : i32
        %dma_wait3A_62 = tpu.memref_slice %arg4[%arg0, %mul3A_56, %dma_wait3A] : memref<2x10000x128xf32, #tpu.memory_space<hbm>> -> memref<1x80x128xf32, #tpu.memory_space<hbm>>
        %dma_wait3A_63 = tpu.memref_squeeze %dma_wait3A_62 : memref<1x80x128xf32, #tpu.memory_space<hbm>> -> memref<80x128xf32, #tpu.memory_space<hbm>>
        %dma_wait3A_64 = arith.constant 0 : i32
        %dma_wait3A_65 = tpu.memref_slice %arg10[%mul3A_54, %dma_wait3A_64] : memref<10080x128xf32, #tpu.memory_space<vmem_shared>> -> memref<80x128xf32, #tpu.memory_space<vmem_shared>>
        tpu.wait_dma2 semaphore(%run_scoped3A : memref<!tpu.dma_semaphore, #tpu.memory_space<semaphore_mem>>) src(%dma_wait3A_65 : memref<80x128xf32, #tpu.memory_space<vmem_shared>>) dst(%dma_wait3A_63 : memref<80x128xf32, #tpu.memory_space<hbm>>)
        tpu.yield
      }) : () -> ()
    } else {
    }
    return
  }
}

module attributes {stable_mosaic.version = 14 : i64} {
  func.func @body(%arg0: i32, %arg1: memref<400x128xf32, #tpu.memory_space<vmem>>, %arg2: memref<64x16xf32, #tpu.memory_space<vmem>>, %arg3: memref<400x1xf32, #tpu.memory_space<vmem>>, %arg4: memref<144x128xf32, #tpu.memory_space<vmem>>, %arg5: memref<400x128xf32, #tpu.memory_space<vmem>>) attributes {dimension_semantics = [#tpu.dimension_semantics<arbitrary>], iteration_bounds = array<i64: 25>, scalar_prefetch = 0 : i64, scratch_operands = 0 : i64, tpu.core_type = #tpu.core_type<tc>, window_params = [{transform_indices = @transform_0, window_bounds = array<i64: 400, 128>}, {pipeline_mode = #tpu.pipeline_mode<synchronous>, transform_indices = @transform_1, window_bounds = array<i64: 64, 16>}, {transform_indices = @transform_2, window_bounds = array<i64: 400, 1>}, {pipeline_mode = #tpu.pipeline_mode<synchronous>, transform_indices = @transform_3, window_bounds = array<i64: 144, 128>}, {transform_indices = @transform_4, window_bounds = array<i64: 400, 128>}]} {
    %iota3A = tpu.iota {dimensions = array<i32: 1>} : vector<400x64xi32>
    %convert_element_type3A = arith.sitofp %iota3A : vector<400x64xi32> to vector<400x64xf32>
    %get3A = arith.constant 0 : index
    %get3A_0 = arith.constant 0 : index
    %get3A_1 = vector.load %arg3[%get3A, %get3A_0] : memref<400x1xf32, #tpu.memory_space<vmem>>, vector<400x1xf32>
    %eq3A = vector.broadcast %get3A_1 : vector<400x1xf32> to vector<400x64xf32>
    %eq3A_2 = arith.cmpf oeq, %eq3A, %convert_element_type3A : vector<400x64xf32>
    %convert_element_type3A_3 = arith.extui %eq3A_2 : vector<400x64xi1> to vector<400x64xi32>
    %convert_element_type3A_4 = arith.sitofp %convert_element_type3A_3 : vector<400x64xi32> to vector<400x64xf32>
    %get3A_5 = arith.constant 0 : index
    %get3A_6 = arith.constant 0 : index
    %get3A_7 = vector.load %arg2[%get3A_5, %get3A_6] : memref<64x16xf32, #tpu.memory_space<vmem>>, vector<64x16xf32>
    %get3A_8 = arith.constant 128 : index
    %get3A_9 = arith.constant 0 : index
    %get3A_10 = vector.load %arg4[%get3A_8, %get3A_9] : memref<144x128xf32, #tpu.memory_space<vmem>>, vector<16x128xf32>
    %dot_general3A = arith.constant dense<0.000000e+00> : vector<64x128xf32>
    %dot_general3A_11 = tpu.matmul %get3A_7, %get3A_10, %dot_general3A {dimension_numbers = #tpu.dot_dimension_numbers<[1], [0], [0], [1], [0, 0, 1, 1], [], []>, transpose_lhs_hint = false} : vector<64x16xf32>, vector<16x128xf32>, vector<64x128xf32> -> vector<64x128xf32>
    %get3A_12 = arith.constant 0 : index
    %get3A_13 = arith.constant 0 : index
    %get3A_14 = vector.load %arg1[%get3A_12, %get3A_13] : memref<400x128xf32, #tpu.memory_space<vmem>>, vector<400x128xf32>
    %get3A_15 = arith.constant 0 : index
    %get3A_16 = arith.constant 0 : index
    %get3A_17 = vector.load %arg4[%get3A_15, %get3A_16] : memref<144x128xf32, #tpu.memory_space<vmem>>, vector<128x128xf32>
    %dot_general3A_18 = arith.constant dense<0.000000e+00> : vector<400x128xf32>
    %dot_general3A_19 = tpu.matmul %get3A_14, %get3A_17, %dot_general3A_18 {dimension_numbers = #tpu.dot_dimension_numbers<[1], [0], [0], [1], [0, 0, 1, 1], [], []>, transpose_lhs_hint = false} : vector<400x128xf32>, vector<128x128xf32>, vector<400x128xf32> -> vector<400x128xf32>
    %dot_general3A_20 = arith.constant dense<0.000000e+00> : vector<400x128xf32>
    %dot_general3A_21 = tpu.matmul %convert_element_type3A_4, %dot_general3A_11, %dot_general3A_20 {dimension_numbers = #tpu.dot_dimension_numbers<[1], [0], [0], [1], [0, 0, 1, 1], [], []>, transpose_lhs_hint = false} : vector<400x64xf32>, vector<64x128xf32>, vector<400x128xf32> -> vector<400x128xf32>
    %add3A = arith.addf %dot_general3A_19, %dot_general3A_21 : vector<400x128xf32>
    %swap3A = arith.constant 0 : index
    %swap3A_22 = arith.constant 0 : index
    %swap3A_23 = vector.load %arg5[%swap3A, %swap3A_22] : memref<400x128xf32, #tpu.memory_space<vmem>>, vector<400x128xf32>
    tpu.vector_store %arg5[%swap3A, %swap3A_22], %add3A {strides = array<i32>} : memref<400x128xf32, #tpu.memory_space<vmem>>, vector<400x128xf32>,
    return
  }
  func.func @transform_0(%arg0: i32) -> (i32, i32) {
    %c0_i32 = arith.constant 0 : i32
    %c0_i32_0 = arith.constant 0 : i32
    return %arg0, %c0_i32 : i32, i32
  }
  func.func @transform_1(%arg0: i32) -> (i32, i32) {
    %c0_i32 = arith.constant 0 : i32
    %c0_i32_0 = arith.constant 0 : i32
    %c0_i32_1 = arith.constant 0 : i32
    return %c0_i32, %c0_i32_0 : i32, i32
  }
  func.func @transform_2(%arg0: i32) -> (i32, i32) {
    %c0_i32 = arith.constant 0 : i32
    %c0_i32_0 = arith.constant 0 : i32
    return %arg0, %c0_i32 : i32, i32
  }
  func.func @transform_3(%arg0: i32) -> (i32, i32) {
    %c0_i32 = arith.constant 0 : i32
    %c0_i32_0 = arith.constant 0 : i32
    %c0_i32_1 = arith.constant 0 : i32
    return %c0_i32, %c0_i32_0 : i32, i32
  }
  func.func @transform_4(%arg0: i32) -> (i32, i32) {
    %c0_i32 = arith.constant 0 : i32
    %c0_i32_0 = arith.constant 0 : i32
    return %arg0, %c0_i32 : i32, i32
  }
}

module attributes {stable_mosaic.version = 14 : i64} {
  func.func @body(%arg0: i32, %arg1: memref<400x128xf32, #tpu.memory_space<vmem>>, %arg2: memref<1x400x128xf32, #tpu.memory_space<vmem>>, %arg3: memref<1x400x128xf32, #tpu.memory_space<vmem>>, %arg4: memref<1x1xf32, #tpu.memory_space<vmem>>, %arg5: memref<1x128xf32, #tpu.memory_space<vmem>>, %arg6: memref<128x128xf32, #tpu.memory_space<vmem>>, %arg7: memref<1x128xf32, #tpu.memory_space<vmem>>, %arg8: memref<400x128xf32, #tpu.memory_space<vmem>>) attributes {dimension_semantics = [#tpu.dimension_semantics<arbitrary>], iteration_bounds = array<i64: 25>, scalar_prefetch = 0 : i64, scratch_operands = 0 : i64, tpu.core_type = #tpu.core_type<tc>, window_params = [{transform_indices = @transform_0, window_bounds = array<i64: 400, 128>}, {transform_indices = @transform_1, window_bounds = array<i64: 1, 400, 128>}, {transform_indices = @transform_2, window_bounds = array<i64: 1, 400, 128>}, {pipeline_mode = #tpu.pipeline_mode<synchronous>, transform_indices = @transform_3, window_bounds = array<i64: 1, 1>}, {pipeline_mode = #tpu.pipeline_mode<synchronous>, transform_indices = @transform_4, window_bounds = array<i64: 1, 128>}, {pipeline_mode = #tpu.pipeline_mode<synchronous>, transform_indices = @transform_5, window_bounds = array<i64: 128, 128>}, {pipeline_mode = #tpu.pipeline_mode<synchronous>, transform_indices = @transform_6, window_bounds = array<i64: 1, 128>}, {transform_indices = @transform_7, window_bounds = array<i64: 400, 128>}]} {
    %get3A = arith.constant 0 : index
    %get3A_0 = arith.constant 0 : index
    %get3A_1 = vector.load %arg1[%get3A, %get3A_0] : memref<400x128xf32, #tpu.memory_space<vmem>>, vector<400x128xf32>
    %get3A_2 = arith.constant 0 : index
    %get3A_3 = arith.constant 0 : index
    %get3A_4 = vector.load %arg4[%get3A_2, %get3A_3] : memref<1x1xf32, #tpu.memory_space<vmem>>, vector<1x1xf32>
    %mul3A = vector.broadcast %get3A_4 : vector<1x1xf32> to vector<400x128xf32>
    %mul3A_5 = arith.mulf %get3A_1, %mul3A : vector<400x128xf32>
    %get3A_6 = arith.constant 0 : index
    %get3A_7 = arith.constant 0 : index
    %get3A_8 = arith.constant 0 : index
    %get3A_9 = vector.load %arg2[%get3A_6, %get3A_7, %get3A_8] : memref<1x400x128xf32, #tpu.memory_space<vmem>>, vector<1x400x128xf32>
    %get3A_10 = vector.shape_cast %get3A_9 : vector<1x400x128xf32> to vector<400x128xf32>
    %add3A = arith.addf %mul3A_5, %get3A_10 : vector<400x128xf32>
    %get3A_11 = arith.constant 0 : index
    %get3A_12 = arith.constant 0 : index
    %get3A_13 = arith.constant 0 : index
    %get3A_14 = vector.load %arg3[%get3A_11, %get3A_12, %get3A_13] : memref<1x400x128xf32, #tpu.memory_space<vmem>>, vector<1x400x128xf32>
    %get3A_15 = vector.shape_cast %get3A_14 : vector<1x400x128xf32> to vector<400x128xf32>
    %add3A_16 = arith.addf %add3A, %get3A_15 : vector<400x128xf32>
    %get3A_17 = arith.constant 0 : index
    %get3A_18 = arith.constant 0 : index
    %get3A_19 = vector.load %arg5[%get3A_17, %get3A_18] : memref<1x128xf32, #tpu.memory_space<vmem>>, vector<1x128xf32>
    %add3A_20 = vector.broadcast %get3A_19 : vector<1x128xf32> to vector<400x128xf32>
    %add3A_21 = arith.addf %add3A_16, %add3A_20 : vector<400x128xf32>
    %max3A = arith.constant 0.000000e+00 : f32
    %max3A_22 = vector.broadcast %max3A : f32 to vector<400x128xf32>
    %max3A_23 = arith.maximumf %add3A_21, %max3A_22 : vector<400x128xf32>
    %get3A_24 = arith.constant 0 : index
    %get3A_25 = arith.constant 0 : index
    %get3A_26 = vector.load %arg6[%get3A_24, %get3A_25] : memref<128x128xf32, #tpu.memory_space<vmem>>, vector<128x128xf32>
    %dot_general3A = arith.constant dense<0.000000e+00> : vector<400x128xf32>
    %dot_general3A_27 = tpu.matmul %max3A_23, %get3A_26, %dot_general3A {dimension_numbers = #tpu.dot_dimension_numbers<[1], [0], [0], [1], [0, 0, 1, 1], [], []>, transpose_lhs_hint = false} : vector<400x128xf32>, vector<128x128xf32>, vector<400x128xf32> -> vector<400x128xf32>
    %get3A_28 = arith.constant 0 : index
    %get3A_29 = arith.constant 0 : index
    %get3A_30 = vector.load %arg7[%get3A_28, %get3A_29] : memref<1x128xf32, #tpu.memory_space<vmem>>, vector<1x128xf32>
    %add3A_31 = vector.broadcast %get3A_30 : vector<1x128xf32> to vector<400x128xf32>
    %add3A_32 = arith.addf %dot_general3A_27, %add3A_31 : vector<400x128xf32>
    %max3A_33 = arith.constant 0.000000e+00 : f32
    %max3A_34 = vector.broadcast %max3A_33 : f32 to vector<400x128xf32>
    %max3A_35 = arith.maximumf %add3A_32, %max3A_34 : vector<400x128xf32>
    %swap3A = arith.constant 0 : index
    %swap3A_36 = arith.constant 0 : index
    %swap3A_37 = vector.load %arg8[%swap3A, %swap3A_36] : memref<400x128xf32, #tpu.memory_space<vmem>>, vector<400x128xf32>
    tpu.vector_store %arg8[%swap3A, %swap3A_36], %max3A_35 {strides = array<i32>} : memref<400x128xf32, #tpu.memory_space<vmem>>, vector<400x128xf32>,
    return
  }
  func.func @transform_0(%arg0: i32) -> (i32, i32) {
    %c0_i32 = arith.constant 0 : i32
    %c0_i32_0 = arith.constant 0 : i32
    return %arg0, %c0_i32 : i32, i32
  }
  func.func @transform_1(%arg0: i32) -> (i32, i32, i32) {
    %c0_i32 = arith.constant 0 : i32
    %c0_i32_0 = arith.constant 0 : i32
    %c0_i32_1 = arith.constant 0 : i32
    return %c0_i32, %arg0, %c0_i32_0 : i32, i32, i32
  }
  func.func @transform_2(%arg0: i32) -> (i32, i32, i32) {
    %c1_i32 = arith.constant 1 : i32
    %c0_i32 = arith.constant 0 : i32
    %c0_i32_0 = arith.constant 0 : i32
    return %c1_i32, %arg0, %c0_i32 : i32, i32, i32
  }
  func.func @transform_3(%arg0: i32) -> (i32, i32) {
    %c0_i32 = arith.constant 0 : i32
    %c0_i32_0 = arith.constant 0 : i32
    %c0_i32_1 = arith.constant 0 : i32
    return %c0_i32, %c0_i32_0 : i32, i32
  }
  func.func @transform_4(%arg0: i32) -> (i32, i32) {
    %c0_i32 = arith.constant 0 : i32
    %c0_i32_0 = arith.constant 0 : i32
    %c0_i32_1 = arith.constant 0 : i32
    return %c0_i32, %c0_i32_0 : i32, i32
  }
  func.func @transform_5(%arg0: i32) -> (i32, i32) {
    %c0_i32 = arith.constant 0 : i32
    %c0_i32_0 = arith.constant 0 : i32
    %c0_i32_1 = arith.constant 0 : i32
    return %c0_i32, %c0_i32_0 : i32, i32
  }
  func.func @transform_6(%arg0: i32) -> (i32, i32) {
    %c0_i32 = arith.constant 0 : i32
    %c0_i32_0 = arith.constant 0 : i32
    %c0_i32_1 = arith.constant 0 : i32
    return %c0_i32, %c0_i32_0 : i32, i32
  }
  func.func @transform_7(%arg0: i32) -> (i32, i32) {
    %c0_i32 = arith.constant 0 : i32
    %c0_i32_0 = arith.constant 0 : i32
    return %arg0, %c0_i32 : i32, i32
  }
}

module attributes {stable_mosaic.version = 14 : i64} {
  func.func @body(%arg0: i32, %arg1: memref<400x128xf32, #tpu.memory_space<vmem>>, %arg2: memref<1x400x128xf32, #tpu.memory_space<vmem>>, %arg3: memref<1x400x128xf32, #tpu.memory_space<vmem>>, %arg4: memref<1x1xf32, #tpu.memory_space<vmem>>, %arg5: memref<128x128xf32, #tpu.memory_space<vmem>>, %arg6: memref<1x128xf32, #tpu.memory_space<vmem>>, %arg7: memref<128x128xf32, #tpu.memory_space<vmem>>, %arg8: memref<1x128xf32, #tpu.memory_space<vmem>>, %arg9: memref<400x128xf32, #tpu.memory_space<vmem>>) attributes {dimension_semantics = [#tpu.dimension_semantics<arbitrary>], iteration_bounds = array<i64: 25>, scalar_prefetch = 0 : i64, scratch_operands = 0 : i64, tpu.core_type = #tpu.core_type<tc>, window_params = [{transform_indices = @transform_0, window_bounds = array<i64: 400, 128>}, {transform_indices = @transform_1, window_bounds = array<i64: 1, 400, 128>}, {transform_indices = @transform_2, window_bounds = array<i64: 1, 400, 128>}, {pipeline_mode = #tpu.pipeline_mode<synchronous>, transform_indices = @transform_3, window_bounds = array<i64: 1, 1>}, {pipeline_mode = #tpu.pipeline_mode<synchronous>, transform_indices = @transform_4, window_bounds = array<i64: 128, 128>}, {pipeline_mode = #tpu.pipeline_mode<synchronous>, transform_indices = @transform_5, window_bounds = array<i64: 1, 128>}, {pipeline_mode = #tpu.pipeline_mode<synchronous>, transform_indices = @transform_6, window_bounds = array<i64: 128, 128>}, {pipeline_mode = #tpu.pipeline_mode<synchronous>, transform_indices = @transform_7, window_bounds = array<i64: 1, 128>}, {transform_indices = @transform_8, window_bounds = array<i64: 400, 128>}]} {
    %get3A = arith.constant 0 : index
    %get3A_0 = arith.constant 0 : index
    %get3A_1 = vector.load %arg1[%get3A, %get3A_0] : memref<400x128xf32, #tpu.memory_space<vmem>>, vector<400x128xf32>
    %get3A_2 = arith.constant 0 : index
    %get3A_3 = arith.constant 0 : index
    %get3A_4 = vector.load %arg4[%get3A_2, %get3A_3] : memref<1x1xf32, #tpu.memory_space<vmem>>, vector<1x1xf32>
    %mul3A = vector.broadcast %get3A_4 : vector<1x1xf32> to vector<400x128xf32>
    %mul3A_5 = arith.mulf %get3A_1, %mul3A : vector<400x128xf32>
    %get3A_6 = arith.constant 0 : index
    %get3A_7 = arith.constant 0 : index
    %get3A_8 = arith.constant 0 : index
    %get3A_9 = vector.load %arg2[%get3A_6, %get3A_7, %get3A_8] : memref<1x400x128xf32, #tpu.memory_space<vmem>>, vector<1x400x128xf32>
    %get3A_10 = vector.shape_cast %get3A_9 : vector<1x400x128xf32> to vector<400x128xf32>
    %add3A = arith.addf %mul3A_5, %get3A_10 : vector<400x128xf32>
    %get3A_11 = arith.constant 0 : index
    %get3A_12 = arith.constant 0 : index
    %get3A_13 = arith.constant 0 : index
    %get3A_14 = vector.load %arg3[%get3A_11, %get3A_12, %get3A_13] : memref<1x400x128xf32, #tpu.memory_space<vmem>>, vector<1x400x128xf32>
    %get3A_15 = vector.shape_cast %get3A_14 : vector<1x400x128xf32> to vector<400x128xf32>
    %add3A_16 = arith.addf %add3A, %get3A_15 : vector<400x128xf32>
    %get3A_17 = arith.constant 0 : index
    %get3A_18 = arith.constant 0 : index
    %get3A_19 = vector.load %arg5[%get3A_17, %get3A_18] : memref<128x128xf32, #tpu.memory_space<vmem>>, vector<128x128xf32>
    %dot_general3A = arith.constant dense<0.000000e+00> : vector<400x128xf32>
    %dot_general3A_20 = tpu.matmul %add3A_16, %get3A_19, %dot_general3A {dimension_numbers = #tpu.dot_dimension_numbers<[1], [0], [0], [1], [0, 0, 1, 1], [], []>, transpose_lhs_hint = false} : vector<400x128xf32>, vector<128x128xf32>, vector<400x128xf32> -> vector<400x128xf32>
    %get3A_21 = arith.constant 0 : index
    %get3A_22 = arith.constant 0 : index
    %get3A_23 = vector.load %arg6[%get3A_21, %get3A_22] : memref<1x128xf32, #tpu.memory_space<vmem>>, vector<1x128xf32>
    %add3A_24 = vector.broadcast %get3A_23 : vector<1x128xf32> to vector<400x128xf32>
    %add3A_25 = arith.addf %dot_general3A_20, %add3A_24 : vector<400x128xf32>
    %max3A = arith.constant 0.000000e+00 : f32
    %max3A_26 = vector.broadcast %max3A : f32 to vector<400x128xf32>
    %max3A_27 = arith.maximumf %add3A_25, %max3A_26 : vector<400x128xf32>
    %get3A_28 = arith.constant 0 : index
    %get3A_29 = arith.constant 0 : index
    %get3A_30 = vector.load %arg7[%get3A_28, %get3A_29] : memref<128x128xf32, #tpu.memory_space<vmem>>, vector<128x128xf32>
    %dot_general3A_31 = arith.constant dense<0.000000e+00> : vector<400x128xf32>
    %dot_general3A_32 = tpu.matmul %max3A_27, %get3A_30, %dot_general3A_31 {dimension_numbers = #tpu.dot_dimension_numbers<[1], [0], [0], [1], [0, 0, 1, 1], [], []>, transpose_lhs_hint = false} : vector<400x128xf32>, vector<128x128xf32>, vector<400x128xf32> -> vector<400x128xf32>
    %get3A_33 = arith.constant 0 : index
    %get3A_34 = arith.constant 0 : index
    %get3A_35 = vector.load %arg8[%get3A_33, %get3A_34] : memref<1x128xf32, #tpu.memory_space<vmem>>, vector<1x128xf32>
    %add3A_36 = vector.broadcast %get3A_35 : vector<1x128xf32> to vector<400x128xf32>
    %add3A_37 = arith.addf %dot_general3A_32, %add3A_36 : vector<400x128xf32>
    %max3A_38 = arith.constant 0.000000e+00 : f32
    %max3A_39 = vector.broadcast %max3A_38 : f32 to vector<400x128xf32>
    %max3A_40 = arith.maximumf %add3A_37, %max3A_39 : vector<400x128xf32>
    %swap3A = arith.constant 0 : index
    %swap3A_41 = arith.constant 0 : index
    %swap3A_42 = vector.load %arg9[%swap3A, %swap3A_41] : memref<400x128xf32, #tpu.memory_space<vmem>>, vector<400x128xf32>
    tpu.vector_store %arg9[%swap3A, %swap3A_41], %max3A_40 {strides = array<i32>} : memref<400x128xf32, #tpu.memory_space<vmem>>, vector<400x128xf32>,
    return
  }
  func.func @transform_0(%arg0: i32) -> (i32, i32) {
    %c0_i32 = arith.constant 0 : i32
    %c0_i32_0 = arith.constant 0 : i32
    return %arg0, %c0_i32 : i32, i32
  }
  func.func @transform_1(%arg0: i32) -> (i32, i32, i32) {
    %c0_i32 = arith.constant 0 : i32
    %c0_i32_0 = arith.constant 0 : i32
    %c0_i32_1 = arith.constant 0 : i32
    return %c0_i32, %arg0, %c0_i32_0 : i32, i32, i32
  }
  func.func @transform_2(%arg0: i32) -> (i32, i32, i32) {
    %c1_i32 = arith.constant 1 : i32
    %c0_i32 = arith.constant 0 : i32
    %c0_i32_0 = arith.constant 0 : i32
    return %c1_i32, %arg0, %c0_i32 : i32, i32, i32
  }
  func.func @transform_3(%arg0: i32) -> (i32, i32) {
    %c0_i32 = arith.constant 0 : i32
    %c0_i32_0 = arith.constant 0 : i32
    %c0_i32_1 = arith.constant 0 : i32
    return %c0_i32, %c0_i32_0 : i32, i32
  }
  func.func @transform_4(%arg0: i32) -> (i32, i32) {
    %c0_i32 = arith.constant 0 : i32
    %c0_i32_0 = arith.constant 0 : i32
    %c0_i32_1 = arith.constant 0 : i32
    return %c0_i32, %c0_i32_0 : i32, i32
  }
  func.func @transform_5(%arg0: i32) -> (i32, i32) {
    %c0_i32 = arith.constant 0 : i32
    %c0_i32_0 = arith.constant 0 : i32
    %c0_i32_1 = arith.constant 0 : i32
    return %c0_i32, %c0_i32_0 : i32, i32
  }
  func.func @transform_6(%arg0: i32) -> (i32, i32) {
    %c0_i32 = arith.constant 0 : i32
    %c0_i32_0 = arith.constant 0 : i32
    %c0_i32_1 = arith.constant 0 : i32
    return %c0_i32, %c0_i32_0 : i32, i32
  }
  func.func @transform_7(%arg0: i32) -> (i32, i32) {
    %c0_i32 = arith.constant 0 : i32
    %c0_i32_0 = arith.constant 0 : i32
    %c0_i32_1 = arith.constant 0 : i32
    return %c0_i32, %c0_i32_0 : i32, i32
  }
  func.func @transform_8(%arg0: i32) -> (i32, i32) {
    %c0_i32 = arith.constant 0 : i32
    %c0_i32_0 = arith.constant 0 : i32
    return %arg0, %c0_i32 : i32, i32
  }
}

module attributes {stable_mosaic.version = 14 : i64} {
  func.func @body(%arg0: i32, %arg1: memref<400x128xf32, #tpu.memory_space<vmem>>, %arg2: memref<1x400x128xf32, #tpu.memory_space<vmem>>, %arg3: memref<1x400x128xf32, #tpu.memory_space<vmem>>, %arg4: memref<1x1xf32, #tpu.memory_space<vmem>>, %arg5: memref<128x128xf32, #tpu.memory_space<vmem>>, %arg6: memref<1x128xf32, #tpu.memory_space<vmem>>, %arg7: memref<128x128xf32, #tpu.memory_space<vmem>>, %arg8: memref<1x128xf32, #tpu.memory_space<vmem>>, %arg9: memref<1x1x400xf32, #tpu.memory_space<vmem>>, %arg10: memref<128x64xf32, #tpu.memory_space<vmem>>, %arg11: memref<1x64xf32, #tpu.memory_space<vmem>>, %arg12: memref<128x64xf32, #tpu.memory_space<vmem>>, %arg13: memref<1x64xf32, #tpu.memory_space<vmem>>, %arg14: memref<64x64xf32, #tpu.memory_space<vmem>>, %arg15: memref<64x64xf32, #tpu.memory_space<vmem>>, %arg16: memref<64x128xf32, #tpu.memory_space<vmem>>) attributes {dimension_semantics = [#tpu.dimension_semantics<arbitrary>], iteration_bounds = array<i64: 25>, scalar_prefetch = 0 : i64, scratch_operands = 1 : i64, tpu.core_type = #tpu.core_type<tc>, window_params = [{transform_indices = @transform_0, window_bounds = array<i64: 400, 128>}, {transform_indices = @transform_1, window_bounds = array<i64: 1, 400, 128>}, {transform_indices = @transform_2, window_bounds = array<i64: 1, 400, 128>}, {pipeline_mode = #tpu.pipeline_mode<synchronous>, transform_indices = @transform_3, window_bounds = array<i64: 1, 1>}, {pipeline_mode = #tpu.pipeline_mode<synchronous>, transform_indices = @transform_4, window_bounds = array<i64: 128, 128>}, {pipeline_mode = #tpu.pipeline_mode<synchronous>, transform_indices = @transform_5, window_bounds = array<i64: 1, 128>}, {pipeline_mode = #tpu.pipeline_mode<synchronous>, transform_indices = @transform_6, window_bounds = array<i64: 128, 128>}, {pipeline_mode = #tpu.pipeline_mode<synchronous>, transform_indices = @transform_7, window_bounds = array<i64: 1, 128>}, {transform_indices = @transform_8, window_bounds = array<i64: 1, 1, 400>}, {pipeline_mode = #tpu.pipeline_mode<synchronous>, transform_indices = @transform_9, window_bounds = array<i64: 128, 64>}, {pipeline_mode = #tpu.pipeline_mode<synchronous>, transform_indices = @transform_10, window_bounds = array<i64: 1, 64>}, {pipeline_mode = #tpu.pipeline_mode<synchronous>, transform_indices = @transform_11, window_bounds = array<i64: 128, 64>}, {pipeline_mode = #tpu.pipeline_mode<synchronous>, transform_indices = @transform_12, window_bounds = array<i64: 1, 64>}, {pipeline_mode = #tpu.pipeline_mode<synchronous>, transform_indices = @transform_13, window_bounds = array<i64: 64, 64>}, {pipeline_mode = #tpu.pipeline_mode<synchronous>, transform_indices = @transform_14, window_bounds = array<i64: 64, 64>}]} {
    %get3A = arith.constant 0 : index
    %get3A_0 = arith.constant 0 : index
    %get3A_1 = vector.load %arg1[%get3A, %get3A_0] : memref<400x128xf32, #tpu.memory_space<vmem>>, vector<400x128xf32>
    %get3A_2 = arith.constant 0 : index
    %get3A_3 = arith.constant 0 : index
    %get3A_4 = vector.load %arg4[%get3A_2, %get3A_3] : memref<1x1xf32, #tpu.memory_space<vmem>>, vector<1x1xf32>
    %mul3A = vector.broadcast %get3A_4 : vector<1x1xf32> to vector<400x128xf32>
    %mul3A_5 = arith.mulf %get3A_1, %mul3A : vector<400x128xf32>
    %get3A_6 = arith.constant 0 : index
    %get3A_7 = arith.constant 0 : index
    %get3A_8 = arith.constant 0 : index
    %get3A_9 = vector.load %arg2[%get3A_6, %get3A_7, %get3A_8] : memref<1x400x128xf32, #tpu.memory_space<vmem>>, vector<1x400x128xf32>
    %get3A_10 = vector.shape_cast %get3A_9 : vector<1x400x128xf32> to vector<400x128xf32>
    %add3A = arith.addf %mul3A_5, %get3A_10 : vector<400x128xf32>
    %get3A_11 = arith.constant 0 : index
    %get3A_12 = arith.constant 0 : index
    %get3A_13 = arith.constant 0 : index
    %get3A_14 = vector.load %arg3[%get3A_11, %get3A_12, %get3A_13] : memref<1x400x128xf32, #tpu.memory_space<vmem>>, vector<1x400x128xf32>
    %get3A_15 = vector.shape_cast %get3A_14 : vector<1x400x128xf32> to vector<400x128xf32>
    %add3A_16 = arith.addf %add3A, %get3A_15 : vector<400x128xf32>
    %get3A_17 = arith.constant 0 : index
    %get3A_18 = arith.constant 0 : index
    %get3A_19 = vector.load %arg5[%get3A_17, %get3A_18] : memref<128x128xf32, #tpu.memory_space<vmem>>, vector<128x128xf32>
    %dot_general3A = arith.constant dense<0.000000e+00> : vector<400x128xf32>
    %dot_general3A_20 = tpu.matmul %add3A_16, %get3A_19, %dot_general3A {dimension_numbers = #tpu.dot_dimension_numbers<[1], [0], [0], [1], [0, 0, 1, 1], [], []>, transpose_lhs_hint = false} : vector<400x128xf32>, vector<128x128xf32>, vector<400x128xf32> -> vector<400x128xf32>
    %get3A_21 = arith.constant 0 : index
    %get3A_22 = arith.constant 0 : index
    %get3A_23 = vector.load %arg6[%get3A_21, %get3A_22] : memref<1x128xf32, #tpu.memory_space<vmem>>, vector<1x128xf32>
    %add3A_24 = vector.broadcast %get3A_23 : vector<1x128xf32> to vector<400x128xf32>
    %add3A_25 = arith.addf %dot_general3A_20, %add3A_24 : vector<400x128xf32>
    %max3A = arith.constant 0.000000e+00 : f32
    %max3A_26 = vector.broadcast %max3A : f32 to vector<400x128xf32>
    %max3A_27 = arith.maximumf %add3A_25, %max3A_26 : vector<400x128xf32>
    %get3A_28 = arith.constant 0 : index
    %get3A_29 = arith.constant 0 : index
    %get3A_30 = vector.load %arg7[%get3A_28, %get3A_29] : memref<128x128xf32, #tpu.memory_space<vmem>>, vector<128x128xf32>
    %dot_general3A_31 = arith.constant dense<0.000000e+00> : vector<400x128xf32>
    %dot_general3A_32 = tpu.matmul %max3A_27, %get3A_30, %dot_general3A_31 {dimension_numbers = #tpu.dot_dimension_numbers<[1], [0], [0], [1], [0, 0, 1, 1], [], []>, transpose_lhs_hint = false} : vector<400x128xf32>, vector<128x128xf32>, vector<400x128xf32> -> vector<400x128xf32>
    %get3A_33 = arith.constant 0 : index
    %get3A_34 = arith.constant 0 : index
    %get3A_35 = vector.load %arg8[%get3A_33, %get3A_34] : memref<1x128xf32, #tpu.memory_space<vmem>>, vector<1x128xf32>
    %add3A_36 = vector.broadcast %get3A_35 : vector<1x128xf32> to vector<400x128xf32>
    %add3A_37 = arith.addf %dot_general3A_32, %add3A_36 : vector<400x128xf32>
    %max3A_38 = arith.constant 0.000000e+00 : f32
    %max3A_39 = vector.broadcast %max3A_38 : f32 to vector<400x128xf32>
    %max3A_40 = arith.maximumf %add3A_37, %max3A_39 : vector<400x128xf32>
    %iota3A = tpu.iota {dimensions = array<i32: 0>} : vector<64x400xi32>
    %convert_element_type3A = arith.sitofp %iota3A : vector<64x400xi32> to vector<64x400xf32>
    %get3A_41 = arith.constant 0 : index
    %get3A_42 = arith.constant 0 : index
    %get3A_43 = arith.constant 0 : index
    %get3A_44 = vector.load %arg9[%get3A_41, %get3A_42, %get3A_43] : memref<1x1x400xf32, #tpu.memory_space<vmem>>, vector<1x1x400xf32>
    %get3A_45 = vector.shape_cast %get3A_44 : vector<1x1x400xf32> to vector<1x400xf32>
    %eq3A = vector.broadcast %get3A_45 : vector<1x400xf32> to vector<64x400xf32>
    %eq3A_46 = arith.cmpf oeq, %eq3A, %convert_element_type3A : vector<64x400xf32>
    %convert_element_type3A_47 = arith.extui %eq3A_46 : vector<64x400xi1> to vector<64x400xi32>
    %convert_element_type3A_48 = arith.sitofp %convert_element_type3A_47 : vector<64x400xi32> to vector<64x400xf32>
    %dot_general3A_49 = arith.constant dense<0.000000e+00> : vector<64x128xf32>
    %dot_general3A_50 = tpu.matmul %convert_element_type3A_48, %max3A_40, %dot_general3A_49 {dimension_numbers = #tpu.dot_dimension_numbers<[1], [0], [0], [1], [0, 0, 1, 1], [], []>, transpose_lhs_hint = false} : vector<64x400xf32>, vector<400x128xf32>, vector<64x128xf32> -> vector<64x128xf32>
    %eq3A_51 = arith.constant 0 : i32
    %eq3A_52 = arith.cmpi eq, %arg0, %eq3A_51 : i32
    %convert_element_type3A_53 = arith.extui %eq3A_52 : i1 to i32
    %cond3A = arith.constant 0 : i32
    %cond3A_54 = arith.cmpi ne, %convert_element_type3A_53, %cond3A : i32
    scf.if %cond3A_54 {
      %swap3A = arith.constant 0 : index
      %swap3A_64 = arith.constant 0 : index
      %swap3A_65 = vector.load %arg16[%swap3A, %swap3A_64] : memref<64x128xf32, #tpu.memory_space<vmem>>, vector<64x128xf32>
      tpu.vector_store %arg16[%swap3A, %swap3A_64], %dot_general3A_50 {strides = array<i32>} : memref<64x128xf32, #tpu.memory_space<vmem>>, vector<64x128xf32>,
    } else {
    }
    %gt3A = arith.constant 0 : i32
    %gt3A_55 = arith.cmpi sgt, %arg0, %gt3A : i32
    %convert_element_type3A_56 = arith.extui %gt3A_55 : i1 to i32
    %cond3A_57 = arith.constant 0 : i32
    %cond3A_58 = arith.cmpi ne, %convert_element_type3A_56, %cond3A_57 : i32
    scf.if %cond3A_58 {
      %get3A_64 = arith.constant 0 : index
      %get3A_65 = arith.constant 0 : index
      %get3A_66 = vector.load %arg16[%get3A_64, %get3A_65] : memref<64x128xf32, #tpu.memory_space<vmem>>, vector<64x128xf32>
      %add3A_67 = arith.addf %get3A_66, %dot_general3A_50 : vector<64x128xf32>
      %swap3A = arith.constant 0 : index
      %swap3A_68 = arith.constant 0 : index
      %swap3A_69 = vector.load %arg16[%swap3A, %swap3A_68] : memref<64x128xf32, #tpu.memory_space<vmem>>, vector<64x128xf32>
      tpu.vector_store %arg16[%swap3A, %swap3A_68], %add3A_67 {strides = array<i32>} : memref<64x128xf32, #tpu.memory_space<vmem>>, vector<64x128xf32>,
    } else {
    }
    %eq3A_59 = arith.constant 24 : i32
    %eq3A_60 = arith.cmpi eq, %arg0, %eq3A_59 : i32
    %convert_element_type3A_61 = arith.extui %eq3A_60 : i1 to i32
    %cond3A_62 = arith.constant 0 : i32
    %cond3A_63 = arith.cmpi ne, %convert_element_type3A_61, %cond3A_62 : i32
    scf.if %cond3A_63 {
      %get3A_64 = arith.constant 0 : index
      %get3A_65 = arith.constant 0 : index
      %get3A_66 = vector.load %arg16[%get3A_64, %get3A_65] : memref<64x128xf32, #tpu.memory_space<vmem>>, vector<64x128xf32>
      %get3A_67 = arith.constant 0 : index
      %get3A_68 = arith.constant 0 : index
      %get3A_69 = vector.load %arg10[%get3A_67, %get3A_68] : memref<128x64xf32, #tpu.memory_space<vmem>>, vector<128x64xf32>
      %dot_general3A_70 = arith.constant dense<0.000000e+00> : vector<64x64xf32>
      %dot_general3A_71 = tpu.matmul %get3A_66, %get3A_69, %dot_general3A_70 {dimension_numbers = #tpu.dot_dimension_numbers<[1], [0], [0], [1], [0, 0, 1, 1], [], []>, transpose_lhs_hint = false} : vector<64x128xf32>, vector<128x64xf32>, vector<64x64xf32> -> vector<64x64xf32>
      %get3A_72 = arith.constant 0 : index
      %get3A_73 = arith.constant 0 : index
      %get3A_74 = vector.load %arg11[%get3A_72, %get3A_73] : memref<1x64xf32, #tpu.memory_space<vmem>>, vector<1x64xf32>
      %add3A_75 = vector.broadcast %get3A_74 : vector<1x64xf32> to vector<64x64xf32>
      %add3A_76 = arith.addf %dot_general3A_71, %add3A_75 : vector<64x64xf32>
      %swap3A = arith.constant 0 : index
      %swap3A_77 = arith.constant 0 : index
      %swap3A_78 = vector.load %arg14[%swap3A, %swap3A_77] : memref<64x64xf32, #tpu.memory_space<vmem>>, vector<64x64xf32>
      tpu.vector_store %arg14[%swap3A, %swap3A_77], %add3A_76 {strides = array<i32>} : memref<64x64xf32, #tpu.memory_space<vmem>>, vector<64x64xf32>,
      %get3A_79 = arith.constant 0 : index
      %get3A_80 = arith.constant 0 : index
      %get3A_81 = vector.load %arg12[%get3A_79, %get3A_80] : memref<128x64xf32, #tpu.memory_space<vmem>>, vector<128x64xf32>
      %dot_general3A_82 = arith.constant dense<0.000000e+00> : vector<64x64xf32>
      %dot_general3A_83 = tpu.matmul %get3A_66, %get3A_81, %dot_general3A_82 {dimension_numbers = #tpu.dot_dimension_numbers<[1], [0], [0], [1], [0, 0, 1, 1], [], []>, transpose_lhs_hint = false} : vector<64x128xf32>, vector<128x64xf32>, vector<64x64xf32> -> vector<64x64xf32>
      %get3A_84 = arith.constant 0 : index
      %get3A_85 = arith.constant 0 : index
      %get3A_86 = vector.load %arg13[%get3A_84, %get3A_85] : memref<1x64xf32, #tpu.memory_space<vmem>>, vector<1x64xf32>
      %add3A_87 = vector.broadcast %get3A_86 : vector<1x64xf32> to vector<64x64xf32>
      %add3A_88 = arith.addf %dot_general3A_83, %add3A_87 : vector<64x64xf32>
      %swap3A_89 = arith.constant 0 : index
      %swap3A_90 = arith.constant 0 : index
      %swap3A_91 = vector.load %arg15[%swap3A_89, %swap3A_90] : memref<64x64xf32, #tpu.memory_space<vmem>>, vector<64x64xf32>
      tpu.vector_store %arg15[%swap3A_89, %swap3A_90], %add3A_88 {strides = array<i32>} : memref<64x64xf32, #tpu.memory_space<vmem>>, vector<64x64xf32>,
    } else {
    }
    return
  }
  func.func @transform_0(%arg0: i32) -> (i32, i32) {
    %c0_i32 = arith.constant 0 : i32
    %c0_i32_0 = arith.constant 0 : i32
    return %arg0, %c0_i32 : i32, i32
  }
  func.func @transform_1(%arg0: i32) -> (i32, i32, i32) {
    %c0_i32 = arith.constant 0 : i32
    %c0_i32_0 = arith.constant 0 : i32
    %c0_i32_1 = arith.constant 0 : i32
    return %c0_i32, %arg0, %c0_i32_0 : i32, i32, i32
  }
  func.func @transform_2(%arg0: i32) -> (i32, i32, i32) {
    %c1_i32 = arith.constant 1 : i32
    %c0_i32 = arith.constant 0 : i32
    %c0_i32_0 = arith.constant 0 : i32
    return %c1_i32, %arg0, %c0_i32 : i32, i32, i32
  }
  func.func @transform_3(%arg0: i32) -> (i32, i32) {
    %c0_i32 = arith.constant 0 : i32
    %c0_i32_0 = arith.constant 0 : i32
    %c0_i32_1 = arith.constant 0 : i32
    return %c0_i32, %c0_i32_0 : i32, i32
  }
  func.func @transform_4(%arg0: i32) -> (i32, i32) {
    %c0_i32 = arith.constant 0 : i32
    %c0_i32_0 = arith.constant 0 : i32
    %c0_i32_1 = arith.constant 0 : i32
    return %c0_i32, %c0_i32_0 : i32, i32
  }
  func.func @transform_5(%arg0: i32) -> (i32, i32) {
    %c0_i32 = arith.constant 0 : i32
    %c0_i32_0 = arith.constant 0 : i32
    %c0_i32_1 = arith.constant 0 : i32
    return %c0_i32, %c0_i32_0 : i32, i32
  }
  func.func @transform_6(%arg0: i32) -> (i32, i32) {
    %c0_i32 = arith.constant 0 : i32
    %c0_i32_0 = arith.constant 0 : i32
    %c0_i32_1 = arith.constant 0 : i32
    return %c0_i32, %c0_i32_0 : i32, i32
  }
  func.func @transform_7(%arg0: i32) -> (i32, i32) {
    %c0_i32 = arith.constant 0 : i32
    %c0_i32_0 = arith.constant 0 : i32
    %c0_i32_1 = arith.constant 0 : i32
    return %c0_i32, %c0_i32_0 : i32, i32
  }
  func.func @transform_8(%arg0: i32) -> (i32, i32, i32) {
    %c0_i32 = arith.constant 0 : i32
    %c0_i32_0 = arith.constant 0 : i32
    %c0_i32_1 = arith.constant 0 : i32
    return %arg0, %c0_i32, %c0_i32_0 : i32, i32, i32
  }
  func.func @transform_9(%arg0: i32) -> (i32, i32) {
    %c0_i32 = arith.constant 0 : i32
    %c0_i32_0 = arith.constant 0 : i32
    %c0_i32_1 = arith.constant 0 : i32
    return %c0_i32, %c0_i32_0 : i32, i32
  }
  func.func @transform_10(%arg0: i32) -> (i32, i32) {
    %c0_i32 = arith.constant 0 : i32
    %c0_i32_0 = arith.constant 0 : i32
    %c0_i32_1 = arith.constant 0 : i32
    return %c0_i32, %c0_i32_0 : i32, i32
  }
  func.func @transform_11(%arg0: i32) -> (i32, i32) {
    %c0_i32 = arith.constant 0 : i32
    %c0_i32_0 = arith.constant 0 : i32
    %c0_i32_1 = arith.constant 0 : i32
    return %c0_i32, %c0_i32_0 : i32, i32
  }
  func.func @transform_12(%arg0: i32) -> (i32, i32) {
    %c0_i32 = arith.constant 0 : i32
    %c0_i32_0 = arith.constant 0 : i32
    %c0_i32_1 = arith.constant 0 : i32
    return %c0_i32, %c0_i32_0 : i32, i32
  }
  func.func @transform_13(%arg0: i32) -> (i32, i32) {
    %c0_i32 = arith.constant 0 : i32
    %c0_i32_0 = arith.constant 0 : i32
    %c0_i32_1 = arith.constant 0 : i32
    return %c0_i32, %c0_i32_0 : i32, i32
  }
  func.func @transform_14(%arg0: i32) -> (i32, i32) {
    %c0_i32 = arith.constant 0 : i32
    %c0_i32_0 = arith.constant 0 : i32
    %c0_i32_1 = arith.constant 0 : i32
    return %c0_i32, %c0_i32_0 : i32, i32
  }
}

</mosaic_0001>

<sc_bundles>
// kernel: kernel.12.cloned.1.call-start
scs
__scs_entry_jumppad:
0x0: {  	(pc) =	sbr.rel $0x88, $3  }
0x1: {  	(tag) =	ssettag $0x0;
	lr =	simm.s32 $0x1  }
0x2: {  	[smem:$0x3F8A] =	sst lr;
	_ =	strace $0xD0000000  }
0x3: {  	_ = 	snop  }
0x4: {  	_ = 	snop  }
0x5: {  	_ = 	snop  }
0x6: {  	_ = 	snop  }
0x7: {  	_ = 	snop  }
__scs_overlays_trampoline_lowered:
0x8: {  	[smem:$0x3F99] =	sst s0  }
0x9: {  	[smem:$0x3F9A] =	sst s1  }
0xa: {  	[smem:$0x3F9B] =	sst s2  }
0xb: {  	[smem:$0x3F9C] =	sst s3  }
0xc: {  	[smem:$0x3F9D] =	sst s4  }
0xd: {  	[smem:$0x3F9E] =	sst s5  }
0xe: {  	[smem:$0x3F9F] =	sst s6  }
0xf: {  	[smem:$0x3FA0] =	sst s7  }
0x10: {  	[smem:$0x3FA1] =	sst s8  }
0x11: {  	[smem:$0x3FA2] =	sst s9;
	s0 =	simm.s32 @!p0 $0x0  }
0x12: {  	s1 =	sld [smem:$0x3F88];
	s0 =	simm.s32 @p0 $0x1  }
0x13: {  	[smem:$0x3FA3] =	sst s0;
	s0 =	simm.s32 @!p1 $0x0  }
0x14: {  	s2 =	sld [smem:$0x3F87];
	s0 =	simm.s32 @p1 $0x1  }
0x15: {  	[smem:$0x3FA4] =	sst s0;
	s0 =	simm.s32 @!p2 $0x0  }
0x16: {  	s3 =	sld [smem:$0x3FDB];
	s0 =	simm.s32 @p2 $0x1  }
0x17: {  	s4 =	simm.s32 $0x1BF5;
	[smem:$0x3FA6] =	sst s0  }
0x18: {  	s0 =	sld [smem:$0x3F89];
	_ =	swait.ge [sflag:s4], $0x0  }
0x19: {  	s7 =	sld [smem:$0x3F8A]  }
0x1a: {  	s8 =	sadd.s32 $0xFFFFE003, lr  }
0x1b: {  	s9 =	sadd.s32 $0xFFFFFEF7, lr;
	s5 =	simm.s32 $0xFFFFFFFF;
	p2 =	slt.u32 s8, $0xFFFFF086  }
0x1c: {  	p1 =	slt.u32 s9, $0xF7A;
	s5 =	simm.s32 @!p2 $0x0  }
0x1d: {  	s5 =	simm.s32 @p1 $0x1;
	p0 =	seq.s32 s7, s2  }
0x1e: {  	s7 =	smul.u32 @!p0 $0xF7A, s2;
	p2 =	seq.s32 @!p0 s5, $0x0  }
0x1f: {  	s9 =	smul.u32 $0xF7A, s1;
	s8 =	simm.s32 @!p0 $0x1BF5;
	p2 =	por !p2, p0  }
0x20: {  	[sflag:s8] =	ssyncset.s32 @!p0 $0xFFFFF086;
	s6 =	sadd.s32 @!p0 s3, s7;
	s7 =	simm.s32 @!p0 $0x108  }
0x21: {  	s3 =	sadd.s32 s3, s9;
	s6 =	sadd.s32 @!p0 $0x88, s6;
	s7 =	simm.s32 @p2 $0x1082  }
0x22: {  	[simem:s7], [sflag:s8] =	dma.local @!p0 [hbm:s6], $0xF7A  }
0x23: {  	s9 =	sor.u32 $0xD0000000, s2;
	s6 =	simm.s32 $0x108;
	_ =	swait.ge @!p0 [sflag:s8], $0x0  }
0x24: {  	s3 =	sadd.s32 $0x88, s3;
	s6 =	simm.s32 @!p1 $0x1082;
	[sflag:s4] =	ssyncset.s32 $0xFFFFF086  }
0x25: {  	[simem:s6], [sflag:s4] =	dma.local [hbm:s3], $0xF7A  }
0x26: {  	[smem:$0x3F8A] =	sst s1;
	(tag) =	ssettag s2;
	_ =	strace s9  }
0x27: {  	s1 =	sld [smem:$0x3F9A]  }
0x28: {  	s2 =	sld [smem:$0x3F9B]  }
0x29: {  	s4 =	sld [smem:$0x3F9D]  }
0x2a: {  	p0 =	seq.s32 s5, $0x0;
	s5 =	sld [smem:$0x3F9E]  }
0x2b: {  	s6 =	sld [smem:$0x3F9F]  }
0x2c: {  	s7 =	sld [smem:$0x3FA0]  }
0x2d: {  	s3 =	simm.s32 $0x108;
	s8 =	sld [smem:$0x3FA1]  }
0x2e: {  	s3 =	simm.s32 @!p0 $0x1082;
	s9 =	sld [smem:$0x3FA2]  }
0x2f: {  	lr =	sadd.s32 s0, s3;
	s0 =	sld [smem:$0x3F99]  }
0x30: {  	s3 =	sld [smem:$0x3F9C]  }
0x31: {  	[smem:$0x3FA5] =	sst s10  }
0x32: {  	s10 =	sld [smem:$0x3FA3];
	_ =	sdelay $0x3  }
0x33: {  	p0 =	seq.s32 s10, $0x1;
	s10 =	sld [smem:$0x3FA5];
	_ =	sdelay $0x3  }
0x34: {  	[smem:$0x3FA5] =	sst s10  }
0x35: {  	s10 =	sld [smem:$0x3FA4];
	_ =	sdelay $0x3  }
0x36: {  	p1 =	seq.s32 s10, $0x1;
	s10 =	sld [smem:$0x3FA5];
	_ =	sdelay $0x3  }
0x37: {  	[smem:$0x3FA5] =	sst s10  }
0x38: {  	s10 =	sld [smem:$0x3FA6]  }
0x39: {  	_ = 	snop;
	(pc) =	sbr.ind lr, $3  }
0x3a: {  	_ = 	snop  }
0x3b: {  	_ = 	snop  }
0x3c: {  	p2 =	seq.s32 s10, $0x1;
	s10 =	sld [smem:$0x3FA5]  }
0x3d: {  	_ =	shalt  }
0x3e: {  	_ =	shalt  }
0x3f: {  	_ =	shalt  }
0x40: {  	_ =	shalt  }
0x41: {  	_ =	shalt  }
0x42: {  	_ =	shalt  }
0x43: {  	_ =	shalt  }
0x44: {  	_ =	shalt  }
0x45: {  	_ =	shalt  }
0x46: {  	_ =	shalt  }
0x47: {  	_ =	shalt  }
0x48: {  	_ =	shalt  }
0x49: {  	_ =	shalt  }
0x4a: {  	_ =	shalt  }
0x4b: {  	_ =	shalt  }
0x4c: {  	_ =	shalt  }
0x4d: {  	_ =	shalt  }
0x4e: {  	_ =	shalt  }
0x4f: {  	_ =	shalt  }
0x50: {  	_ =	shalt  }
0x51: {  	_ =	shalt  }
0x52: {  	_ =	shalt  }
0x53: {  	_ =	shalt  }
0x54: {  	_ =	shalt  }
0x55: {  	_ =	shalt  }
0x56: {  	_ =	shalt  }
0x57: {  	_ =	shalt  }
0x58: {  	_ =	shalt  }
0x59: {  	_ =	shalt  }
0x5a: {  	_ =	shalt  }
0x5b: {  	_ =	shalt  }
0x5c: {  	_ =	shalt  }
0x5d: {  	_ =	shalt  }
0x5e: {  	_ =	shalt  }
0x5f: {  	_ =	shalt  }
0x60: {  	_ =	shalt  }
0x61: {  	_ =	shalt  }
0x62: {  	_ =	shalt  }
0x63: {  	_ =	shalt  }
0x64: {  	_ =	shalt  }
0x65: {  	_ =	shalt  }
0x66: {  	_ =	shalt  }
0x67: {  	_ =	shalt  }
0x68: {  	_ =	shalt  }
0x69: {  	_ =	shalt  }
0x6a: {  	_ =	shalt  }
0x6b: {  	_ =	shalt  }
0x6c: {  	_ =	shalt  }
0x6d: {  	_ =	shalt  }
0x6e: {  	_ =	shalt  }
0x6f: {  	_ =	shalt  }
0x70: {  	_ =	shalt  }
0x71: {  	_ =	shalt  }
0x72: {  	_ =	shalt  }
0x73: {  	_ =	shalt  }
0x74: {  	_ =	shalt  }
0x75: {  	_ =	shalt  }
0x76: {  	_ =	shalt  }
0x77: {  	_ =	shalt  }
0x78: {  	_ =	shalt  }
0x79: {  	_ =	shalt  }
0x7a: {  	_ =	shalt  }
0x7b: {  	_ =	shalt  }
0x7c: {  	_ =	shalt  }
0x7d: {  	_ =	shalt  }
0x7e: {  	_ =	shalt  }
0x7f: {  	_ =	shalt  }
0x80: {  	_ =	shalt  }
0x81: {  	_ =	shalt  }
0x82: {  	_ =	shalt  }
0x83: {  	_ =	shalt  }
0x84: {  	_ =	shalt  }
0x85: {  	_ =	shalt  }
0x86: {  	_ =	shalt  }
0x87: {  	_ =	shalt  }
.Lfunc_end0:
.L_simem_size_0:
called_computation.1_lowered:
.L_overlay_start_0:
0x88: {  	s2 =	sld [smem:$0x3FD9]  }
0x89: {  	s3 =	sld [smem:$0x3FFE];
	_ =	sdelay $0x1  }
0x8a: {  	s1 =	srdreg.scid  }
0x8b: {  	s0 =	sand.u32 $0x1, s1  }
0x8c: {  	s16 =	sshll.u32 s0, $0xA;
	s2 =	sadd.s32 s3, s2  }
0x8d: {  	s2 =	sadd.s32 s2, s16  }
0x8e: {  	[smem:$0x3FB1] =	sst s2  }
0x8f: {  	_ = 	snop  }
0x90: {  	(tm) =	ssettm $0x1  }
0x91: {  	s17 =	sld [smem:$0x3FFB];
	_ =	sdelay $0x3  }
0x92: {  	_ =	strace s17  }
0x93: {  	s2 =	sld [smem:$0x3FFC];
	_ =	sdelay $0x3  }
0x94: {  	_ =	strace s2  }
0x95: {  	s2 =	sld [smem:$0x3FFD];
	_ =	sdelay $0x3  }
0x96: {  	_ =	strace s2  }
0x97: {  	_ =	strace $0x8FFFFFFF  }
0x98: {  	s18 =	sld [smem:$0x3FDB];
	_ =	sdelay $0x1  }
0x99: {  	s19 =	simm.s32 $_scs_section_size  }
0x9a: {  	s4 =	simm.s32 $_size__tile_overlayer_lowered;
	s5 =	simm.s32 $_tile_overlayer_lowered  }
0x9b: {  	s22 =	simm.s32 $0x1BFF;
	s21 =	sshll.u32 s5, $0x1;
	s2 =	sadd.s32 s19, s18  }
0x9c: {  	s6 =	simm.s32 $0x0;
	s20 =	sshll.u32 s4, $0x1;
	s4 =	sadd.s32 s21, s2  }
0x9d: {  	[timem:s6], [sflag:s22] =	dma.local [hbm:s4], s20  }
0x9e: {  	_ =	swait.ge [sflag:s22], s20  }
0x9f: {  	s3 =	ssub.s32 $0x0, s20;
	[sflag:s22] =	ssyncset.done $0x0  }
0xa0: {  	[sflag:s22] =	ssyncadd.s32 s3;
	_ =	sdelay $0x1  }
0xa1: {  	s23 =	simm.s32 $0x1B8B  }
0xa2: {  	_ =	swait.ge [sflag:s23], $0x1  }
0xa3: {  	[sflag:s23] =	ssyncset.done $0x0  }
0xa4: {  	s25 =	simm.s32 $0x1B8E;
	s24 =	sld [smem:$0x3FFE];
	[sflag:s23] =	ssyncadd.s32 $0xFFFFFFFF  }
0xa5: {  	s26 =	simm.s32 $execute0_lowered;
	[smem:$0x3FD2] =	sst s25  }
0xa6: {  	s4 =	sshll.u32 s26, $0x1;
	_ =	strace $0x80000049;
	[dreg:$0x1] =	wrdreg $0xFFFFFFFF  }
0xa7: {  	s28 =	simm.s32 $_size_execute0_lowered;
	s2 =	sadd.s32 s2, s4;
	[dreg:$0x0] =	wrdreg $0x0  }
0xa8: {  	s4 =	sshll.u32 s28, $0x1;
	[dreg:$0x2] =	wrdreg s2  }
0xa9: {  	[dreg:$0x3] =	wrdreg s4  }
0xaa: {  	[dreg:$0x4] =	wrdreg $0xC0  }
0xab: {  	_ =	task [dreg:s6], $0x5FFFF  }
0xac: {  	[dreg:$0x1] =	wrdreg $0xFFFFFFFF  }
0xad: {  	[dreg:$0x0] =	wrdreg $0x60  }
0xae: {  	[dreg:$0x2] =	wrdreg s24  }
0xaf: {  	[dreg:$0x3] =	wrdreg $0xAA000  }
0xb0: {  	[dreg:$0x4] =	wrdreg $0x9  }
0xb1: {  	_ =	task.clear_ibuf [dreg:s6], $0x5FFFF;
	_ =	strace $0x90000049  }
0xb2: {  	s29 =	simm.s32 $0x9;
	_ =	strace $0x8000004B  }
0xb3: {  	_ =	swait.ge [sflag:s29], $0x1  }
0xb4: {  	[sflag:s29] =	ssyncadd.s32 $0xFFFFFFFF  }
0xb5: {  	_ =	strace $0x9000004B  }
0xb6: {  	_ =	sfence  }
0xb7: {  	s30 =	sld [smem:$0x0];
	_ =	sdelay $0x2  }
0xb8: {  	s31 =	sshll.u32 s1, $0xD;
	s1 =	sshrl.u32 s1, $0x2  }
0xb9: {  	s3 =	sand.u32 $0x4000, s31;
	s1 =	sadd.s32 s1, s30  }
0xba: {  	s0 =	sor.u32 s3, s0;
	s1 =	sshll.u32 s1, $0x11  }
0xbb: {  	s0 =	sor.u32 s1, s0  }
0xbc: {  	s0 =	sadd.s32 $0x8F2B, s0  }
0xbd: {  	[sflag:s0] =	ssyncadd.remote.s32 $0x1  }
0xbe: {  	_ =	sfence.sel $0xFFFF  }
0xbf: {  	[dreg:$0x0] =	wrdreg $0xFFFFFFFF;
	(pc) =	sbr.abs _section_cstart, $3  }
0xc0: {  	[dreg:$0x1] =	wrdreg $0xFFFFFFFF  }
0xc1: {  	_ =	task.clear_ibuf [dreg:s6], $0x2FFFF;
	_ =	strace $0x9FFFFFFF  }
0xc2: {  	(tm) =	ssettm $0x7FFFFFFF  }
0xc3: {  	_ =	shalt  }
tec
execute0_lowered:
.L_overlay_start_1:
0x0: {  	(tag) =	ssettag $0x1  }
0x1: {  	s0 =	rddreg [dreg:$0x0]  }
0x2: {  	s1 =	rddreg [dreg:$0x1]  }
0x3: {  	s2 =	simm.s32 $0x0;
	s3 =	srdreg.scid;
	s26 =	stileid.u32  }
0x4: {  	s28 =	simm.s32 $0x80;
	s29 =	simm.s32 $0x200;
	s30 =	simm.s32 $0x100  }
0x5: {  	s31 =	simm.s32 $0x4200;
	[smem:$0x7FF] =	sst s2;
	s5 =	smul.u32 $0xA000, s26  }
0x6: {  	s4 =	sadd.s32 $0x4C00, s0;
	s3 =	sand.u32 $0x1, s3;
	s10 =	smul.u32 $0x2800, s26  }
0x7: {  	s6 =	sadd.s32 $0x3FE00, s0;
	s11 =	sor.u32 $0x10, s26;
	s8 =	smul.u32 $0x138800, s3  }
0x8: {  	s16 =	sor.u32 $0x20, s26;
	s18 =	sor.u32 $0x30, s26;
	s24 =	smul.u32 $0x2800, s11  }
0x9: {  	s17 =	sshll.u32 s26, $0x5;
	s19 =	sor.u32 $0x40, s26;
	s25 =	smul.u32 $0x2800, s16  }
0xa: {  	s20 =	sor.u32 $0x50, s26;
	s22 =	sor.u32 $0x60, s26;
	s12 =	smul.u32 $0x2800, s18  }
0xb: {  	p0 =	slt.u32 s26, $0xD;
	p1 =	seq.s32 s26, $0xF;
	s13 =	smul.u32 $0x2800, s19  }
0xc: {  	s7 =	ssub.s32 $0x2, s3;
	s15 =	sshll.u32 s3, $0x9;
	s23 =	smul.u32 $0x2800, s20  }
0xd: {  	s9 =	sshrl.u32 s7, $0x1;
	s14 =	sor.u32 s17, s15;
	s21 =	sadd.s32 $0x118000, s10  }
0xe: {  	s5 =	sshrl.u32 s5, $0x2;
	s7 =	ssub.s32 s7, s9;
	s10 =	sadd.s32 s8, s10  }
0xf: {  	s9 =	sadd.s32 s8, s24;
	s24 =	smul.u32 $0x2800, s22;
	s25 =	sadd.s32 s8, s25  }
0x10: {  	s12 =	sadd.s32 s8, s12;
	s13 =	sadd.s32 s8, s13;
	s23 =	sadd.s32 s8, s23  }
0x11: {  	s3 =	sadd.s32 s5, s1;
	s14 =	sadd.s32 s4, s14;
	s4 =	sadd.s32 s15, s4  }
0x12: {  	s10 =	sshrl.u32 s10, $0x3;
	s24 =	sadd.s32 s8, s24;
	s8 =	sadd.s32 s8, s21  }
0x13: {  	s15 =	sadd.s32 $0x18C00, s0;
	s5 =	sadd.s32 s6, s10;
	s8 =	sshrl.u32 s8, $0x3  }
0x14: {  	s12 =	sshrl.u32 s12, $0x3;
	[dreg:$0x4] =	wrdreg s5;
	s8 =	sadd.s32 s6, s8  }
0x15: {  	s13 =	sshrl.u32 s13, $0x3;
	[dreg:$0x3] =	wrdreg s8;
	s8 =	sshrl.u32 s9, $0x3  }
0x16: {  	s9 =	sshrl.u32 s25, $0x3;
	s25 =	sshrl.u32 s23, $0x3;
	s23 =	smul.u32 $0xA000, s18  }
0x17: {  	s18 =	smax.u32 s7, $0x1;
	s10 =	sadd.s32 s6, s9;
	s9 =	smul.u32 $0xA000, s11  }
0x18: {  	s5 =	sadd.s32 s6, s8;
	s8 =	sshrl.u32 s24, $0x3;
	s11 =	smul.u32 $0xA000, s16  }
0x19: {  	s16 =	sadd.s32 s17, s4;
	s17 =	sadd.s32 $0x400, s14;
	[dreg:$0x5] =	wrdreg s5  }
0x1a: {  	s24 =	smul.u32 $0xA000, s19;
	s4 =	simm.s32 $0x2;
	[dreg:$0x6] =	wrdreg s10  }
0x1b: {  	s5 =	sadd.s32 s6, s12;
	s10 =	sadd.s32 s6, s25;
	s12 =	sadd.s32 s6, s8  }
0x1c: {  	s25 =	smul.u32 $0xA000, s20;
	[dreg:$0x7] =	wrdreg s5;
	s5 =	sadd.s32 s6, s13  }
0x1d: {  	s13 =	sadd.s32 $0x138800, s1;
	s6 =	sadd.s32 s21, s1;
	s0 =	sshrl.u32 s11, $0x2  }
0x1e: {  	s11 =	sshrl.u32 s24, $0x2;
	s24 =	smul.u32 $0xA000, s22;
	[dreg:$0x8] =	wrdreg s5  }
0x1f: {  	s5 =	sadd.s32 $0x118000, s3;
	s20 =	sadd.s32 s0, s1;
	s22 =	sadd.s32 s11, s1  }
0x20: {  	s11 =	simm.s32 $0x8200;
	s0 =	simm.s32 $0x1;
	s13 =	smov.u32 @p0 s5  }
0x21: {  	_ =	strace $0x8000004A;
	s5 =	sshrl.u32 s9, $0x2;
	s9 =	sshrl.u32 s23, $0x2  }
0x22: {  	s23 =	sshrl.u32 s25, $0x2;
	s25 =	sshrl.u32 s24, $0x2;
	p0 =	por p0, p1  }
0x23: {  	p1 =	sgt.u32 s26, $0xC;
	s26 =	simm.s32 $0x3;
	s19 =	sadd.s32 s5, s1  }
0x24: {  	s21 =	sadd.s32 s9, s1;
	s23 =	sadd.s32 s23, s1;
	s24 =	sadd.s32 s25, s1  }
0x25: {  	v0 =	vimm.f32 $0.0e+00;
	s25 =	sshrl.u32 @!p1 s6, $0x3;
	s5 =	simm.s32 $0x180;
	s6 =	simm.s32 $0x0  }
.LBB2_1:
0x26: {  	[tilespmem:s2], [sflag:$0x3] =	stream.linear.gather [hbm4b:s14+s2], $0x100, $0x38;
	[tilespmem:$0x1E500] =	vst v63  }
0x27: {  	_ =	swait.ge [sflag:s26], $0x100  }
0x28: {  	[sflag:s26] =	ssyncset.done $0x0  }
0x29: {  	[sflag:s26] =	ssyncadd.s32 $0xFFFFFF00  }
0x2a: {  	[tilespmem:s29], [sflag:$0x1] =	stream.indirect.gather [hbm4b:s15+s28], $0x80, s2, s28, $0xb8;
	[tilespmem:$0x1E500] =	vst v63  }
0x2b: {  	_ = 	snop  }
0x2c: {  	[tilespmem:s30], [sflag:$0x3] =	stream.linear.gather [hbm4b:s17+s2], $0x100, $0x38;
	[tilespmem:$0x1E500] =	vst v63  }
0x2d: {  	_ =	swait.ge [sflag:s26], $0x100  }
0x2e: {  	[sflag:s26] =	ssyncset.done $0x0  }
0x2f: {  	s7 =	simm.s32 $0x70;
	s8 =	simm.s32 $0x3C0;
	[sflag:s26] =	ssyncadd.s32 $0xFFFFFF00  }
0x30: {  	[tilespmem:s31], [sflag:$0x2] =	stream.indirect.gather [hbm4b:s15+s28], $0x80, s30, s28, $0xb8;
	[tilespmem:$0x1E500] =	vst v63  }
.LBB2_2:
0x31: {  	p2 =	sne.s32 s8, $0x9FC0;
	[tilespmem:s7+$0x8200] =	vst v0  }
0x32: {  	[tilespmem:s7+$0x8190] =	vst v0  }
0x33: {  	[tilespmem:s7+$0x81A0] =	vst v0  }
.Ltmp0:
0x34: {  	[tilespmem:s7+$0x81B0] =	vst v0;
	(pc) =	sbr.rel @p2 .LBB2_2-.Ltmp0, $4  }
0x35: {  	[tilespmem:s7+$0x81C0] =	vst v0  }
0x36: {  	[tilespmem:s7+$0x81D0] =	vst v0  }
0x37: {  	[tilespmem:s7+$0x81E0] =	vst v0  }
0x38: {  	[tilespmem:s7+$0x81F0] =	vst v0;
	s7 =	sshra.s32 s8, $0x2;
	s8 =	sadd.s32 $0x200, s8  }
0x39: {  	[tilespmem:s7+$0x8200] =	vst v0  }
0x3a: {  	[tilespmem:s7+$0x8190] =	vst v0  }
0x3b: {  	[tilespmem:s7+$0x81A0] =	vst v0  }
0x3c: {  	[tilespmem:s7+$0x81B0] =	vst v0  }
0x3d: {  	[tilespmem:s7+$0x81C0] =	vst v0  }
0x3e: {  	[tilespmem:s7+$0x81D0] =	vst v0  }
0x3f: {  	[tilespmem:s7+$0x81E0] =	vst v0  }
0x40: {  	[tilespmem:s7+$0x81F0] =	vst v0  }
0x41: {  	[spmem:s3] =	stream.linear.scatter [tilespmem:s11], [sflag:$0x3], $0x2800, $0x38;
	[tilespmem:$0x1E500] =	vst v63  }
0x42: {  	_ =	swait.ge [sflag:s26], $0x2800  }
0x43: {  	[sflag:s26] =	ssyncset.done $0x0  }
0x44: {  	[sflag:s26] =	ssyncadd.s32 $0xFFFFD800  }
0x45: {  	[spmem:s19] =	stream.linear.scatter [tilespmem:s11], [sflag:$0x3], $0x2800, $0x38;
	[tilespmem:$0x1E500] =	vst v63  }
0x46: {  	_ =	swait.ge [sflag:s26], $0x2800  }
0x47: {  	[sflag:s26] =	ssyncset.done $0x0  }
0x48: {  	[sflag:s26] =	ssyncadd.s32 $0xFFFFD800  }
0x49: {  	[spmem:s20] =	stream.linear.scatter [tilespmem:s11], [sflag:$0x3], $0x2800, $0x38;
	[tilespmem:$0x1E500] =	vst v63  }
0x4a: {  	_ =	swait.ge [sflag:s26], $0x2800  }
0x4b: {  	[sflag:s26] =	ssyncset.done $0x0  }
0x4c: {  	[sflag:s26] =	ssyncadd.s32 $0xFFFFD800  }
0x4d: {  	[spmem:s21] =	stream.linear.scatter [tilespmem:s11], [sflag:$0x3], $0x2800, $0x38;
	[tilespmem:$0x1E500] =	vst v63  }
0x4e: {  	_ =	swait.ge [sflag:s26], $0x2800  }
0x4f: {  	[sflag:s26] =	ssyncset.done $0x0  }
0x50: {  	[sflag:s26] =	ssyncadd.s32 $0xFFFFD800  }
0x51: {  	[spmem:s22] =	stream.linear.scatter [tilespmem:s11], [sflag:$0x3], $0x2800, $0x38;
	[tilespmem:$0x1E500] =	vst v63  }
0x52: {  	_ =	swait.ge [sflag:s26], $0x2800  }
0x53: {  	[sflag:s26] =	ssyncset.done $0x0  }
0x54: {  	[sflag:s26] =	ssyncadd.s32 $0xFFFFD800  }
0x55: {  	[spmem:s23] =	stream.linear.scatter [tilespmem:s11], [sflag:$0x3], $0x2800, $0x38;
	[tilespmem:$0x1E500] =	vst v63  }
0x56: {  	_ =	swait.ge [sflag:s26], $0x2800  }
0x57: {  	[sflag:s26] =	ssyncset.done $0x0  }
0x58: {  	[sflag:s26] =	ssyncadd.s32 $0xFFFFD800  }
0x59: {  	[spmem:s24] =	stream.linear.scatter [tilespmem:s11], [sflag:$0x3], $0x2800, $0x38;
	[tilespmem:$0x1E500] =	vst v63  }
0x5a: {  	_ =	swait.ge [sflag:s26], $0x2800  }
0x5b: {  	[sflag:s26] =	ssyncset.done $0x0  }
0x5c: {  	s7 =	simm.s32 @p0 $0x8200;
	[sflag:s26] =	ssyncadd.s32 $0xFFFFD800  }
0x5d: {  	[spmem:s13] =	stream.linear.scatter @p0 [tilespmem:s7], [sflag:$0x3], $0x2800, $0x38;
	[tilespmem:$0x1E500] =	vst v63  }
0x5e: {  	s7 =	simm.s32 @p0 $0x3  }
0x5f: {  	_ =	swait.ge @p0 [sflag:s7], $0x2800  }
0x60: {  	[sflag:s7] =	ssyncset.done @p0 $0x0  }
0x61: {  	[sflag:s7] =	ssyncadd.s32 @p0 $0xFFFFD800  }
0x62: {  	[bflag:$0x0] =	sbarrier.arrive $0xFFFF  }
0x63: {  	_ =	swait.ge [sflag:s0], $0x4000  }
0x64: {  	[sflag:s0] =	ssyncset.done $0x0  }
0x65: {  	[sflag:s0] =	ssyncadd.s32 $0xFFFFC000  }
0x66: {  	[spmem:s1] =	stream.indirect.scatter.add.f32 [tilespmem:s29], [sflag:$0x3], $0x80, s28, s28, $0xb8;
	[tilespmem:$0x1E500] =	vst v63  }
0x67: {  	_ =	swait.ge [sflag:s26], $0x4000  }
0x68: {  	s9 =	sadd.s32 $0xFFFEC800, s16;
	[sflag:s26] =	ssyncset.done $0x0  }
0x69: {  	s8 =	sadd.s32 $0x14000, s9;
	[sflag:s26] =	ssyncadd.s32 $0xFFFFC000  }
0x6a: {  	[tilespmem:s2], [sflag:$0x3] =	stream.linear.gather [hbm4b:s8+s2], $0x100, $0x38;
	[tilespmem:$0x1E500] =	vst v63  }
0x6b: {  	_ =	swait.ge [sflag:s26], $0x100  }
0x6c: {  	[sflag:s26] =	ssyncset.done $0x0  }
0x6d: {  	[sflag:s26] =	ssyncadd.s32 $0xFFFFFF00  }
0x6e: {  	[tilespmem:s29], [sflag:$0x1] =	stream.indirect.gather [hbm4b:s15+s28], $0x80, s2, s28, $0xb8;
	[tilespmem:$0x1E500] =	vst v63  }
0x6f: {  	_ =	swait.ge [sflag:s4], $0x4000  }
0x70: {  	[sflag:s4] =	ssyncset.done $0x0  }
0x71: {  	[sflag:s4] =	ssyncadd.s32 $0xFFFFC000  }
0x72: {  	[spmem:s1] =	stream.indirect.scatter.add.f32 [tilespmem:s31], [sflag:$0x3], $0x80, s5, s28, $0xb8;
	[tilespmem:$0x1E500] =	vst v63  }
0x73: {  	_ =	swait.ge [sflag:s26], $0x4000  }
0x74: {  	[sflag:s26] =	ssyncset.done $0x0  }
0x75: {  	s7 =	sadd.s32 $0x14400, s9;
	[sflag:s26] =	ssyncadd.s32 $0xFFFFC000  }
0x76: {  	[tilespmem:s30], [sflag:$0x3] =	stream.linear.gather [hbm4b:s7+s2], $0x100, $0x38;
	[tilespmem:$0x1E500] =	vst v63  }
0x77: {  	_ =	swait.ge [sflag:s26], $0x100  }
0x78: {  	[sflag:s26] =	ssyncset.done $0x0  }
0x79: {  	s7 =	simm.s32 $0xFFFED000;
	[sflag:s26] =	ssyncadd.s32 $0xFFFFFF00  }
.LBB2_4:
0x7a: {  	[tilespmem:s31], [sflag:$0x2] =	stream.indirect.gather [hbm4b:s15+s28], $0x80, s30, s28, $0xb8;
	[tilespmem:$0x1E500] =	vst v63  }
0x7b: {  	s8 =	smov.u32 s7  }
0x7c: {  	p2 =	sne.s32 s7, $0xFFFFF800;
	s7 =	sadd.s32 $0x800, s7;
	_ =	swait.ge [sflag:s0], $0x4000  }
0x7d: {  	[sflag:s0] =	ssyncset.done $0x0  }
0x7e: {  	[sflag:s0] =	ssyncadd.s32 $0xFFFFC000  }
0x7f: {  	[spmem:s1] =	stream.indirect.scatter.add.f32 [tilespmem:s29], [sflag:$0x3], $0x80, s28, s28, $0xb8;
	[tilespmem:$0x1E500] =	vst v63  }
0x80: {  	_ =	swait.ge [sflag:s26], $0x4000  }
0x81: {  	s8 =	sadd.s32 s8, s16;
	[sflag:s26] =	ssyncset.done $0x0  }
0x82: {  	s9 =	sadd.s32 $0x14000, s8;
	[sflag:s26] =	ssyncadd.s32 $0xFFFFC000  }
0x83: {  	[tilespmem:s2], [sflag:$0x3] =	stream.linear.gather [hbm4b:s9+s2], $0x100, $0x38;
	[tilespmem:$0x1E500] =	vst v63  }
0x84: {  	_ =	swait.ge [sflag:s26], $0x100  }
0x85: {  	[sflag:s26] =	ssyncset.done $0x0  }
0x86: {  	[sflag:s26] =	ssyncadd.s32 $0xFFFFFF00  }
0x87: {  	[tilespmem:s29], [sflag:$0x1] =	stream.indirect.gather [hbm4b:s15+s28], $0x80, s2, s28, $0xb8;
	[tilespmem:$0x1E500] =	vst v63  }
0x88: {  	_ =	swait.ge [sflag:s4], $0x4000  }
0x89: {  	[sflag:s4] =	ssyncset.done $0x0  }
0x8a: {  	[sflag:s4] =	ssyncadd.s32 $0xFFFFC000  }
0x8b: {  	[spmem:s1] =	stream.indirect.scatter.add.f32 [tilespmem:s31], [sflag:$0x3], $0x80, s5, s28, $0xb8;
	[tilespmem:$0x1E500] =	vst v63  }
0x8c: {  	_ =	swait.ge [sflag:s26], $0x4000  }
0x8d: {  	[sflag:s26] =	ssyncset.done $0x0  }
.Ltmp1:
0x8e: {  	s8 =	sadd.s32 $0x14400, s8;
	[sflag:s26] =	ssyncadd.s32 $0xFFFFC000;
	(pc) =	sbr.rel @p2 .LBB2_4-.Ltmp1, $4  }
0x8f: {  	[tilespmem:s30], [sflag:$0x3] =	stream.linear.gather [hbm4b:s8+s2], $0x100, $0x38;
	[tilespmem:$0x1E500] =	vst v63  }
0x90: {  	_ =	swait.ge [sflag:s26], $0x100  }
0x91: {  	[sflag:s26] =	ssyncset.done $0x0  }
0x92: {  	[sflag:s26] =	ssyncadd.s32 $0xFFFFFF00  }
0x93: {  	[tilespmem:s31], [sflag:$0x2] =	stream.indirect.gather [hbm4b:s15+s28], $0x80, s30, s28, $0xb8;
	[tilespmem:$0x1E500] =	vst v63  }
0x94: {  	_ =	swait.ge [sflag:s0], $0x4000  }
0x95: {  	[sflag:s0] =	ssyncset.done $0x0  }
0x96: {  	[sflag:s0] =	ssyncadd.s32 $0xFFFFC000  }
0x97: {  	[spmem:s1] =	stream.indirect.scatter.add.f32 [tilespmem:s29], [sflag:$0x3], $0x80, s28, s28, $0xb8;
	[tilespmem:$0x1E500] =	vst v63  }
0x98: {  	_ =	swait.ge [sflag:s26], $0x4000  }
0x99: {  	[sflag:s26] =	ssyncset.done $0x0  }
0x9a: {  	[sflag:s26] =	ssyncadd.s32 $0xFFFFC000  }
0x9b: {  	_ =	swait.ge [sflag:s4], $0x4000  }
0x9c: {  	[sflag:s4] =	ssyncset.done $0x0  }
0x9d: {  	[sflag:s4] =	ssyncadd.s32 $0xFFFFC000  }
0x9e: {  	[spmem:s1] =	stream.indirect.scatter.add.f32 [tilespmem:s31], [sflag:$0x3], $0x80, s5, s28, $0xb8;
	[tilespmem:$0x1E500] =	vst v63  }
0x9f: {  	_ =	swait.ge [sflag:s26], $0x4000  }
0xa0: {  	[sflag:s26] =	ssyncset.done $0x0  }
0xa1: {  	s7 =	stileid.u32;
	[sflag:s26] =	ssyncadd.s32 $0xFFFFC000  }
0xa2: {  	s7 =	sshll.u32 s7, $0x6;
	[bflag:$0x0] =	sbarrier.arrive $0xFFFF  }
0xa3: {  	s8 =	sshrl.u32 s3, $0x3;
	s7 =	sor.u32 $0x1C03, s7;
	s9 =	rddreg [dreg:$0x4]  }
0xa4: {  	[hbm:s9], [sflag:s7] =	dma.local [spmem:s8], $0x500  }
0xa5: {  	_ =	swait.ge [sflag:s26], $0x500  }
0xa6: {  	[sflag:s26] =	ssyncset.done $0x0  }
0xa7: {  	s8 =	sshrl.u32 s19, $0x3;
	s9 =	rddreg [dreg:$0x5];
	[sflag:s26] =	ssyncadd.s32 $0xFFFFFB00  }
0xa8: {  	[hbm:s9], [sflag:s7] =	dma.local [spmem:s8], $0x500  }
0xa9: {  	_ =	swait.ge [sflag:s26], $0x500  }
0xaa: {  	[sflag:s26] =	ssyncset.done $0x0  }
0xab: {  	s8 =	sshrl.u32 s20, $0x3;
	s9 =	rddreg [dreg:$0x6];
	[sflag:s26] =	ssyncadd.s32 $0xFFFFFB00  }
0xac: {  	[hbm:s9], [sflag:s7] =	dma.local [spmem:s8], $0x500  }
0xad: {  	_ =	swait.ge [sflag:s26], $0x500  }
0xae: {  	[sflag:s26] =	ssyncset.done $0x0  }
0xaf: {  	s8 =	sshrl.u32 s21, $0x3;
	s9 =	rddreg [dreg:$0x7];
	[sflag:s26] =	ssyncadd.s32 $0xFFFFFB00  }
0xb0: {  	[hbm:s9], [sflag:s7] =	dma.local [spmem:s8], $0x500  }
0xb1: {  	_ =	swait.ge [sflag:s26], $0x500  }
0xb2: {  	[sflag:s26] =	ssyncset.done $0x0  }
0xb3: {  	s8 =	sshrl.u32 s22, $0x3;
	s9 =	rddreg [dreg:$0x8];
	[sflag:s26] =	ssyncadd.s32 $0xFFFFFB00  }
0xb4: {  	[hbm:s9], [sflag:s7] =	dma.local [spmem:s8], $0x500  }
0xb5: {  	_ =	swait.ge [sflag:s26], $0x500  }
0xb6: {  	[sflag:s26] =	ssyncset.done $0x0  }
0xb7: {  	s9 =	sshrl.u32 s23, $0x3;
	[sflag:s26] =	ssyncadd.s32 $0xFFFFFB00  }
0xb8: {  	[hbm:s10], [sflag:s7] =	dma.local [spmem:s9], $0x500  }
0xb9: {  	_ =	swait.ge [sflag:s26], $0x500  }
0xba: {  	[sflag:s26] =	ssyncset.done $0x0  }
0xbb: {  	s9 =	sshrl.u32 s24, $0x3;
	[sflag:s26] =	ssyncadd.s32 $0xFFFFFB00  }
0xbc: {  	[hbm:s12], [sflag:s7] =	dma.local [spmem:s9], $0x500  }
0xbd: {  	_ =	swait.ge [sflag:s26], $0x500  }
0xbe: {  	s6 =	sadd.s32 $0x1, s6;
	[sflag:s26] =	ssyncset.done $0x0  }
0xbf: {  	p2 =	sne.s32 s6, s18;
	s8 =	rddreg [dreg:$0x3];
	[sflag:s26] =	ssyncadd.s32 $0xFFFFFB00  }
0xc0: {  	[hbm:s8], [sflag:s7] =	dma.local @!p1 [spmem:s25], $0x500  }
.Ltmp2:
0xc1: {  	_ = 	snop;
	(pc) =	sbr.rel @p2 .LBB2_1-.Ltmp2, $4  }
0xc2: {  	s7 =	simm.s32 @!p1 $0x3  }
0xc3: {  	_ =	swait.ge @!p1 [sflag:s7], $0x500  }
0xc4: {  	[sflag:s7] =	ssyncset.done @!p1 $0x0  }
0xc5: {  	[sflag:s7] =	ssyncadd.s32 @!p1 $0xFFFFFB00  }
0xc6: {  	_ =	sfence.sel $0x180000  }
0xc7: {  	[bflag:$0x0] =	sbarrier.arrive $0xFFFF  }
0xc8: {  	_ =	strace $0x9000004A  }
0xc9: {  	s0 =	stileid.u32;
	[bflag:$0x2] =	sbarrier.arrive $0xFFFF  }
0xca: {  	p0 =	sne.s32 s0, $0x0;
	s0 =	rddreg [dreg:$0x2]  }
0xcb: {  	s0 =	sadd.s32 @!p0 $0x100000, s0  }
0xcc: {  	[sflag:s0] =	ssyncadd.tile.s32 @!p0 $0x1;
	_ =	shalt  }
.Lfunc_end2:
_tile_overlayer_lowered:
.L_overlay_start_2:
0xcd: {  	(tag) =	ssettag $0x2  }
0xce: {  	s0 =	rddreg [dreg:$0x0];
	s2 =	stileid.u32  }
0xcf: {  	s1 =	rddreg [dreg:$0x1];
	p0 =	sne.s32 s2, $0x0  }
0xd0: {  	s3 =	rddreg [dreg:$0x2];
	[bflag:$0x3] =	sbarrier.arrive $0xFFFF;
	s2 =	simm.s32 @!p0 $0x1C03  }
0xd1: {  	[timem:s3], [sflag:s2] =	dma.local @!p0 [hbm:s0], s1  }
0xd2: {  	s0 =	simm.s32 @!p0 $0x3  }
0xd3: {  	_ =	swait.ge @!p0 [sflag:s0], s1  }
0xd4: {  	s1 =	ssub.s32 @!p0 $0x0, s1;
	[sflag:s0] =	ssyncset.done @!p0 $0x0  }
0xd5: {  	[sflag:s0] =	ssyncadd.s32 @!p0 s1  }
0xd6: {  	[bflag:$0x3] =	sbarrier.arrive $0xFFFF  }
0xd7: {  	_ =	shalt  }

// kernel: kernel.15.cloned.1.call-start
scs
__scs_entry_jumppad:
0x0: {  	(pc) =	sbr.rel $0x88, $3  }
0x1: {  	(tag) =	ssettag $0x0;
	lr =	simm.s32 $0x1  }
0x2: {  	[smem:$0x3F8A] =	sst lr;
	_ =	strace $0xD0000000  }
0x3: {  	_ = 	snop  }
0x4: {  	_ = 	snop  }
0x5: {  	_ = 	snop  }
0x6: {  	_ = 	snop  }
0x7: {  	_ = 	snop  }
__scs_overlays_trampoline_lowered:
0x8: {  	[smem:$0x3F99] =	sst s0  }
0x9: {  	[smem:$0x3F9A] =	sst s1  }
0xa: {  	[smem:$0x3F9B] =	sst s2  }
0xb: {  	[smem:$0x3F9C] =	sst s3  }
0xc: {  	[smem:$0x3F9D] =	sst s4  }
0xd: {  	[smem:$0x3F9E] =	sst s5  }
0xe: {  	[smem:$0x3F9F] =	sst s6  }
0xf: {  	[smem:$0x3FA0] =	sst s7  }
0x10: {  	[smem:$0x3FA1] =	sst s8  }
0x11: {  	[smem:$0x3FA2] =	sst s9;
	s0 =	simm.s32 @!p0 $0x0  }
0x12: {  	s1 =	sld [smem:$0x3F88];
	s0 =	simm.s32 @p0 $0x1  }
0x13: {  	[smem:$0x3FA3] =	sst s0;
	s0 =	simm.s32 @!p1 $0x0  }
0x14: {  	s2 =	sld [smem:$0x3F87];
	s0 =	simm.s32 @p1 $0x1  }
0x15: {  	[smem:$0x3FA4] =	sst s0;
	s0 =	simm.s32 @!p2 $0x0  }
0x16: {  	s3 =	sld [smem:$0x3FDB];
	s0 =	simm.s32 @p2 $0x1  }
0x17: {  	s4 =	simm.s32 $0x1BF5;
	[smem:$0x3FA6] =	sst s0  }
0x18: {  	s0 =	sld [smem:$0x3F89];
	_ =	swait.ge [sflag:s4], $0x0  }
0x19: {  	s7 =	sld [smem:$0x3F8A]  }
0x1a: {  	s8 =	sadd.s32 $0xFFFFE003, lr  }
0x1b: {  	s9 =	sadd.s32 $0xFFFFFEF7, lr;
	s5 =	simm.s32 $0xFFFFFFFF;
	p2 =	slt.u32 s8, $0xFFFFF086  }
0x1c: {  	p1 =	slt.u32 s9, $0xF7A;
	s5 =	simm.s32 @!p2 $0x0  }
0x1d: {  	s5 =	simm.s32 @p1 $0x1;
	p0 =	seq.s32 s7, s2  }
0x1e: {  	s7 =	smul.u32 @!p0 $0xF7A, s2;
	p2 =	seq.s32 @!p0 s5, $0x0  }
0x1f: {  	s9 =	smul.u32 $0xF7A, s1;
	s8 =	simm.s32 @!p0 $0x1BF5;
	p2 =	por !p2, p0  }
0x20: {  	[sflag:s8] =	ssyncset.s32 @!p0 $0xFFFFF086;
	s6 =	sadd.s32 @!p0 s3, s7;
	s7 =	simm.s32 @!p0 $0x108  }
0x21: {  	s3 =	sadd.s32 s3, s9;
	s6 =	sadd.s32 @!p0 $0x88, s6;
	s7 =	simm.s32 @p2 $0x1082  }
0x22: {  	[simem:s7], [sflag:s8] =	dma.local @!p0 [hbm:s6], $0xF7A  }
0x23: {  	s9 =	sor.u32 $0xD0000000, s2;
	s6 =	simm.s32 $0x108;
	_ =	swait.ge @!p0 [sflag:s8], $0x0  }
0x24: {  	s3 =	sadd.s32 $0x88, s3;
	s6 =	simm.s32 @!p1 $0x1082;
	[sflag:s4] =	ssyncset.s32 $0xFFFFF086  }
0x25: {  	[simem:s6], [sflag:s4] =	dma.local [hbm:s3], $0xF7A  }
0x26: {  	[smem:$0x3F8A] =	sst s1;
	(tag) =	ssettag s2;
	_ =	strace s9  }
0x27: {  	s1 =	sld [smem:$0x3F9A]  }
0x28: {  	s2 =	sld [smem:$0x3F9B]  }
0x29: {  	s4 =	sld [smem:$0x3F9D]  }
0x2a: {  	p0 =	seq.s32 s5, $0x0;
	s5 =	sld [smem:$0x3F9E]  }
0x2b: {  	s6 =	sld [smem:$0x3F9F]  }
0x2c: {  	s7 =	sld [smem:$0x3FA0]  }
0x2d: {  	s3 =	simm.s32 $0x108;
	s8 =	sld [smem:$0x3FA1]  }
0x2e: {  	s3 =	simm.s32 @!p0 $0x1082;
	s9 =	sld [smem:$0x3FA2]  }
0x2f: {  	lr =	sadd.s32 s0, s3;
	s0 =	sld [smem:$0x3F99]  }
0x30: {  	s3 =	sld [smem:$0x3F9C]  }
0x31: {  	[smem:$0x3FA5] =	sst s10  }
0x32: {  	s10 =	sld [smem:$0x3FA3];
	_ =	sdelay $0x3  }
0x33: {  	p0 =	seq.s32 s10, $0x1;
	s10 =	sld [smem:$0x3FA5];
	_ =	sdelay $0x3  }
0x34: {  	[smem:$0x3FA5] =	sst s10  }
0x35: {  	s10 =	sld [smem:$0x3FA4];
	_ =	sdelay $0x3  }
0x36: {  	p1 =	seq.s32 s10, $0x1;
	s10 =	sld [smem:$0x3FA5];
	_ =	sdelay $0x3  }
0x37: {  	[smem:$0x3FA5] =	sst s10  }
0x38: {  	s10 =	sld [smem:$0x3FA6]  }
0x39: {  	_ = 	snop;
	(pc) =	sbr.ind lr, $3  }
0x3a: {  	_ = 	snop  }
0x3b: {  	_ = 	snop  }
0x3c: {  	p2 =	seq.s32 s10, $0x1;
	s10 =	sld [smem:$0x3FA5]  }
0x3d: {  	_ =	shalt  }
0x3e: {  	_ =	shalt  }
0x3f: {  	_ =	shalt  }
0x40: {  	_ =	shalt  }
0x41: {  	_ =	shalt  }
0x42: {  	_ =	shalt  }
0x43: {  	_ =	shalt  }
0x44: {  	_ =	shalt  }
0x45: {  	_ =	shalt  }
0x46: {  	_ =	shalt  }
0x47: {  	_ =	shalt  }
0x48: {  	_ =	shalt  }
0x49: {  	_ =	shalt  }
0x4a: {  	_ =	shalt  }
0x4b: {  	_ =	shalt  }
0x4c: {  	_ =	shalt  }
0x4d: {  	_ =	shalt  }
0x4e: {  	_ =	shalt  }
0x4f: {  	_ =	shalt  }
0x50: {  	_ =	shalt  }
0x51: {  	_ =	shalt  }
0x52: {  	_ =	shalt  }
0x53: {  	_ =	shalt  }
0x54: {  	_ =	shalt  }
0x55: {  	_ =	shalt  }
0x56: {  	_ =	shalt  }
0x57: {  	_ =	shalt  }
0x58: {  	_ =	shalt  }
0x59: {  	_ =	shalt  }
0x5a: {  	_ =	shalt  }
0x5b: {  	_ =	shalt  }
0x5c: {  	_ =	shalt  }
0x5d: {  	_ =	shalt  }
0x5e: {  	_ =	shalt  }
0x5f: {  	_ =	shalt  }
0x60: {  	_ =	shalt  }
0x61: {  	_ =	shalt  }
0x62: {  	_ =	shalt  }
0x63: {  	_ =	shalt  }
0x64: {  	_ =	shalt  }
0x65: {  	_ =	shalt  }
0x66: {  	_ =	shalt  }
0x67: {  	_ =	shalt  }
0x68: {  	_ =	shalt  }
0x69: {  	_ =	shalt  }
0x6a: {  	_ =	shalt  }
0x6b: {  	_ =	shalt  }
0x6c: {  	_ =	shalt  }
0x6d: {  	_ =	shalt  }
0x6e: {  	_ =	shalt  }
0x6f: {  	_ =	shalt  }
0x70: {  	_ =	shalt  }
0x71: {  	_ =	shalt  }
0x72: {  	_ =	shalt  }
0x73: {  	_ =	shalt  }
0x74: {  	_ =	shalt  }
0x75: {  	_ =	shalt  }
0x76: {  	_ =	shalt  }
0x77: {  	_ =	shalt  }
0x78: {  	_ =	shalt  }
0x79: {  	_ =	shalt  }
0x7a: {  	_ =	shalt  }
0x7b: {  	_ =	shalt  }
0x7c: {  	_ =	shalt  }
0x7d: {  	_ =	shalt  }
0x7e: {  	_ =	shalt  }
0x7f: {  	_ =	shalt  }
0x80: {  	_ =	shalt  }
0x81: {  	_ =	shalt  }
0x82: {  	_ =	shalt  }
0x83: {  	_ =	shalt  }
0x84: {  	_ =	shalt  }
0x85: {  	_ =	shalt  }
0x86: {  	_ =	shalt  }
0x87: {  	_ =	shalt  }
.Lfunc_end0:
.L_simem_size_0:
called_computation.2_lowered:
.L_overlay_start_0:
0x88: {  	s2 =	sld [smem:$0x3FD9]  }
0x89: {  	s3 =	sld [smem:$0x3FFE];
	_ =	sdelay $0x1  }
0x8a: {  	s1 =	srdreg.scid  }
0x8b: {  	s0 =	sand.u32 $0x1, s1  }
0x8c: {  	s16 =	sshll.u32 s0, $0xA;
	s2 =	sadd.s32 s3, s2  }
0x8d: {  	s2 =	sadd.s32 s2, s16  }
0x8e: {  	[smem:$0x3FB1] =	sst s2  }
0x8f: {  	_ = 	snop  }
0x90: {  	(tm) =	ssettm $0x1  }
0x91: {  	s17 =	sld [smem:$0x3FFB];
	_ =	sdelay $0x3  }
0x92: {  	_ =	strace s17  }
0x93: {  	s2 =	sld [smem:$0x3FFC];
	_ =	sdelay $0x3  }
0x94: {  	_ =	strace s2  }
0x95: {  	s2 =	sld [smem:$0x3FFD];
	_ =	sdelay $0x3  }
0x96: {  	_ =	strace s2  }
0x97: {  	_ =	strace $0x8FFFFFFF  }
0x98: {  	s18 =	sld [smem:$0x3FDB];
	_ =	sdelay $0x1  }
0x99: {  	s19 =	simm.s32 $_scs_section_size  }
0x9a: {  	s4 =	simm.s32 $_size__tile_overlayer_lowered;
	s5 =	simm.s32 $_tile_overlayer_lowered  }
0x9b: {  	s22 =	simm.s32 $0x1BFF;
	s21 =	sshll.u32 s5, $0x1;
	s2 =	sadd.s32 s19, s18  }
0x9c: {  	s6 =	simm.s32 $0x0;
	s20 =	sshll.u32 s4, $0x1;
	s4 =	sadd.s32 s21, s2  }
0x9d: {  	[timem:s6], [sflag:s22] =	dma.local [hbm:s4], s20  }
0x9e: {  	_ =	swait.ge [sflag:s22], s20  }
0x9f: {  	s3 =	ssub.s32 $0x0, s20;
	[sflag:s22] =	ssyncset.done $0x0  }
0xa0: {  	[sflag:s22] =	ssyncadd.s32 s3;
	_ =	sdelay $0x1  }
0xa1: {  	s23 =	simm.s32 $0x1B8B  }
0xa2: {  	_ =	swait.ge [sflag:s23], $0x1  }
0xa3: {  	[sflag:s23] =	ssyncset.done $0x0  }
0xa4: {  	s25 =	simm.s32 $0x1B8E;
	s24 =	sld [smem:$0x3FFE];
	[sflag:s23] =	ssyncadd.s32 $0xFFFFFFFF  }
0xa5: {  	s26 =	simm.s32 $execute0_lowered;
	[smem:$0x3FD2] =	sst s25  }
0xa6: {  	s4 =	sshll.u32 s26, $0x1;
	_ =	strace $0x8000004C;
	[dreg:$0x1] =	wrdreg $0xFFFFFFFF  }
0xa7: {  	s28 =	simm.s32 $_size_execute0_lowered;
	s2 =	sadd.s32 s2, s4;
	[dreg:$0x0] =	wrdreg $0x0  }
0xa8: {  	s4 =	sshll.u32 s28, $0x1;
	[dreg:$0x2] =	wrdreg s2  }
0xa9: {  	[dreg:$0x3] =	wrdreg s4  }
0xaa: {  	[dreg:$0x4] =	wrdreg $0xC0  }
0xab: {  	_ =	task [dreg:s6], $0x5FFFF  }
0xac: {  	[dreg:$0x1] =	wrdreg $0xFFFFFFFF  }
0xad: {  	[dreg:$0x0] =	wrdreg $0x60  }
0xae: {  	[dreg:$0x2] =	wrdreg s24  }
0xaf: {  	[dreg:$0x3] =	wrdreg $0xAA000  }
0xb0: {  	[dreg:$0x4] =	wrdreg $0x9  }
0xb1: {  	_ =	task.clear_ibuf [dreg:s6], $0x5FFFF;
	_ =	strace $0x9000004C  }
0xb2: {  	s29 =	simm.s32 $0x9;
	_ =	strace $0x8000004E  }
0xb3: {  	_ =	swait.ge [sflag:s29], $0x1  }
0xb4: {  	[sflag:s29] =	ssyncadd.s32 $0xFFFFFFFF  }
0xb5: {  	_ =	strace $0x9000004E  }
0xb6: {  	_ =	sfence  }
0xb7: {  	s30 =	sld [smem:$0x0];
	_ =	sdelay $0x2  }
0xb8: {  	s31 =	sshll.u32 s1, $0xD;
	s1 =	sshrl.u32 s1, $0x2  }
0xb9: {  	s3 =	sand.u32 $0x4000, s31;
	s1 =	sadd.s32 s1, s30  }
0xba: {  	s0 =	sor.u32 s3, s0;
	s1 =	sshll.u32 s1, $0x11  }
0xbb: {  	s0 =	sor.u32 s1, s0  }
0xbc: {  	s0 =	sadd.s32 $0x8F2B, s0  }
0xbd: {  	[sflag:s0] =	ssyncadd.remote.s32 $0x1  }
0xbe: {  	_ =	sfence.sel $0xFFFF  }
0xbf: {  	[dreg:$0x0] =	wrdreg $0xFFFFFFFF;
	(pc) =	sbr.abs _section_cstart, $3  }
0xc0: {  	[dreg:$0x1] =	wrdreg $0xFFFFFFFF  }
0xc1: {  	_ =	task.clear_ibuf [dreg:s6], $0x2FFFF;
	_ =	strace $0x9FFFFFFF  }
0xc2: {  	(tm) =	ssettm $0x7FFFFFFF  }
0xc3: {  	_ =	shalt  }
tec
execute0_lowered:
.L_overlay_start_1:
0x0: {  	(tag) =	ssettag $0x1  }
0x1: {  	s0 =	rddreg [dreg:$0x0]  }
0x2: {  	s1 =	rddreg [dreg:$0x1]  }
0x3: {  	s2 =	simm.s32 $0x0;
	s3 =	srdreg.scid;
	s26 =	stileid.u32  }
0x4: {  	s28 =	simm.s32 $0x80;
	s29 =	simm.s32 $0x200;
	s30 =	simm.s32 $0x100  }
0x5: {  	s31 =	simm.s32 $0x4200;
	[smem:$0x7FF] =	sst s2;
	s5 =	smul.u32 $0xA000, s26  }
0x6: {  	s4 =	sadd.s32 $0x4C00, s0;
	s3 =	sand.u32 $0x1, s3;
	s10 =	smul.u32 $0x2800, s26  }
0x7: {  	s6 =	sadd.s32 $0x3FE00, s0;
	s11 =	sor.u32 $0x10, s26;
	s8 =	smul.u32 $0x138800, s3  }
0x8: {  	s16 =	sor.u32 $0x20, s26;
	s18 =	sor.u32 $0x30, s26;
	s24 =	smul.u32 $0x2800, s11  }
0x9: {  	s17 =	sshll.u32 s26, $0x5;
	s19 =	sor.u32 $0x40, s26;
	s25 =	smul.u32 $0x2800, s16  }
0xa: {  	s20 =	sor.u32 $0x50, s26;
	s22 =	sor.u32 $0x60, s26;
	s12 =	smul.u32 $0x2800, s18  }
0xb: {  	p0 =	slt.u32 s26, $0xD;
	p1 =	seq.s32 s26, $0xF;
	s13 =	smul.u32 $0x2800, s19  }
0xc: {  	s7 =	ssub.s32 $0x2, s3;
	s15 =	sshll.u32 s3, $0x9;
	s23 =	smul.u32 $0x2800, s20  }
0xd: {  	s9 =	sshrl.u32 s7, $0x1;
	s14 =	sor.u32 s17, s15;
	s21 =	sadd.s32 $0x118000, s10  }
0xe: {  	s5 =	sshrl.u32 s5, $0x2;
	s7 =	ssub.s32 s7, s9;
	s10 =	sadd.s32 s8, s10  }
0xf: {  	s9 =	sadd.s32 s8, s24;
	s24 =	smul.u32 $0x2800, s22;
	s25 =	sadd.s32 s8, s25  }
0x10: {  	s12 =	sadd.s32 s8, s12;
	s13 =	sadd.s32 s8, s13;
	s23 =	sadd.s32 s8, s23  }
0x11: {  	s3 =	sadd.s32 s5, s1;
	s14 =	sadd.s32 s4, s14;
	s4 =	sadd.s32 s15, s4  }
0x12: {  	s10 =	sshrl.u32 s10, $0x3;
	s24 =	sadd.s32 s8, s24;
	s8 =	sadd.s32 s8, s21  }
0x13: {  	s15 =	sadd.s32 $0x18C00, s0;
	s5 =	sadd.s32 s6, s10;
	s8 =	sshrl.u32 s8, $0x3  }
0x14: {  	s12 =	sshrl.u32 s12, $0x3;
	[dreg:$0x4] =	wrdreg s5;
	s8 =	sadd.s32 s6, s8  }
0x15: {  	s13 =	sshrl.u32 s13, $0x3;
	[dreg:$0x3] =	wrdreg s8;
	s8 =	sshrl.u32 s9, $0x3  }
0x16: {  	s9 =	sshrl.u32 s25, $0x3;
	s25 =	sshrl.u32 s23, $0x3;
	s23 =	smul.u32 $0xA000, s18  }
0x17: {  	s18 =	smax.u32 s7, $0x1;
	s10 =	sadd.s32 s6, s9;
	s9 =	smul.u32 $0xA000, s11  }
0x18: {  	s5 =	sadd.s32 s6, s8;
	s8 =	sshrl.u32 s24, $0x3;
	s11 =	smul.u32 $0xA000, s16  }
0x19: {  	s16 =	sadd.s32 s17, s4;
	s17 =	sadd.s32 $0x400, s14;
	[dreg:$0x5] =	wrdreg s5  }
0x1a: {  	s24 =	smul.u32 $0xA000, s19;
	s4 =	simm.s32 $0x2;
	[dreg:$0x6] =	wrdreg s10  }
0x1b: {  	s5 =	sadd.s32 s6, s12;
	s10 =	sadd.s32 s6, s25;
	s12 =	sadd.s32 s6, s8  }
0x1c: {  	s25 =	smul.u32 $0xA000, s20;
	[dreg:$0x7] =	wrdreg s5;
	s5 =	sadd.s32 s6, s13  }
0x1d: {  	s13 =	sadd.s32 $0x138800, s1;
	s6 =	sadd.s32 s21, s1;
	s0 =	sshrl.u32 s11, $0x2  }
0x1e: {  	s11 =	sshrl.u32 s24, $0x2;
	s24 =	smul.u32 $0xA000, s22;
	[dreg:$0x8] =	wrdreg s5  }
0x1f: {  	s5 =	sadd.s32 $0x118000, s3;
	s20 =	sadd.s32 s0, s1;
	s22 =	sadd.s32 s11, s1  }
0x20: {  	s11 =	simm.s32 $0x8200;
	s0 =	simm.s32 $0x1;
	s13 =	smov.u32 @p0 s5  }
0x21: {  	_ =	strace $0x8000004D;
	s5 =	sshrl.u32 s9, $0x2;
	s9 =	sshrl.u32 s23, $0x2  }
0x22: {  	s23 =	sshrl.u32 s25, $0x2;
	s25 =	sshrl.u32 s24, $0x2;
	p0 =	por p0, p1  }
0x23: {  	p1 =	sgt.u32 s26, $0xC;
	s26 =	simm.s32 $0x3;
	s19 =	sadd.s32 s5, s1  }
0x24: {  	s21 =	sadd.s32 s9, s1;
	s23 =	sadd.s32 s23, s1;
	s24 =	sadd.s32 s25, s1  }
0x25: {  	v0 =	vimm.f32 $0.0e+00;
	s25 =	sshrl.u32 @!p1 s6, $0x3;
	s5 =	simm.s32 $0x180;
	s6 =	simm.s32 $0x0  }
.LBB2_1:
0x26: {  	[tilespmem:s2], [sflag:$0x3] =	stream.linear.gather [hbm4b:s14+s2], $0x100, $0x38;
	[tilespmem:$0x1E500] =	vst v63  }
0x27: {  	_ =	swait.ge [sflag:s26], $0x100  }
0x28: {  	[sflag:s26] =	ssyncset.done $0x0  }
0x29: {  	[sflag:s26] =	ssyncadd.s32 $0xFFFFFF00  }
0x2a: {  	[tilespmem:s29], [sflag:$0x1] =	stream.indirect.gather [hbm4b:s15+s28], $0x80, s2, s28, $0xb8;
	[tilespmem:$0x1E500] =	vst v63  }
0x2b: {  	_ = 	snop  }
0x2c: {  	[tilespmem:s30], [sflag:$0x3] =	stream.linear.gather [hbm4b:s17+s2], $0x100, $0x38;
	[tilespmem:$0x1E500] =	vst v63  }
0x2d: {  	_ =	swait.ge [sflag:s26], $0x100  }
0x2e: {  	[sflag:s26] =	ssyncset.done $0x0  }
0x2f: {  	s7 =	simm.s32 $0x70;
	s8 =	simm.s32 $0x3C0;
	[sflag:s26] =	ssyncadd.s32 $0xFFFFFF00  }
0x30: {  	[tilespmem:s31], [sflag:$0x2] =	stream.indirect.gather [hbm4b:s15+s28], $0x80, s30, s28, $0xb8;
	[tilespmem:$0x1E500] =	vst v63  }
.LBB2_2:
0x31: {  	p2 =	sne.s32 s8, $0x9FC0;
	[tilespmem:s7+$0x8200] =	vst v0  }
0x32: {  	[tilespmem:s7+$0x8190] =	vst v0  }
0x33: {  	[tilespmem:s7+$0x81A0] =	vst v0  }
.Ltmp0:
0x34: {  	[tilespmem:s7+$0x81B0] =	vst v0;
	(pc) =	sbr.rel @p2 .LBB2_2-.Ltmp0, $4  }
0x35: {  	[tilespmem:s7+$0x81C0] =	vst v0  }
0x36: {  	[tilespmem:s7+$0x81D0] =	vst v0  }
0x37: {  	[tilespmem:s7+$0x81E0] =	vst v0  }
0x38: {  	[tilespmem:s7+$0x81F0] =	vst v0;
	s7 =	sshra.s32 s8, $0x2;
	s8 =	sadd.s32 $0x200, s8  }
0x39: {  	[tilespmem:s7+$0x8200] =	vst v0  }
0x3a: {  	[tilespmem:s7+$0x8190] =	vst v0  }
0x3b: {  	[tilespmem:s7+$0x81A0] =	vst v0  }
0x3c: {  	[tilespmem:s7+$0x81B0] =	vst v0  }
0x3d: {  	[tilespmem:s7+$0x81C0] =	vst v0  }
0x3e: {  	[tilespmem:s7+$0x81D0] =	vst v0  }
0x3f: {  	[tilespmem:s7+$0x81E0] =	vst v0  }
0x40: {  	[tilespmem:s7+$0x81F0] =	vst v0  }
0x41: {  	[spmem:s3] =	stream.linear.scatter [tilespmem:s11], [sflag:$0x3], $0x2800, $0x38;
	[tilespmem:$0x1E500] =	vst v63  }
0x42: {  	_ =	swait.ge [sflag:s26], $0x2800  }
0x43: {  	[sflag:s26] =	ssyncset.done $0x0  }
0x44: {  	[sflag:s26] =	ssyncadd.s32 $0xFFFFD800  }
0x45: {  	[spmem:s19] =	stream.linear.scatter [tilespmem:s11], [sflag:$0x3], $0x2800, $0x38;
	[tilespmem:$0x1E500] =	vst v63  }
0x46: {  	_ =	swait.ge [sflag:s26], $0x2800  }
0x47: {  	[sflag:s26] =	ssyncset.done $0x0  }
0x48: {  	[sflag:s26] =	ssyncadd.s32 $0xFFFFD800  }
0x49: {  	[spmem:s20] =	stream.linear.scatter [tilespmem:s11], [sflag:$0x3], $0x2800, $0x38;
	[tilespmem:$0x1E500] =	vst v63  }
0x4a: {  	_ =	swait.ge [sflag:s26], $0x2800  }
0x4b: {  	[sflag:s26] =	ssyncset.done $0x0  }
0x4c: {  	[sflag:s26] =	ssyncadd.s32 $0xFFFFD800  }
0x4d: {  	[spmem:s21] =	stream.linear.scatter [tilespmem:s11], [sflag:$0x3], $0x2800, $0x38;
	[tilespmem:$0x1E500] =	vst v63  }
0x4e: {  	_ =	swait.ge [sflag:s26], $0x2800  }
0x4f: {  	[sflag:s26] =	ssyncset.done $0x0  }
0x50: {  	[sflag:s26] =	ssyncadd.s32 $0xFFFFD800  }
0x51: {  	[spmem:s22] =	stream.linear.scatter [tilespmem:s11], [sflag:$0x3], $0x2800, $0x38;
	[tilespmem:$0x1E500] =	vst v63  }
0x52: {  	_ =	swait.ge [sflag:s26], $0x2800  }
0x53: {  	[sflag:s26] =	ssyncset.done $0x0  }
0x54: {  	[sflag:s26] =	ssyncadd.s32 $0xFFFFD800  }
0x55: {  	[spmem:s23] =	stream.linear.scatter [tilespmem:s11], [sflag:$0x3], $0x2800, $0x38;
	[tilespmem:$0x1E500] =	vst v63  }
0x56: {  	_ =	swait.ge [sflag:s26], $0x2800  }
0x57: {  	[sflag:s26] =	ssyncset.done $0x0  }
0x58: {  	[sflag:s26] =	ssyncadd.s32 $0xFFFFD800  }
0x59: {  	[spmem:s24] =	stream.linear.scatter [tilespmem:s11], [sflag:$0x3], $0x2800, $0x38;
	[tilespmem:$0x1E500] =	vst v63  }
0x5a: {  	_ =	swait.ge [sflag:s26], $0x2800  }
0x5b: {  	[sflag:s26] =	ssyncset.done $0x0  }
0x5c: {  	s7 =	simm.s32 @p0 $0x8200;
	[sflag:s26] =	ssyncadd.s32 $0xFFFFD800  }
0x5d: {  	[spmem:s13] =	stream.linear.scatter @p0 [tilespmem:s7], [sflag:$0x3], $0x2800, $0x38;
	[tilespmem:$0x1E500] =	vst v63  }
0x5e: {  	s7 =	simm.s32 @p0 $0x3  }
0x5f: {  	_ =	swait.ge @p0 [sflag:s7], $0x2800  }
0x60: {  	[sflag:s7] =	ssyncset.done @p0 $0x0  }
0x61: {  	[sflag:s7] =	ssyncadd.s32 @p0 $0xFFFFD800  }
0x62: {  	[bflag:$0x0] =	sbarrier.arrive $0xFFFF  }
0x63: {  	_ =	swait.ge [sflag:s0], $0x4000  }
0x64: {  	[sflag:s0] =	ssyncset.done $0x0  }
0x65: {  	[sflag:s0] =	ssyncadd.s32 $0xFFFFC000  }
0x66: {  	[spmem:s1] =	stream.indirect.scatter.add.f32 [tilespmem:s29], [sflag:$0x3], $0x80, s28, s28, $0xb8;
	[tilespmem:$0x1E500] =	vst v63  }
0x67: {  	_ =	swait.ge [sflag:s26], $0x4000  }
0x68: {  	s9 =	sadd.s32 $0xFFFEC800, s16;
	[sflag:s26] =	ssyncset.done $0x0  }
0x69: {  	s8 =	sadd.s32 $0x14000, s9;
	[sflag:s26] =	ssyncadd.s32 $0xFFFFC000  }
0x6a: {  	[tilespmem:s2], [sflag:$0x3] =	stream.linear.gather [hbm4b:s8+s2], $0x100, $0x38;
	[tilespmem:$0x1E500] =	vst v63  }
0x6b: {  	_ =	swait.ge [sflag:s26], $0x100  }
0x6c: {  	[sflag:s26] =	ssyncset.done $0x0  }
0x6d: {  	[sflag:s26] =	ssyncadd.s32 $0xFFFFFF00  }
0x6e: {  	[tilespmem:s29], [sflag:$0x1] =	stream.indirect.gather [hbm4b:s15+s28], $0x80, s2, s28, $0xb8;
	[tilespmem:$0x1E500] =	vst v63  }
0x6f: {  	_ =	swait.ge [sflag:s4], $0x4000  }
0x70: {  	[sflag:s4] =	ssyncset.done $0x0  }
0x71: {  	[sflag:s4] =	ssyncadd.s32 $0xFFFFC000  }
0x72: {  	[spmem:s1] =	stream.indirect.scatter.add.f32 [tilespmem:s31], [sflag:$0x3], $0x80, s5, s28, $0xb8;
	[tilespmem:$0x1E500] =	vst v63  }
0x73: {  	_ =	swait.ge [sflag:s26], $0x4000  }
0x74: {  	[sflag:s26] =	ssyncset.done $0x0  }
0x75: {  	s7 =	sadd.s32 $0x14400, s9;
	[sflag:s26] =	ssyncadd.s32 $0xFFFFC000  }
0x76: {  	[tilespmem:s30], [sflag:$0x3] =	stream.linear.gather [hbm4b:s7+s2], $0x100, $0x38;
	[tilespmem:$0x1E500] =	vst v63  }
0x77: {  	_ =	swait.ge [sflag:s26], $0x100  }
0x78: {  	[sflag:s26] =	ssyncset.done $0x0  }
0x79: {  	s7 =	simm.s32 $0xFFFED000;
	[sflag:s26] =	ssyncadd.s32 $0xFFFFFF00  }
.LBB2_4:
0x7a: {  	[tilespmem:s31], [sflag:$0x2] =	stream.indirect.gather [hbm4b:s15+s28], $0x80, s30, s28, $0xb8;
	[tilespmem:$0x1E500] =	vst v63  }
0x7b: {  	s8 =	smov.u32 s7  }
0x7c: {  	p2 =	sne.s32 s7, $0xFFFFF800;
	s7 =	sadd.s32 $0x800, s7;
	_ =	swait.ge [sflag:s0], $0x4000  }
0x7d: {  	[sflag:s0] =	ssyncset.done $0x0  }
0x7e: {  	[sflag:s0] =	ssyncadd.s32 $0xFFFFC000  }
0x7f: {  	[spmem:s1] =	stream.indirect.scatter.add.f32 [tilespmem:s29], [sflag:$0x3], $0x80, s28, s28, $0xb8;
	[tilespmem:$0x1E500] =	vst v63  }
0x80: {  	_ =	swait.ge [sflag:s26], $0x4000  }
0x81: {  	s8 =	sadd.s32 s8, s16;
	[sflag:s26] =	ssyncset.done $0x0  }
0x82: {  	s9 =	sadd.s32 $0x14000, s8;
	[sflag:s26] =	ssyncadd.s32 $0xFFFFC000  }
0x83: {  	[tilespmem:s2], [sflag:$0x3] =	stream.linear.gather [hbm4b:s9+s2], $0x100, $0x38;
	[tilespmem:$0x1E500] =	vst v63  }
0x84: {  	_ =	swait.ge [sflag:s26], $0x100  }
0x85: {  	[sflag:s26] =	ssyncset.done $0x0  }
0x86: {  	[sflag:s26] =	ssyncadd.s32 $0xFFFFFF00  }
0x87: {  	[tilespmem:s29], [sflag:$0x1] =	stream.indirect.gather [hbm4b:s15+s28], $0x80, s2, s28, $0xb8;
	[tilespmem:$0x1E500] =	vst v63  }
0x88: {  	_ =	swait.ge [sflag:s4], $0x4000  }
0x89: {  	[sflag:s4] =	ssyncset.done $0x0  }
0x8a: {  	[sflag:s4] =	ssyncadd.s32 $0xFFFFC000  }
0x8b: {  	[spmem:s1] =	stream.indirect.scatter.add.f32 [tilespmem:s31], [sflag:$0x3], $0x80, s5, s28, $0xb8;
	[tilespmem:$0x1E500] =	vst v63  }
0x8c: {  	_ =	swait.ge [sflag:s26], $0x4000  }
0x8d: {  	[sflag:s26] =	ssyncset.done $0x0  }
.Ltmp1:
0x8e: {  	s8 =	sadd.s32 $0x14400, s8;
	[sflag:s26] =	ssyncadd.s32 $0xFFFFC000;
	(pc) =	sbr.rel @p2 .LBB2_4-.Ltmp1, $4  }
0x8f: {  	[tilespmem:s30], [sflag:$0x3] =	stream.linear.gather [hbm4b:s8+s2], $0x100, $0x38;
	[tilespmem:$0x1E500] =	vst v63  }
0x90: {  	_ =	swait.ge [sflag:s26], $0x100  }
0x91: {  	[sflag:s26] =	ssyncset.done $0x0  }
0x92: {  	[sflag:s26] =	ssyncadd.s32 $0xFFFFFF00  }
0x93: {  	[tilespmem:s31], [sflag:$0x2] =	stream.indirect.gather [hbm4b:s15+s28], $0x80, s30, s28, $0xb8;
	[tilespmem:$0x1E500] =	vst v63  }
0x94: {  	_ =	swait.ge [sflag:s0], $0x4000  }
0x95: {  	[sflag:s0] =	ssyncset.done $0x0  }
0x96: {  	[sflag:s0] =	ssyncadd.s32 $0xFFFFC000  }
0x97: {  	[spmem:s1] =	stream.indirect.scatter.add.f32 [tilespmem:s29], [sflag:$0x3], $0x80, s28, s28, $0xb8;
	[tilespmem:$0x1E500] =	vst v63  }
0x98: {  	_ =	swait.ge [sflag:s26], $0x4000  }
0x99: {  	[sflag:s26] =	ssyncset.done $0x0  }
0x9a: {  	[sflag:s26] =	ssyncadd.s32 $0xFFFFC000  }
0x9b: {  	_ =	swait.ge [sflag:s4], $0x4000  }
0x9c: {  	[sflag:s4] =	ssyncset.done $0x0  }
0x9d: {  	[sflag:s4] =	ssyncadd.s32 $0xFFFFC000  }
0x9e: {  	[spmem:s1] =	stream.indirect.scatter.add.f32 [tilespmem:s31], [sflag:$0x3], $0x80, s5, s28, $0xb8;
	[tilespmem:$0x1E500] =	vst v63  }
0x9f: {  	_ =	swait.ge [sflag:s26], $0x4000  }
0xa0: {  	[sflag:s26] =	ssyncset.done $0x0  }
0xa1: {  	s7 =	stileid.u32;
	[sflag:s26] =	ssyncadd.s32 $0xFFFFC000  }
0xa2: {  	s7 =	sshll.u32 s7, $0x6;
	[bflag:$0x0] =	sbarrier.arrive $0xFFFF  }
0xa3: {  	s8 =	sshrl.u32 s3, $0x3;
	s7 =	sor.u32 $0x1C03, s7;
	s9 =	rddreg [dreg:$0x4]  }
0xa4: {  	[hbm:s9], [sflag:s7] =	dma.local [spmem:s8], $0x500  }
0xa5: {  	_ =	swait.ge [sflag:s26], $0x500  }
0xa6: {  	[sflag:s26] =	ssyncset.done $0x0  }
0xa7: {  	s8 =	sshrl.u32 s19, $0x3;
	s9 =	rddreg [dreg:$0x5];
	[sflag:s26] =	ssyncadd.s32 $0xFFFFFB00  }
0xa8: {  	[hbm:s9], [sflag:s7] =	dma.local [spmem:s8], $0x500  }
0xa9: {  	_ =	swait.ge [sflag:s26], $0x500  }
0xaa: {  	[sflag:s26] =	ssyncset.done $0x0  }
0xab: {  	s8 =	sshrl.u32 s20, $0x3;
	s9 =	rddreg [dreg:$0x6];
	[sflag:s26] =	ssyncadd.s32 $0xFFFFFB00  }
0xac: {  	[hbm:s9], [sflag:s7] =	dma.local [spmem:s8], $0x500  }
0xad: {  	_ =	swait.ge [sflag:s26], $0x500  }
0xae: {  	[sflag:s26] =	ssyncset.done $0x0  }
0xaf: {  	s8 =	sshrl.u32 s21, $0x3;
	s9 =	rddreg [dreg:$0x7];
	[sflag:s26] =	ssyncadd.s32 $0xFFFFFB00  }
0xb0: {  	[hbm:s9], [sflag:s7] =	dma.local [spmem:s8], $0x500  }
0xb1: {  	_ =	swait.ge [sflag:s26], $0x500  }
0xb2: {  	[sflag:s26] =	ssyncset.done $0x0  }
0xb3: {  	s8 =	sshrl.u32 s22, $0x3;
	s9 =	rddreg [dreg:$0x8];
	[sflag:s26] =	ssyncadd.s32 $0xFFFFFB00  }
0xb4: {  	[hbm:s9], [sflag:s7] =	dma.local [spmem:s8], $0x500  }
0xb5: {  	_ =	swait.ge [sflag:s26], $0x500  }
0xb6: {  	[sflag:s26] =	ssyncset.done $0x0  }
0xb7: {  	s9 =	sshrl.u32 s23, $0x3;
	[sflag:s26] =	ssyncadd.s32 $0xFFFFFB00  }
0xb8: {  	[hbm:s10], [sflag:s7] =	dma.local [spmem:s9], $0x500  }
0xb9: {  	_ =	swait.ge [sflag:s26], $0x500  }
0xba: {  	[sflag:s26] =	ssyncset.done $0x0  }
0xbb: {  	s9 =	sshrl.u32 s24, $0x3;
	[sflag:s26] =	ssyncadd.s32 $0xFFFFFB00  }
0xbc: {  	[hbm:s12], [sflag:s7] =	dma.local [spmem:s9], $0x500  }
0xbd: {  	_ =	swait.ge [sflag:s26], $0x500  }
0xbe: {  	s6 =	sadd.s32 $0x1, s6;
	[sflag:s26] =	ssyncset.done $0x0  }
0xbf: {  	p2 =	sne.s32 s6, s18;
	s8 =	rddreg [dreg:$0x3];
	[sflag:s26] =	ssyncadd.s32 $0xFFFFFB00  }
0xc0: {  	[hbm:s8], [sflag:s7] =	dma.local @!p1 [spmem:s25], $0x500  }
.Ltmp2:
0xc1: {  	_ = 	snop;
	(pc) =	sbr.rel @p2 .LBB2_1-.Ltmp2, $4  }
0xc2: {  	s7 =	simm.s32 @!p1 $0x3  }
0xc3: {  	_ =	swait.ge @!p1 [sflag:s7], $0x500  }
0xc4: {  	[sflag:s7] =	ssyncset.done @!p1 $0x0  }
0xc5: {  	[sflag:s7] =	ssyncadd.s32 @!p1 $0xFFFFFB00  }
0xc6: {  	_ =	sfence.sel $0x180000  }
0xc7: {  	[bflag:$0x0] =	sbarrier.arrive $0xFFFF  }
0xc8: {  	_ =	strace $0x9000004D  }
0xc9: {  	s0 =	stileid.u32;
	[bflag:$0x2] =	sbarrier.arrive $0xFFFF  }
0xca: {  	p0 =	sne.s32 s0, $0x0;
	s0 =	rddreg [dreg:$0x2]  }
0xcb: {  	s0 =	sadd.s32 @!p0 $0x100000, s0  }
0xcc: {  	[sflag:s0] =	ssyncadd.tile.s32 @!p0 $0x1;
	_ =	shalt  }
.Lfunc_end2:
_tile_overlayer_lowered:
.L_overlay_start_2:
0xcd: {  	(tag) =	ssettag $0x2  }
0xce: {  	s0 =	rddreg [dreg:$0x0];
	s2 =	stileid.u32  }
0xcf: {  	s1 =	rddreg [dreg:$0x1];
	p0 =	sne.s32 s2, $0x0  }
0xd0: {  	s3 =	rddreg [dreg:$0x2];
	[bflag:$0x3] =	sbarrier.arrive $0xFFFF;
	s2 =	simm.s32 @!p0 $0x1C03  }
0xd1: {  	[timem:s3], [sflag:s2] =	dma.local @!p0 [hbm:s0], s1  }
0xd2: {  	s0 =	simm.s32 @!p0 $0x3  }
0xd3: {  	_ =	swait.ge @!p0 [sflag:s0], s1  }
0xd4: {  	s1 =	ssub.s32 @!p0 $0x0, s1;
	[sflag:s0] =	ssyncset.done @!p0 $0x0  }
0xd5: {  	[sflag:s0] =	ssyncadd.s32 @!p0 s1  }
0xd6: {  	[bflag:$0x3] =	sbarrier.arrive $0xFFFF  }
0xd7: {  	_ =	shalt  }

// kernel: kernel.9.cloned.1.call-start
scs
__scs_entry_jumppad:
0x0: {  	(pc) =	sbr.rel $0x88, $3  }
0x1: {  	(tag) =	ssettag $0x0;
	lr =	simm.s32 $0x1  }
0x2: {  	[smem:$0x3F8A] =	sst lr;
	_ =	strace $0xD0000000  }
0x3: {  	_ = 	snop  }
0x4: {  	_ = 	snop  }
0x5: {  	_ = 	snop  }
0x6: {  	_ = 	snop  }
0x7: {  	_ = 	snop  }
__scs_overlays_trampoline_lowered:
0x8: {  	[smem:$0x3F99] =	sst s0  }
0x9: {  	[smem:$0x3F9A] =	sst s1  }
0xa: {  	[smem:$0x3F9B] =	sst s2  }
0xb: {  	[smem:$0x3F9C] =	sst s3  }
0xc: {  	[smem:$0x3F9D] =	sst s4  }
0xd: {  	[smem:$0x3F9E] =	sst s5  }
0xe: {  	[smem:$0x3F9F] =	sst s6  }
0xf: {  	[smem:$0x3FA0] =	sst s7  }
0x10: {  	[smem:$0x3FA1] =	sst s8  }
0x11: {  	[smem:$0x3FA2] =	sst s9;
	s0 =	simm.s32 @!p0 $0x0  }
0x12: {  	s1 =	sld [smem:$0x3F88];
	s0 =	simm.s32 @p0 $0x1  }
0x13: {  	[smem:$0x3FA3] =	sst s0;
	s0 =	simm.s32 @!p1 $0x0  }
0x14: {  	s2 =	sld [smem:$0x3F87];
	s0 =	simm.s32 @p1 $0x1  }
0x15: {  	[smem:$0x3FA4] =	sst s0;
	s0 =	simm.s32 @!p2 $0x0  }
0x16: {  	s3 =	sld [smem:$0x3FDB];
	s0 =	simm.s32 @p2 $0x1  }
0x17: {  	s4 =	simm.s32 $0x1BF5;
	[smem:$0x3FA6] =	sst s0  }
0x18: {  	s0 =	sld [smem:$0x3F89];
	_ =	swait.ge [sflag:s4], $0x0  }
0x19: {  	s7 =	sld [smem:$0x3F8A]  }
0x1a: {  	s8 =	sadd.s32 $0xFFFFE003, lr  }
0x1b: {  	s9 =	sadd.s32 $0xFFFFFEF7, lr;
	s5 =	simm.s32 $0xFFFFFFFF;
	p2 =	slt.u32 s8, $0xFFFFF086  }
0x1c: {  	p1 =	slt.u32 s9, $0xF7A;
	s5 =	simm.s32 @!p2 $0x0  }
0x1d: {  	s5 =	simm.s32 @p1 $0x1;
	p0 =	seq.s32 s7, s2  }
0x1e: {  	s7 =	smul.u32 @!p0 $0xF7A, s2;
	p2 =	seq.s32 @!p0 s5, $0x0  }
0x1f: {  	s9 =	smul.u32 $0xF7A, s1;
	s8 =	simm.s32 @!p0 $0x1BF5;
	p2 =	por !p2, p0  }
0x20: {  	[sflag:s8] =	ssyncset.s32 @!p0 $0xFFFFF086;
	s6 =	sadd.s32 @!p0 s3, s7;
	s7 =	simm.s32 @!p0 $0x108  }
0x21: {  	s3 =	sadd.s32 s3, s9;
	s6 =	sadd.s32 @!p0 $0x88, s6;
	s7 =	simm.s32 @p2 $0x1082  }
0x22: {  	[simem:s7], [sflag:s8] =	dma.local @!p0 [hbm:s6], $0xF7A  }
0x23: {  	s9 =	sor.u32 $0xD0000000, s2;
	s6 =	simm.s32 $0x108;
	_ =	swait.ge @!p0 [sflag:s8], $0x0  }
0x24: {  	s3 =	sadd.s32 $0x88, s3;
	s6 =	simm.s32 @!p1 $0x1082;
	[sflag:s4] =	ssyncset.s32 $0xFFFFF086  }
0x25: {  	[simem:s6], [sflag:s4] =	dma.local [hbm:s3], $0xF7A  }
0x26: {  	[smem:$0x3F8A] =	sst s1;
	(tag) =	ssettag s2;
	_ =	strace s9  }
0x27: {  	s1 =	sld [smem:$0x3F9A]  }
0x28: {  	s2 =	sld [smem:$0x3F9B]  }
0x29: {  	s4 =	sld [smem:$0x3F9D]  }
0x2a: {  	p0 =	seq.s32 s5, $0x0;
	s5 =	sld [smem:$0x3F9E]  }
0x2b: {  	s6 =	sld [smem:$0x3F9F]  }
0x2c: {  	s7 =	sld [smem:$0x3FA0]  }
0x2d: {  	s3 =	simm.s32 $0x108;
	s8 =	sld [smem:$0x3FA1]  }
0x2e: {  	s3 =	simm.s32 @!p0 $0x1082;
	s9 =	sld [smem:$0x3FA2]  }
0x2f: {  	lr =	sadd.s32 s0, s3;
	s0 =	sld [smem:$0x3F99]  }
0x30: {  	s3 =	sld [smem:$0x3F9C]  }
0x31: {  	[smem:$0x3FA5] =	sst s10  }
0x32: {  	s10 =	sld [smem:$0x3FA3];
	_ =	sdelay $0x3  }
0x33: {  	p0 =	seq.s32 s10, $0x1;
	s10 =	sld [smem:$0x3FA5];
	_ =	sdelay $0x3  }
0x34: {  	[smem:$0x3FA5] =	sst s10  }
0x35: {  	s10 =	sld [smem:$0x3FA4];
	_ =	sdelay $0x3  }
0x36: {  	p1 =	seq.s32 s10, $0x1;
	s10 =	sld [smem:$0x3FA5];
	_ =	sdelay $0x3  }
0x37: {  	[smem:$0x3FA5] =	sst s10  }
0x38: {  	s10 =	sld [smem:$0x3FA6]  }
0x39: {  	_ = 	snop;
	(pc) =	sbr.ind lr, $3  }
0x3a: {  	_ = 	snop  }
0x3b: {  	_ = 	snop  }
0x3c: {  	p2 =	seq.s32 s10, $0x1;
	s10 =	sld [smem:$0x3FA5]  }
0x3d: {  	_ =	shalt  }
0x3e: {  	_ =	shalt  }
0x3f: {  	_ =	shalt  }
0x40: {  	_ =	shalt  }
0x41: {  	_ =	shalt  }
0x42: {  	_ =	shalt  }
0x43: {  	_ =	shalt  }
0x44: {  	_ =	shalt  }
0x45: {  	_ =	shalt  }
0x46: {  	_ =	shalt  }
0x47: {  	_ =	shalt  }
0x48: {  	_ =	shalt  }
0x49: {  	_ =	shalt  }
0x4a: {  	_ =	shalt  }
0x4b: {  	_ =	shalt  }
0x4c: {  	_ =	shalt  }
0x4d: {  	_ =	shalt  }
0x4e: {  	_ =	shalt  }
0x4f: {  	_ =	shalt  }
0x50: {  	_ =	shalt  }
0x51: {  	_ =	shalt  }
0x52: {  	_ =	shalt  }
0x53: {  	_ =	shalt  }
0x54: {  	_ =	shalt  }
0x55: {  	_ =	shalt  }
0x56: {  	_ =	shalt  }
0x57: {  	_ =	shalt  }
0x58: {  	_ =	shalt  }
0x59: {  	_ =	shalt  }
0x5a: {  	_ =	shalt  }
0x5b: {  	_ =	shalt  }
0x5c: {  	_ =	shalt  }
0x5d: {  	_ =	shalt  }
0x5e: {  	_ =	shalt  }
0x5f: {  	_ =	shalt  }
0x60: {  	_ =	shalt  }
0x61: {  	_ =	shalt  }
0x62: {  	_ =	shalt  }
0x63: {  	_ =	shalt  }
0x64: {  	_ =	shalt  }
0x65: {  	_ =	shalt  }
0x66: {  	_ =	shalt  }
0x67: {  	_ =	shalt  }
0x68: {  	_ =	shalt  }
0x69: {  	_ =	shalt  }
0x6a: {  	_ =	shalt  }
0x6b: {  	_ =	shalt  }
0x6c: {  	_ =	shalt  }
0x6d: {  	_ =	shalt  }
0x6e: {  	_ =	shalt  }
0x6f: {  	_ =	shalt  }
0x70: {  	_ =	shalt  }
0x71: {  	_ =	shalt  }
0x72: {  	_ =	shalt  }
0x73: {  	_ =	shalt  }
0x74: {  	_ =	shalt  }
0x75: {  	_ =	shalt  }
0x76: {  	_ =	shalt  }
0x77: {  	_ =	shalt  }
0x78: {  	_ =	shalt  }
0x79: {  	_ =	shalt  }
0x7a: {  	_ =	shalt  }
0x7b: {  	_ =	shalt  }
0x7c: {  	_ =	shalt  }
0x7d: {  	_ =	shalt  }
0x7e: {  	_ =	shalt  }
0x7f: {  	_ =	shalt  }
0x80: {  	_ =	shalt  }
0x81: {  	_ =	shalt  }
0x82: {  	_ =	shalt  }
0x83: {  	_ =	shalt  }
0x84: {  	_ =	shalt  }
0x85: {  	_ =	shalt  }
0x86: {  	_ =	shalt  }
0x87: {  	_ =	shalt  }
.Lfunc_end0:
.L_simem_size_0:
called_computation_lowered:
.L_overlay_start_0:
0x88: {  	s2 =	sld [smem:$0x3FD9]  }
0x89: {  	s3 =	sld [smem:$0x3FFE];
	_ =	sdelay $0x1  }
0x8a: {  	s1 =	srdreg.scid  }
0x8b: {  	s0 =	sand.u32 $0x1, s1  }
0x8c: {  	s16 =	sshll.u32 s0, $0xA;
	s2 =	sadd.s32 s3, s2  }
0x8d: {  	s2 =	sadd.s32 s2, s16  }
0x8e: {  	[smem:$0x3FB1] =	sst s2  }
0x8f: {  	_ = 	snop  }
0x90: {  	(tm) =	ssettm $0x1  }
0x91: {  	s17 =	sld [smem:$0x3FFB];
	_ =	sdelay $0x3  }
0x92: {  	_ =	strace s17  }
0x93: {  	s2 =	sld [smem:$0x3FFC];
	_ =	sdelay $0x3  }
0x94: {  	_ =	strace s2  }
0x95: {  	s2 =	sld [smem:$0x3FFD];
	_ =	sdelay $0x3  }
0x96: {  	_ =	strace s2  }
0x97: {  	_ =	strace $0x8FFFFFFF  }
0x98: {  	s18 =	sld [smem:$0x3FDB];
	_ =	sdelay $0x1  }
0x99: {  	s19 =	simm.s32 $_scs_section_size  }
0x9a: {  	s4 =	simm.s32 $_size__tile_overlayer_lowered;
	s5 =	simm.s32 $_tile_overlayer_lowered  }
0x9b: {  	s22 =	simm.s32 $0x1BFF;
	s21 =	sshll.u32 s5, $0x1;
	s2 =	sadd.s32 s19, s18  }
0x9c: {  	s6 =	simm.s32 $0x0;
	s20 =	sshll.u32 s4, $0x1;
	s4 =	sadd.s32 s21, s2  }
0x9d: {  	[timem:s6], [sflag:s22] =	dma.local [hbm:s4], s20  }
0x9e: {  	_ =	swait.ge [sflag:s22], s20  }
0x9f: {  	s3 =	ssub.s32 $0x0, s20;
	[sflag:s22] =	ssyncset.done $0x0  }
0xa0: {  	[sflag:s22] =	ssyncadd.s32 s3;
	_ =	sdelay $0x1  }
0xa1: {  	s23 =	simm.s32 $0x1B8B  }
0xa2: {  	_ =	swait.ge [sflag:s23], $0x1  }
0xa3: {  	[sflag:s23] =	ssyncset.done $0x0  }
0xa4: {  	s25 =	simm.s32 $0x1B8E;
	s24 =	sld [smem:$0x3FFE];
	[sflag:s23] =	ssyncadd.s32 $0xFFFFFFFF  }
0xa5: {  	s26 =	simm.s32 $execute0_lowered;
	[smem:$0x3FD2] =	sst s25  }
0xa6: {  	s4 =	sshll.u32 s26, $0x1;
	_ =	strace $0x80000046;
	[dreg:$0x1] =	wrdreg $0xFFFFFFFF  }
0xa7: {  	s28 =	simm.s32 $_size_execute0_lowered;
	s2 =	sadd.s32 s2, s4;
	[dreg:$0x0] =	wrdreg $0x0  }
0xa8: {  	s4 =	sshll.u32 s28, $0x1;
	[dreg:$0x2] =	wrdreg s2  }
0xa9: {  	[dreg:$0x3] =	wrdreg s4  }
0xaa: {  	[dreg:$0x4] =	wrdreg $0xC0  }
0xab: {  	_ =	task [dreg:s6], $0x5FFFF  }
0xac: {  	[dreg:$0x1] =	wrdreg $0xFFFFFFFF  }
0xad: {  	[dreg:$0x0] =	wrdreg $0x60  }
0xae: {  	[dreg:$0x2] =	wrdreg s24  }
0xaf: {  	[dreg:$0x3] =	wrdreg $0xAA000  }
0xb0: {  	[dreg:$0x4] =	wrdreg $0x9  }
0xb1: {  	_ =	task.clear_ibuf [dreg:s6], $0x5FFFF;
	_ =	strace $0x90000046  }
0xb2: {  	s29 =	simm.s32 $0x9;
	_ =	strace $0x80000048  }
0xb3: {  	_ =	swait.ge [sflag:s29], $0x1  }
0xb4: {  	[sflag:s29] =	ssyncadd.s32 $0xFFFFFFFF  }
0xb5: {  	_ =	strace $0x90000048  }
0xb6: {  	_ =	sfence  }
0xb7: {  	s30 =	sld [smem:$0x0];
	_ =	sdelay $0x2  }
0xb8: {  	s31 =	sshll.u32 s1, $0xD;
	s1 =	sshrl.u32 s1, $0x2  }
0xb9: {  	s3 =	sand.u32 $0x4000, s31;
	s1 =	sadd.s32 s1, s30  }
0xba: {  	s0 =	sor.u32 s3, s0;
	s1 =	sshll.u32 s1, $0x11  }
0xbb: {  	s0 =	sor.u32 s1, s0  }
0xbc: {  	s0 =	sadd.s32 $0x8F2B, s0  }
0xbd: {  	[sflag:s0] =	ssyncadd.remote.s32 $0x1  }
0xbe: {  	_ =	sfence.sel $0xFFFF  }
0xbf: {  	[dreg:$0x0] =	wrdreg $0xFFFFFFFF;
	(pc) =	sbr.abs _section_cstart, $3  }
0xc0: {  	[dreg:$0x1] =	wrdreg $0xFFFFFFFF  }
0xc1: {  	_ =	task.clear_ibuf [dreg:s6], $0x2FFFF;
	_ =	strace $0x9FFFFFFF  }
0xc2: {  	(tm) =	ssettm $0x7FFFFFFF  }
0xc3: {  	_ =	shalt  }
tec
execute0_lowered:
.L_overlay_start_1:
0x0: {  	(tag) =	ssettag $0x1  }
0x1: {  	s0 =	rddreg [dreg:$0x0]  }
0x2: {  	s1 =	rddreg [dreg:$0x1]  }
0x3: {  	s2 =	simm.s32 $0x0;
	s3 =	srdreg.scid;
	s26 =	stileid.u32  }
0x4: {  	s28 =	simm.s32 $0x80;
	s29 =	simm.s32 $0x200;
	s30 =	simm.s32 $0x100  }
0x5: {  	s31 =	simm.s32 $0x4200;
	[smem:$0x7FF] =	sst s2;
	s5 =	smul.u32 $0xA000, s26  }
0x6: {  	s4 =	sadd.s32 $0x4C00, s0;
	s3 =	sand.u32 $0x1, s3;
	s10 =	smul.u32 $0x2800, s26  }
0x7: {  	s6 =	sadd.s32 $0x3FE00, s0;
	s11 =	sor.u32 $0x10, s26;
	s8 =	smul.u32 $0x138800, s3  }
0x8: {  	s16 =	sor.u32 $0x20, s26;
	s18 =	sor.u32 $0x30, s26;
	s24 =	smul.u32 $0x2800, s11  }
0x9: {  	s17 =	sshll.u32 s26, $0x5;
	s19 =	sor.u32 $0x40, s26;
	s25 =	smul.u32 $0x2800, s16  }
0xa: {  	s20 =	sor.u32 $0x50, s26;
	s22 =	sor.u32 $0x60, s26;
	s12 =	smul.u32 $0x2800, s18  }
0xb: {  	p0 =	slt.u32 s26, $0xD;
	p1 =	seq.s32 s26, $0xF;
	s13 =	smul.u32 $0x2800, s19  }
0xc: {  	s7 =	ssub.s32 $0x2, s3;
	s15 =	sshll.u32 s3, $0x9;
	s23 =	smul.u32 $0x2800, s20  }
0xd: {  	s9 =	sshrl.u32 s7, $0x1;
	s14 =	sor.u32 s17, s15;
	s21 =	sadd.s32 $0x118000, s10  }
0xe: {  	s5 =	sshrl.u32 s5, $0x2;
	s7 =	ssub.s32 s7, s9;
	s10 =	sadd.s32 s8, s10  }
0xf: {  	s9 =	sadd.s32 s8, s24;
	s24 =	smul.u32 $0x2800, s22;
	s25 =	sadd.s32 s8, s25  }
0x10: {  	s12 =	sadd.s32 s8, s12;
	s13 =	sadd.s32 s8, s13;
	s23 =	sadd.s32 s8, s23  }
0x11: {  	s3 =	sadd.s32 s5, s1;
	s14 =	sadd.s32 s4, s14;
	s4 =	sadd.s32 s15, s4  }
0x12: {  	s10 =	sshrl.u32 s10, $0x3;
	s24 =	sadd.s32 s8, s24;
	s8 =	sadd.s32 s8, s21  }
0x13: {  	s15 =	sadd.s32 $0x18C00, s0;
	s5 =	sadd.s32 s6, s10;
	s8 =	sshrl.u32 s8, $0x3  }
0x14: {  	s12 =	sshrl.u32 s12, $0x3;
	[dreg:$0x4] =	wrdreg s5;
	s8 =	sadd.s32 s6, s8  }
0x15: {  	s13 =	sshrl.u32 s13, $0x3;
	[dreg:$0x3] =	wrdreg s8;
	s8 =	sshrl.u32 s9, $0x3  }
0x16: {  	s9 =	sshrl.u32 s25, $0x3;
	s25 =	sshrl.u32 s23, $0x3;
	s23 =	smul.u32 $0xA000, s18  }
0x17: {  	s18 =	smax.u32 s7, $0x1;
	s10 =	sadd.s32 s6, s9;
	s9 =	smul.u32 $0xA000, s11  }
0x18: {  	s5 =	sadd.s32 s6, s8;
	s8 =	sshrl.u32 s24, $0x3;
	s11 =	smul.u32 $0xA000, s16  }
0x19: {  	s16 =	sadd.s32 s17, s4;
	s17 =	sadd.s32 $0x400, s14;
	[dreg:$0x5] =	wrdreg s5  }
0x1a: {  	s24 =	smul.u32 $0xA000, s19;
	s4 =	simm.s32 $0x2;
	[dreg:$0x6] =	wrdreg s10  }
0x1b: {  	s5 =	sadd.s32 s6, s12;
	s10 =	sadd.s32 s6, s25;
	s12 =	sadd.s32 s6, s8  }
0x1c: {  	s25 =	smul.u32 $0xA000, s20;
	[dreg:$0x7] =	wrdreg s5;
	s5 =	sadd.s32 s6, s13  }
0x1d: {  	s13 =	sadd.s32 $0x138800, s1;
	s6 =	sadd.s32 s21, s1;
	s0 =	sshrl.u32 s11, $0x2  }
0x1e: {  	s11 =	sshrl.u32 s24, $0x2;
	s24 =	smul.u32 $0xA000, s22;
	[dreg:$0x8] =	wrdreg s5  }
0x1f: {  	s5 =	sadd.s32 $0x118000, s3;
	s20 =	sadd.s32 s0, s1;
	s22 =	sadd.s32 s11, s1  }
0x20: {  	s11 =	simm.s32 $0x8200;
	s0 =	simm.s32 $0x1;
	s13 =	smov.u32 @p0 s5  }
0x21: {  	_ =	strace $0x80000047;
	s5 =	sshrl.u32 s9, $0x2;
	s9 =	sshrl.u32 s23, $0x2  }
0x22: {  	s23 =	sshrl.u32 s25, $0x2;
	s25 =	sshrl.u32 s24, $0x2;
	p0 =	por p0, p1  }
0x23: {  	p1 =	sgt.u32 s26, $0xC;
	s26 =	simm.s32 $0x3;
	s19 =	sadd.s32 s5, s1  }
0x24: {  	s21 =	sadd.s32 s9, s1;
	s23 =	sadd.s32 s23, s1;
	s24 =	sadd.s32 s25, s1  }
0x25: {  	v0 =	vimm.f32 $0.0e+00;
	s25 =	sshrl.u32 @!p1 s6, $0x3;
	s5 =	simm.s32 $0x180;
	s6 =	simm.s32 $0x0  }
.LBB2_1:
0x26: {  	[tilespmem:s2], [sflag:$0x3] =	stream.linear.gather [hbm4b:s14+s2], $0x100, $0x38;
	[tilespmem:$0x1E500] =	vst v63  }
0x27: {  	_ =	swait.ge [sflag:s26], $0x100  }
0x28: {  	[sflag:s26] =	ssyncset.done $0x0  }
0x29: {  	[sflag:s26] =	ssyncadd.s32 $0xFFFFFF00  }
0x2a: {  	[tilespmem:s29], [sflag:$0x1] =	stream.indirect.gather [hbm4b:s15+s28], $0x80, s2, s28, $0xb8;
	[tilespmem:$0x1E500] =	vst v63  }
0x2b: {  	_ = 	snop  }
0x2c: {  	[tilespmem:s30], [sflag:$0x3] =	stream.linear.gather [hbm4b:s17+s2], $0x100, $0x38;
	[tilespmem:$0x1E500] =	vst v63  }
0x2d: {  	_ =	swait.ge [sflag:s26], $0x100  }
0x2e: {  	[sflag:s26] =	ssyncset.done $0x0  }
0x2f: {  	s7 =	simm.s32 $0x70;
	s8 =	simm.s32 $0x3C0;
	[sflag:s26] =	ssyncadd.s32 $0xFFFFFF00  }
0x30: {  	[tilespmem:s31], [sflag:$0x2] =	stream.indirect.gather [hbm4b:s15+s28], $0x80, s30, s28, $0xb8;
	[tilespmem:$0x1E500] =	vst v63  }
.LBB2_2:
0x31: {  	p2 =	sne.s32 s8, $0x9FC0;
	[tilespmem:s7+$0x8200] =	vst v0  }
0x32: {  	[tilespmem:s7+$0x8190] =	vst v0  }
0x33: {  	[tilespmem:s7+$0x81A0] =	vst v0  }
.Ltmp0:
0x34: {  	[tilespmem:s7+$0x81B0] =	vst v0;
	(pc) =	sbr.rel @p2 .LBB2_2-.Ltmp0, $4  }
0x35: {  	[tilespmem:s7+$0x81C0] =	vst v0  }
0x36: {  	[tilespmem:s7+$0x81D0] =	vst v0  }
0x37: {  	[tilespmem:s7+$0x81E0] =	vst v0  }
0x38: {  	[tilespmem:s7+$0x81F0] =	vst v0;
	s7 =	sshra.s32 s8, $0x2;
	s8 =	sadd.s32 $0x200, s8  }
0x39: {  	[tilespmem:s7+$0x8200] =	vst v0  }
0x3a: {  	[tilespmem:s7+$0x8190] =	vst v0  }
0x3b: {  	[tilespmem:s7+$0x81A0] =	vst v0  }
0x3c: {  	[tilespmem:s7+$0x81B0] =	vst v0  }
0x3d: {  	[tilespmem:s7+$0x81C0] =	vst v0  }
0x3e: {  	[tilespmem:s7+$0x81D0] =	vst v0  }
0x3f: {  	[tilespmem:s7+$0x81E0] =	vst v0  }
0x40: {  	[tilespmem:s7+$0x81F0] =	vst v0  }
0x41: {  	[spmem:s3] =	stream.linear.scatter [tilespmem:s11], [sflag:$0x3], $0x2800, $0x38;
	[tilespmem:$0x1E500] =	vst v63  }
0x42: {  	_ =	swait.ge [sflag:s26], $0x2800  }
0x43: {  	[sflag:s26] =	ssyncset.done $0x0  }
0x44: {  	[sflag:s26] =	ssyncadd.s32 $0xFFFFD800  }
0x45: {  	[spmem:s19] =	stream.linear.scatter [tilespmem:s11], [sflag:$0x3], $0x2800, $0x38;
	[tilespmem:$0x1E500] =	vst v63  }
0x46: {  	_ =	swait.ge [sflag:s26], $0x2800  }
0x47: {  	[sflag:s26] =	ssyncset.done $0x0  }
0x48: {  	[sflag:s26] =	ssyncadd.s32 $0xFFFFD800  }
0x49: {  	[spmem:s20] =	stream.linear.scatter [tilespmem:s11], [sflag:$0x3], $0x2800, $0x38;
	[tilespmem:$0x1E500] =	vst v63  }
0x4a: {  	_ =	swait.ge [sflag:s26], $0x2800  }
0x4b: {  	[sflag:s26] =	ssyncset.done $0x0  }
0x4c: {  	[sflag:s26] =	ssyncadd.s32 $0xFFFFD800  }
0x4d: {  	[spmem:s21] =	stream.linear.scatter [tilespmem:s11], [sflag:$0x3], $0x2800, $0x38;
	[tilespmem:$0x1E500] =	vst v63  }
0x4e: {  	_ =	swait.ge [sflag:s26], $0x2800  }
0x4f: {  	[sflag:s26] =	ssyncset.done $0x0  }
0x50: {  	[sflag:s26] =	ssyncadd.s32 $0xFFFFD800  }
0x51: {  	[spmem:s22] =	stream.linear.scatter [tilespmem:s11], [sflag:$0x3], $0x2800, $0x38;
	[tilespmem:$0x1E500] =	vst v63  }
0x52: {  	_ =	swait.ge [sflag:s26], $0x2800  }
0x53: {  	[sflag:s26] =	ssyncset.done $0x0  }
0x54: {  	[sflag:s26] =	ssyncadd.s32 $0xFFFFD800  }
0x55: {  	[spmem:s23] =	stream.linear.scatter [tilespmem:s11], [sflag:$0x3], $0x2800, $0x38;
	[tilespmem:$0x1E500] =	vst v63  }
0x56: {  	_ =	swait.ge [sflag:s26], $0x2800  }
0x57: {  	[sflag:s26] =	ssyncset.done $0x0  }
0x58: {  	[sflag:s26] =	ssyncadd.s32 $0xFFFFD800  }
0x59: {  	[spmem:s24] =	stream.linear.scatter [tilespmem:s11], [sflag:$0x3], $0x2800, $0x38;
	[tilespmem:$0x1E500] =	vst v63  }
0x5a: {  	_ =	swait.ge [sflag:s26], $0x2800  }
0x5b: {  	[sflag:s26] =	ssyncset.done $0x0  }
0x5c: {  	s7 =	simm.s32 @p0 $0x8200;
	[sflag:s26] =	ssyncadd.s32 $0xFFFFD800  }
0x5d: {  	[spmem:s13] =	stream.linear.scatter @p0 [tilespmem:s7], [sflag:$0x3], $0x2800, $0x38;
	[tilespmem:$0x1E500] =	vst v63  }
0x5e: {  	s7 =	simm.s32 @p0 $0x3  }
0x5f: {  	_ =	swait.ge @p0 [sflag:s7], $0x2800  }
0x60: {  	[sflag:s7] =	ssyncset.done @p0 $0x0  }
0x61: {  	[sflag:s7] =	ssyncadd.s32 @p0 $0xFFFFD800  }
0x62: {  	[bflag:$0x0] =	sbarrier.arrive $0xFFFF  }
0x63: {  	_ =	swait.ge [sflag:s0], $0x4000  }
0x64: {  	[sflag:s0] =	ssyncset.done $0x0  }
0x65: {  	[sflag:s0] =	ssyncadd.s32 $0xFFFFC000  }
0x66: {  	[spmem:s1] =	stream.indirect.scatter.add.f32 [tilespmem:s29], [sflag:$0x3], $0x80, s28, s28, $0xb8;
	[tilespmem:$0x1E500] =	vst v63  }
0x67: {  	_ =	swait.ge [sflag:s26], $0x4000  }
0x68: {  	s9 =	sadd.s32 $0xFFFEC800, s16;
	[sflag:s26] =	ssyncset.done $0x0  }
0x69: {  	s8 =	sadd.s32 $0x14000, s9;
	[sflag:s26] =	ssyncadd.s32 $0xFFFFC000  }
0x6a: {  	[tilespmem:s2], [sflag:$0x3] =	stream.linear.gather [hbm4b:s8+s2], $0x100, $0x38;
	[tilespmem:$0x1E500] =	vst v63  }
0x6b: {  	_ =	swait.ge [sflag:s26], $0x100  }
0x6c: {  	[sflag:s26] =	ssyncset.done $0x0  }
0x6d: {  	[sflag:s26] =	ssyncadd.s32 $0xFFFFFF00  }
0x6e: {  	[tilespmem:s29], [sflag:$0x1] =	stream.indirect.gather [hbm4b:s15+s28], $0x80, s2, s28, $0xb8;
	[tilespmem:$0x1E500] =	vst v63  }
0x6f: {  	_ =	swait.ge [sflag:s4], $0x4000  }
0x70: {  	[sflag:s4] =	ssyncset.done $0x0  }
0x71: {  	[sflag:s4] =	ssyncadd.s32 $0xFFFFC000  }
0x72: {  	[spmem:s1] =	stream.indirect.scatter.add.f32 [tilespmem:s31], [sflag:$0x3], $0x80, s5, s28, $0xb8;
	[tilespmem:$0x1E500] =	vst v63  }
0x73: {  	_ =	swait.ge [sflag:s26], $0x4000  }
0x74: {  	[sflag:s26] =	ssyncset.done $0x0  }
0x75: {  	s7 =	sadd.s32 $0x14400, s9;
	[sflag:s26] =	ssyncadd.s32 $0xFFFFC000  }
0x76: {  	[tilespmem:s30], [sflag:$0x3] =	stream.linear.gather [hbm4b:s7+s2], $0x100, $0x38;
	[tilespmem:$0x1E500] =	vst v63  }
0x77: {  	_ =	swait.ge [sflag:s26], $0x100  }
0x78: {  	[sflag:s26] =	ssyncset.done $0x0  }
0x79: {  	s7 =	simm.s32 $0xFFFED000;
	[sflag:s26] =	ssyncadd.s32 $0xFFFFFF00  }
.LBB2_4:
0x7a: {  	[tilespmem:s31], [sflag:$0x2] =	stream.indirect.gather [hbm4b:s15+s28], $0x80, s30, s28, $0xb8;
	[tilespmem:$0x1E500] =	vst v63  }
0x7b: {  	s8 =	smov.u32 s7  }
0x7c: {  	p2 =	sne.s32 s7, $0xFFFFF800;
	s7 =	sadd.s32 $0x800, s7;
	_ =	swait.ge [sflag:s0], $0x4000  }
0x7d: {  	[sflag:s0] =	ssyncset.done $0x0  }
0x7e: {  	[sflag:s0] =	ssyncadd.s32 $0xFFFFC000  }
0x7f: {  	[spmem:s1] =	stream.indirect.scatter.add.f32 [tilespmem:s29], [sflag:$0x3], $0x80, s28, s28, $0xb8;
	[tilespmem:$0x1E500] =	vst v63  }
0x80: {  	_ =	swait.ge [sflag:s26], $0x4000  }
0x81: {  	s8 =	sadd.s32 s8, s16;
	[sflag:s26] =	ssyncset.done $0x0  }
0x82: {  	s9 =	sadd.s32 $0x14000, s8;
	[sflag:s26] =	ssyncadd.s32 $0xFFFFC000  }
0x83: {  	[tilespmem:s2], [sflag:$0x3] =	stream.linear.gather [hbm4b:s9+s2], $0x100, $0x38;
	[tilespmem:$0x1E500] =	vst v63  }
0x84: {  	_ =	swait.ge [sflag:s26], $0x100  }
0x85: {  	[sflag:s26] =	ssyncset.done $0x0  }
0x86: {  	[sflag:s26] =	ssyncadd.s32 $0xFFFFFF00  }
0x87: {  	[tilespmem:s29], [sflag:$0x1] =	stream.indirect.gather [hbm4b:s15+s28], $0x80, s2, s28, $0xb8;
	[tilespmem:$0x1E500] =	vst v63  }
0x88: {  	_ =	swait.ge [sflag:s4], $0x4000  }
0x89: {  	[sflag:s4] =	ssyncset.done $0x0  }
0x8a: {  	[sflag:s4] =	ssyncadd.s32 $0xFFFFC000  }
0x8b: {  	[spmem:s1] =	stream.indirect.scatter.add.f32 [tilespmem:s31], [sflag:$0x3], $0x80, s5, s28, $0xb8;
	[tilespmem:$0x1E500] =	vst v63  }
0x8c: {  	_ =	swait.ge [sflag:s26], $0x4000  }
0x8d: {  	[sflag:s26] =	ssyncset.done $0x0  }
.Ltmp1:
0x8e: {  	s8 =	sadd.s32 $0x14400, s8;
	[sflag:s26] =	ssyncadd.s32 $0xFFFFC000;
	(pc) =	sbr.rel @p2 .LBB2_4-.Ltmp1, $4  }
0x8f: {  	[tilespmem:s30], [sflag:$0x3] =	stream.linear.gather [hbm4b:s8+s2], $0x100, $0x38;
	[tilespmem:$0x1E500] =	vst v63  }
0x90: {  	_ =	swait.ge [sflag:s26], $0x100  }
0x91: {  	[sflag:s26] =	ssyncset.done $0x0  }
0x92: {  	[sflag:s26] =	ssyncadd.s32 $0xFFFFFF00  }
0x93: {  	[tilespmem:s31], [sflag:$0x2] =	stream.indirect.gather [hbm4b:s15+s28], $0x80, s30, s28, $0xb8;
	[tilespmem:$0x1E500] =	vst v63  }
0x94: {  	_ =	swait.ge [sflag:s0], $0x4000  }
0x95: {  	[sflag:s0] =	ssyncset.done $0x0  }
0x96: {  	[sflag:s0] =	ssyncadd.s32 $0xFFFFC000  }
0x97: {  	[spmem:s1] =	stream.indirect.scatter.add.f32 [tilespmem:s29], [sflag:$0x3], $0x80, s28, s28, $0xb8;
	[tilespmem:$0x1E500] =	vst v63  }
0x98: {  	_ =	swait.ge [sflag:s26], $0x4000  }
0x99: {  	[sflag:s26] =	ssyncset.done $0x0  }
0x9a: {  	[sflag:s26] =	ssyncadd.s32 $0xFFFFC000  }
0x9b: {  	_ =	swait.ge [sflag:s4], $0x4000  }
0x9c: {  	[sflag:s4] =	ssyncset.done $0x0  }
0x9d: {  	[sflag:s4] =	ssyncadd.s32 $0xFFFFC000  }
0x9e: {  	[spmem:s1] =	stream.indirect.scatter.add.f32 [tilespmem:s31], [sflag:$0x3], $0x80, s5, s28, $0xb8;
	[tilespmem:$0x1E500] =	vst v63  }
0x9f: {  	_ =	swait.ge [sflag:s26], $0x4000  }
0xa0: {  	[sflag:s26] =	ssyncset.done $0x0  }
0xa1: {  	s7 =	stileid.u32;
	[sflag:s26] =	ssyncadd.s32 $0xFFFFC000  }
0xa2: {  	s7 =	sshll.u32 s7, $0x6;
	[bflag:$0x0] =	sbarrier.arrive $0xFFFF  }
0xa3: {  	s8 =	sshrl.u32 s3, $0x3;
	s7 =	sor.u32 $0x1C03, s7;
	s9 =	rddreg [dreg:$0x4]  }
0xa4: {  	[hbm:s9], [sflag:s7] =	dma.local [spmem:s8], $0x500  }
0xa5: {  	_ =	swait.ge [sflag:s26], $0x500  }
0xa6: {  	[sflag:s26] =	ssyncset.done $0x0  }
0xa7: {  	s8 =	sshrl.u32 s19, $0x3;
	s9 =	rddreg [dreg:$0x5];
	[sflag:s26] =	ssyncadd.s32 $0xFFFFFB00  }
0xa8: {  	[hbm:s9], [sflag:s7] =	dma.local [spmem:s8], $0x500  }
0xa9: {  	_ =	swait.ge [sflag:s26], $0x500  }
0xaa: {  	[sflag:s26] =	ssyncset.done $0x0  }
0xab: {  	s8 =	sshrl.u32 s20, $0x3;
	s9 =	rddreg [dreg:$0x6];
	[sflag:s26] =	ssyncadd.s32 $0xFFFFFB00  }
0xac: {  	[hbm:s9], [sflag:s7] =	dma.local [spmem:s8], $0x500  }
0xad: {  	_ =	swait.ge [sflag:s26], $0x500  }
0xae: {  	[sflag:s26] =	ssyncset.done $0x0  }
0xaf: {  	s8 =	sshrl.u32 s21, $0x3;
	s9 =	rddreg [dreg:$0x7];
	[sflag:s26] =	ssyncadd.s32 $0xFFFFFB00  }
0xb0: {  	[hbm:s9], [sflag:s7] =	dma.local [spmem:s8], $0x500  }
0xb1: {  	_ =	swait.ge [sflag:s26], $0x500  }
0xb2: {  	[sflag:s26] =	ssyncset.done $0x0  }
0xb3: {  	s8 =	sshrl.u32 s22, $0x3;
	s9 =	rddreg [dreg:$0x8];
	[sflag:s26] =	ssyncadd.s32 $0xFFFFFB00  }
0xb4: {  	[hbm:s9], [sflag:s7] =	dma.local [spmem:s8], $0x500  }
0xb5: {  	_ =	swait.ge [sflag:s26], $0x500  }
0xb6: {  	[sflag:s26] =	ssyncset.done $0x0  }
0xb7: {  	s9 =	sshrl.u32 s23, $0x3;
	[sflag:s26] =	ssyncadd.s32 $0xFFFFFB00  }
0xb8: {  	[hbm:s10], [sflag:s7] =	dma.local [spmem:s9], $0x500  }
0xb9: {  	_ =	swait.ge [sflag:s26], $0x500  }
0xba: {  	[sflag:s26] =	ssyncset.done $0x0  }
0xbb: {  	s9 =	sshrl.u32 s24, $0x3;
	[sflag:s26] =	ssyncadd.s32 $0xFFFFFB00  }
0xbc: {  	[hbm:s12], [sflag:s7] =	dma.local [spmem:s9], $0x500  }
0xbd: {  	_ =	swait.ge [sflag:s26], $0x500  }
0xbe: {  	s6 =	sadd.s32 $0x1, s6;
	[sflag:s26] =	ssyncset.done $0x0  }
0xbf: {  	p2 =	sne.s32 s6, s18;
	s8 =	rddreg [dreg:$0x3];
	[sflag:s26] =	ssyncadd.s32 $0xFFFFFB00  }
0xc0: {  	[hbm:s8], [sflag:s7] =	dma.local @!p1 [spmem:s25], $0x500  }
.Ltmp2:
0xc1: {  	_ = 	snop;
	(pc) =	sbr.rel @p2 .LBB2_1-.Ltmp2, $4  }
0xc2: {  	s7 =	simm.s32 @!p1 $0x3  }
0xc3: {  	_ =	swait.ge @!p1 [sflag:s7], $0x500  }
0xc4: {  	[sflag:s7] =	ssyncset.done @!p1 $0x0  }
0xc5: {  	[sflag:s7] =	ssyncadd.s32 @!p1 $0xFFFFFB00  }
0xc6: {  	_ =	sfence.sel $0x180000  }
0xc7: {  	[bflag:$0x0] =	sbarrier.arrive $0xFFFF  }
0xc8: {  	_ =	strace $0x90000047  }
0xc9: {  	s0 =	stileid.u32;
	[bflag:$0x2] =	sbarrier.arrive $0xFFFF  }
0xca: {  	p0 =	sne.s32 s0, $0x0;
	s0 =	rddreg [dreg:$0x2]  }
0xcb: {  	s0 =	sadd.s32 @!p0 $0x100000, s0  }
0xcc: {  	[sflag:s0] =	ssyncadd.tile.s32 @!p0 $0x1;
	_ =	shalt  }
.Lfunc_end2:
_tile_overlayer_lowered:
.L_overlay_start_2:
0xcd: {  	(tag) =	ssettag $0x2  }
0xce: {  	s0 =	rddreg [dreg:$0x0];
	s2 =	stileid.u32  }
0xcf: {  	s1 =	rddreg [dreg:$0x1];
	p0 =	sne.s32 s2, $0x0  }
0xd0: {  	s3 =	rddreg [dreg:$0x2];
	[bflag:$0x3] =	sbarrier.arrive $0xFFFF;
	s2 =	simm.s32 @!p0 $0x1C03  }
0xd1: {  	[timem:s3], [sflag:s2] =	dma.local @!p0 [hbm:s0], s1  }
0xd2: {  	s0 =	simm.s32 @!p0 $0x3  }
0xd3: {  	_ =	swait.ge @!p0 [sflag:s0], s1  }
0xd4: {  	s1 =	ssub.s32 @!p0 $0x0, s1;
	[sflag:s0] =	ssyncset.done @!p0 $0x0  }
0xd5: {  	[sflag:s0] =	ssyncadd.s32 @!p0 s1  }
0xd6: {  	[bflag:$0x3] =	sbarrier.arrive $0xFFFF  }
0xd7: {  	_ =	shalt  }

</sc_bundles>
